<compile_context>
chip_gen: v7x
topology: tpu7x:2x2x1
jax: 0.10.2.dev20260603
libtpu: 0.0.44.dev20260713+nightly
codegen_flags: <defaults>
</compile_context>

<pallas_src>
import functools

import jax
import jax.numpy as jnp
from jax import lax
from jax.experimental import pallas as pl
from jax.experimental.pallas import tpu as pltpu
from jax.experimental.pallas import tpu_sc as plsc

_LOG1P_C = (
    -1.74140775e-02, 8.26912371e-02, -1.90354337e-01, 3.15747317e-01,
    -4.97373216e-01, 9.99847697e-01, 1.47206501e-06,
)


def _log1p_poly(w):
    acc = jnp.full_like(w, _LOG1P_C[0])
    for c in _LOG1P_C[1:]:
        acc = acc * w + jnp.float32(c)
    return acc


def _sc_conf(x0, x1, y):
    B, N = y.shape
    info = plsc.get_sparse_core_info()
    nw = info.num_cores * info.num_subcores
    rpw = B // nw
    assert B % nw == 0 and N % 32 == 0
    nchunks2 = N // 32
    nchunks = N // 16
    mesh = plsc.VectorSubcoreMesh(core_axis_name="c", subcore_axis_name="s")

    @functools.partial(
        pl.kernel,
        mesh=mesh,
        compiler_params=pltpu.CompilerParams(needs_layout_passes=False),
        out_type=jax.ShapeDtypeStruct((nw, 16), jnp.float32),
        scratch_types=[
            pltpu.VMEM((N,), jnp.float32),
            pltpu.VMEM((N,), jnp.float32),
            pltpu.VMEM((N,), jnp.float32),
            pltpu.VMEM((N,), jnp.float32),
            pltpu.VMEM((N,), jnp.int32),
            pltpu.VMEM((16,), jnp.float32),
            pltpu.SemaphoreType.DMA,
            pltpu.SemaphoreType.DMA,
        ],
    )
    def body(x0h, x1h, yh, outh, va0, vb0, va1, vb1, vy, vout, sem0, sem1):
        wid = lax.axis_index("s") * info.num_cores + lax.axis_index("c")
        lane = lax.broadcasted_iota(jnp.int32, (16,), 0)
        res = jnp.zeros((16,), jnp.float32)
        zf = jnp.zeros((16,), jnp.float32)
        abufs = (va0, va1)
        bbufs = (vb0, vb1)
        sems = (sem0, sem1)
        r0 = wid * rpw
        pend = (pltpu.async_copy(x0h.at[r0], va0, sem0),
                pltpu.async_copy(x1h.at[r0], vb0, sem0))
        for rl in range(rpw):
            va = abufs[rl % 2]
            vb = bbufs[rl % 2]
            pltpu.sync_copy(yh.at[r0 + rl], vy)
            for h in pend:
                h.wait()
            if rl + 1 < rpw:
                nb = (rl + 1) % 2
                pend = (
                    pltpu.async_copy(x0h.at[r0 + rl + 1], abufs[nb], sems[nb]),
                    pltpu.async_copy(x1h.at[r0 + rl + 1], bbufs[nb], sems[nb]))

            def main_it(i, carry):
                npv, cev = carry
                for q in range(2):
                    sl = pl.ds(i * 32 + q * 16, 16)
                    a0 = va[sl]
                    a1 = vb[sl]
                    yy = vy[sl]
                    t = a0 - a1
                    u = jnp.where(yy > 0, t, -t)
                    au = jnp.abs(t)
                    ru = jnp.maximum(u, jnp.float32(0.0))
                    ce = ru + _log1p_poly(jnp.exp(-au))
                    cev = cev + ce
                    npv = npv + jnp.where(
                        yy > 0, jnp.float32(1.0), jnp.float32(0.0))
                return npv, cev

            npv, cev = lax.fori_loop(0, nchunks2, main_it, (zf, zf))
            np_s = jnp.sum(npv)
            ce_s = jnp.sum(cev)
            k = jnp.minimum(jnp.float32(3.0) * np_s, jnp.float32(N - 1))
            j = jnp.float32(N) - k

            def tail_zero():
                return jnp.float32(0.0)

            def tail_bisect():
                def mk(i, acc):
                    for q in range(2):
                        sl = pl.ds(i * 32 + q * 16, 16)
                        a0 = va[sl]
                        a1 = vb[sl]
                        yy = vy[sl]
                        t = a0 - a1
                        u = jnp.where(yy > 0, t, -t)
                        au = jnp.abs(t)
                        ru = jnp.maximum(u, jnp.float32(0.0))
                        ce = ru + _log1p_poly(jnp.exp(-au))
                        va[sl] = jnp.where(yy > 0, jnp.float32(0.0), ce)
                    return acc

                lax.fori_loop(0, nchunks2, mk, jnp.int32(0))

                def bis(_, lohi):
                    lo, hi = lohi
                    mid = lo + (hi - lo) // 2

                    def cnt(i, acc):
                        kv = plsc.bitcast(va[pl.ds(i * 16, 16)], jnp.int32)
                        return acc + jnp.where(
                            kv < mid, jnp.float32(1.0), jnp.float32(0.0))

                    c = jnp.sum(lax.fori_loop(0, nchunks, cnt, zf))
                    take_hi = c < j
                    return (jnp.where(take_hi, mid, lo),
                            jnp.where(take_hi, hi, mid))

                lo, _ = lax.fori_loop(
                    0, 31, bis, (jnp.int32(0), jnp.int32(0x7F800001)))

                def fin(i, acc):
                    sb, cb = acc
                    mv = va[pl.ds(i * 16, 16)]
                    kv = plsc.bitcast(mv, jnp.int32)
                    ltm = kv < lo
                    sb = sb + jnp.where(ltm, mv, jnp.float32(0.0))
                    cb = cb + jnp.where(ltm, jnp.float32(1.0), jnp.float32(0.0))
                    return sb, cb

                sbv, cbv = lax.fori_loop(0, nchunks, fin, (zf, zf))
                vj = lax.bitcast_convert_type(lo, jnp.float32)
                return jnp.sum(sbv) + (j - jnp.sum(cbv)) * vj

            ss = lax.cond(j <= np_s, tail_zero, tail_bisect)
            contrib = ce_s - ss
            res = jnp.where(lane == rl, contrib, res)
            res = jnp.where(lane == rpw + rl, np_s, res)
        vout[...] = res
        pltpu.sync_copy(vout, outh.at[wid])

    return body(x0, x1, y)


def _sl1(x):
    ax = jnp.abs(x)
    return jnp.where(ax < 1.0, 0.5 * x * x, ax - 0.5)


def _tc_masked_sums(dlT, dmT, y):
    _, B, N = dlT.shape
    gb = B // 16
    grid = (gb,)

    def body(dl_ref, dm_ref, y_ref, ol_ref, om_ref):
        i = pl.program_id(0)
        posm = (y_ref[...] > 0).astype(jnp.float32)
        accl = jnp.zeros_like(posm)
        for d in range(4):
            accl = accl + _sl1(dl_ref[d].astype(jnp.float32))
        ol_ref[0, i] = jnp.sum(accl * posm)
        accm = jnp.zeros_like(posm)
        for d in range(10):
            accm = accm + _sl1(dm_ref[d].astype(jnp.float32))
        om_ref[0, i] = jnp.sum(accm * posm)

    return pl.pallas_call(
        body,
        grid=grid,
        in_specs=[
            pl.BlockSpec((4, 16, N), lambda i: (0, i, 0)),
            pl.BlockSpec((10, 16, N), lambda i: (0, i, 0)),
            pl.BlockSpec((16, N), lambda i: (i, 0)),
        ],
        out_specs=[
            pl.BlockSpec((1, gb), lambda i: (0, 0), memory_space=pltpu.SMEM),
            pl.BlockSpec((1, gb), lambda i: (0, 0), memory_space=pltpu.SMEM),
        ],
        out_shape=[
            jax.ShapeDtypeStruct((1, gb), jnp.float32),
            jax.ShapeDtypeStruct((1, gb), jnp.float32),
        ],
        compiler_params=pltpu.CompilerParams(
            dimension_semantics=("arbitrary",)),
    )(dlT, dmT, y)


def kernel(loc_preds, loc_targets, conf_preds, conf_targets,
           landmarks_preds, landmarks_targets):
    B, N = conf_targets.shape
    x0 = conf_preds[:, :, 0]
    x1 = conf_preds[:, :, 1]
    sc_out = _sc_conf(x0, x1, conf_targets)

    dlT = (jnp.moveaxis(loc_preds, 2, 0)
           - jnp.moveaxis(loc_targets, 2, 0)).astype(jnp.bfloat16)
    dmT = (jnp.moveaxis(landmarks_preds, 2, 0)
           - jnp.moveaxis(landmarks_targets, 2, 0)).astype(jnp.bfloat16)
    loc_p, lm_p = _tc_masked_sums(dlT, dmT, conf_targets)

    info = plsc.get_sparse_core_info()
    rpw = B // (info.num_cores * info.num_subcores)
    conf_sum = jnp.sum(sc_out[:, :rpw])
    num_matched = jnp.sum(sc_out[:, rpw:2 * rpw])
    return (jnp.sum(loc_p) + jnp.sum(lm_p) + conf_sum) / num_matched

# --- scband reference (transcript-rebuilt; emitter-appended) ---
"""Pipeline reference for scband-multi-box-loss-53145925320881 (READ-ONLY COPY).

The authoritative reference and input builder live on the scoring server;
editing this copy changes nothing except your own understanding.
"""

import jax, jax.numpy as jnp
import numpy as np

NUM_CLASSES = 2


def smooth_l1(x):
    ax = jnp.abs(x)
    return jnp.where(ax < 1.0, 0.5 * x * x, ax - 0.5)


def setup_inputs(seed: int = 0) -> dict:
    key = jax.random.key(seed)
    ks = jax.random.split(key, 6)
    B, N = 128, 21824
    return {
        "loc_preds": jax.random.normal(ks[0], (B, N, 4), dtype=jnp.float32),
        "loc_targets": jax.random.normal(ks[1], (B, N, 4), dtype=jnp.float32),
        "conf_preds": jax.random.normal(ks[2], (B, N, NUM_CLASSES), dtype=jnp.float32),
        "conf_targets": jax.random.randint(ks[3], (B, N), 0, 2).astype(jnp.int32),
        "landmarks_preds": jax.random.normal(ks[4], (B, N, 10), dtype=jnp.float32),
        "landmarks_targets": jax.random.normal(ks[5], (B, N, 10), dtype=jnp.float32),
    }


def reference(loc_preds, loc_targets, conf_preds, conf_targets, landmarks_preds, landmarks_targets):
    B, N = conf_targets.shape
    pos = conf_targets > 0
    num_pos = pos.sum(axis=1, keepdims=True)
    num_matched = num_pos.sum().astype(jnp.float32)
    posf = pos.astype(jnp.float32)

    # loc loss: smooth_l1 mean over positive rows (num_matched*4 elems), *4.0
    loc_loss = jnp.sum(smooth_l1(loc_preds - loc_targets) * posf[:, :, None]) / (num_matched * 4.0) * 4.0
    # landmarks loss: mean over positive rows (num_matched*10 elems), *10.0
    lm_loss = jnp.sum(smooth_l1(landmarks_preds - landmarks_targets) * posf[:, :, None]) / (num_matched * 10.0) * 10.0

    # hard negative mining on detached conf (log_sum_exp - gathered logit)
    x = jax.lax.stop_gradient(conf_preds.reshape(-1, NUM_CLASSES))
    y = conf_targets.reshape(-1)
    xmax = x.max()
    lse = jnp.log(jnp.sum(jnp.exp(x - xmax), axis=1)) + xmax
    mine = lse - jnp.take_along_axis(x, y[:, None].astype(jnp.int32), axis=1)[:, 0]
    mine = jnp.where(pos.reshape(-1), 0.0, mine).reshape(B, N)
    idx = jnp.argsort(-mine, axis=1)
    rank = jnp.argsort(idx, axis=1)
    num_neg = jnp.minimum(3 * num_pos, N - 1)
    neg = rank < num_neg

    # cross entropy (sum) over pos|neg rows, normalized by num_matched
    sel = (pos | neg).reshape(-1).astype(jnp.float32)
    logits = conf_preds.reshape(-1, NUM_CLASSES)
    row_lse = jax.scipy.special.logsumexp(logits, axis=1)
    row_ce = row_lse - jnp.take_along_axis(logits, y[:, None].astype(jnp.int32), axis=1)[:, 0]
    conf_loss = jnp.sum(row_ce * sel) / num_matched

    return loc_loss + conf_loss + lm_loss

if __name__ == "__main__":
    import jax
    _d = setup_inputs()
    print(jax.jit(kernel)(*tuple(_d.values())))

</pallas_src>

<mosaic_0001>
#map = affine_map<(d0, d1) -> (0, 0)>
module attributes {stable_mosaic.version = 14 : i64} {
  func.func @body(%arg0: i32, %arg1: i32, %arg2: memref<128x21824xf32, #tpu.memory_space<hbm>>, %arg3: memref<128x21824xf32, #tpu.memory_space<hbm>>, %arg4: memref<128x21824xi32, #tpu.memory_space<hbm>>, %arg5: memref<32x16xf32, #tpu.memory_space<hbm>>, %arg6: memref<21824xf32, #tpu.memory_space<vmem>>, %arg7: memref<21824xf32, #tpu.memory_space<vmem>>, %arg8: memref<21824xf32, #tpu.memory_space<vmem>>, %arg9: memref<21824xf32, #tpu.memory_space<vmem>>, %arg10: memref<21824xi32, #tpu.memory_space<vmem>>, %arg11: memref<16xf32, #tpu.memory_space<vmem>>, %arg12: memref<!tpu.dma_semaphore, #tpu.memory_space<semaphore_mem>>, %arg13: memref<!tpu.dma_semaphore, #tpu.memory_space<semaphore_mem>>) attributes {dimension_semantics = [#tpu.dimension_semantics<core_parallel>, #tpu.dimension_semantics<subcore_parallel>], iteration_bounds = array<i64: 2, 16>, scalar_prefetch = 0 : i64, scratch_operands = 8 : i64, tpu.core_type = #tpu.core_type<sc_vector_subcore>, window_params = [{transform_indices = #map}, {transform_indices = #map}, {transform_indices = #map}, {transform_indices = #map}]} {
    %mul3A = arith.constant 2 : i32
    %mul3A_0 = arith.muli %arg1, %mul3A : i32
    %add3A = arith.addi %mul3A_0, %arg0 : i32
    %iota3A = tpu.iota {dimensions = array<i32: 0>} : vector<16xi32>
    %broadcast_in_dim3A = arith.constant 0.000000e+00 : f32
    %broadcast_in_dim3A_1 = vector.broadcast %broadcast_in_dim3A : f32 to vector<16xf32>
    %broadcast_in_dim3A_2 = arith.constant 0.000000e+00 : f32
    %broadcast_in_dim3A_3 = vector.broadcast %broadcast_in_dim3A_2 : f32 to vector<16xf32>
    %mul3A_4 = arith.constant 4 : i32
    %mul3A_5 = arith.muli %add3A, %mul3A_4 : i32
    %dma_start3A = arith.constant 0 : i32
    %dma_start3A_6 = tpu.memref_slice %arg2[%mul3A_5, %dma_start3A] : memref<128x21824xf32, #tpu.memory_space<hbm>> -> memref<1x21824xf32, #tpu.memory_space<hbm>>
    %dma_start3A_7 = tpu.memref_squeeze %dma_start3A_6 : memref<1x21824xf32, #tpu.memory_space<hbm>> -> memref<21824xf32, #tpu.memory_space<hbm>>
    %dma_start3A_8 = arith.constant 0 : i32
    %dma_start3A_9 = tpu.memref_slice %arg2[%mul3A_5, %dma_start3A_8] : memref<128x21824xf32, #tpu.memory_space<hbm>> -> memref<1x21824xf32, #tpu.memory_space<hbm>>
    %dma_start3A_10 = tpu.memref_squeeze %dma_start3A_9 : memref<1x21824xf32, #tpu.memory_space<hbm>> -> memref<21824xf32, #tpu.memory_space<hbm>>
    tpu.enqueue_dma source(%dma_start3A_10 : memref<21824xf32, #tpu.memory_space<hbm>>) target(%arg6 : memref<21824xf32, #tpu.memory_space<vmem>>) target_semaphore(%arg12 : memref<!tpu.dma_semaphore, #tpu.memory_space<semaphore_mem>>)
    %dma_start3A_11 = arith.constant 0 : i32
    %dma_start3A_12 = tpu.memref_slice %arg3[%mul3A_5, %dma_start3A_11] : memref<128x21824xf32, #tpu.memory_space<hbm>> -> memref<1x21824xf32, #tpu.memory_space<hbm>>
    %dma_start3A_13 = tpu.memref_squeeze %dma_start3A_12 : memref<1x21824xf32, #tpu.memory_space<hbm>> -> memref<21824xf32, #tpu.memory_space<hbm>>
    %dma_start3A_14 = arith.constant 0 : i32
    %dma_start3A_15 = tpu.memref_slice %arg3[%mul3A_5, %dma_start3A_14] : memref<128x21824xf32, #tpu.memory_space<hbm>> -> memref<1x21824xf32, #tpu.memory_space<hbm>>
    %dma_start3A_16 = tpu.memref_squeeze %dma_start3A_15 : memref<1x21824xf32, #tpu.memory_space<hbm>> -> memref<21824xf32, #tpu.memory_space<hbm>>
    tpu.enqueue_dma source(%dma_start3A_16 : memref<21824xf32, #tpu.memory_space<hbm>>) target(%arg7 : memref<21824xf32, #tpu.memory_space<vmem>>) target_semaphore(%arg12 : memref<!tpu.dma_semaphore, #tpu.memory_space<semaphore_mem>>)
    %add3A_17 = arith.constant 0 : i32
    %add3A_18 = arith.addi %mul3A_5, %add3A_17 : i32
    "tpu.region"() ({
      %run_scoped3A = tpu.sem_alloc : memref<!tpu.dma_semaphore, #tpu.memory_space<semaphore_mem>>
      %dma_start3A_268 = arith.constant 0 : i32
      %dma_start3A_269 = tpu.memref_slice %arg4[%add3A_18, %dma_start3A_268] : memref<128x21824xi32, #tpu.memory_space<hbm>> -> memref<1x21824xi32, #tpu.memory_space<hbm>>
      %dma_start3A_270 = tpu.memref_squeeze %dma_start3A_269 : memref<1x21824xi32, #tpu.memory_space<hbm>> -> memref<21824xi32, #tpu.memory_space<hbm>>
      %dma_start3A_271 = arith.constant 0 : i32
      %dma_start3A_272 = tpu.memref_slice %arg4[%add3A_18, %dma_start3A_271] : memref<128x21824xi32, #tpu.memory_space<hbm>> -> memref<1x21824xi32, #tpu.memory_space<hbm>>
      %dma_start3A_273 = tpu.memref_squeeze %dma_start3A_272 : memref<1x21824xi32, #tpu.memory_space<hbm>> -> memref<21824xi32, #tpu.memory_space<hbm>>
      tpu.enqueue_dma source(%dma_start3A_273 : memref<21824xi32, #tpu.memory_space<hbm>>) target(%arg10 : memref<21824xi32, #tpu.memory_space<vmem>>) target_semaphore(%run_scoped3A : memref<!tpu.dma_semaphore, #tpu.memory_space<semaphore_mem>>)
      %dma_wait3A_274 = arith.constant 0 : i32
      %dma_wait3A_275 = tpu.memref_slice %arg4[%add3A_18, %dma_wait3A_274] : memref<128x21824xi32, #tpu.memory_space<hbm>> -> memref<1x21824xi32, #tpu.memory_space<hbm>>
      %dma_wait3A_276 = tpu.memref_squeeze %dma_wait3A_275 : memref<1x21824xi32, #tpu.memory_space<hbm>> -> memref<21824xi32, #tpu.memory_space<hbm>>
      %dma_wait3A_277 = arith.constant 0 : i32
      %dma_wait3A_278 = tpu.memref_slice %arg4[%add3A_18, %dma_wait3A_277] : memref<128x21824xi32, #tpu.memory_space<hbm>> -> memref<1x21824xi32, #tpu.memory_space<hbm>>
      %dma_wait3A_279 = tpu.memref_squeeze %dma_wait3A_278 : memref<1x21824xi32, #tpu.memory_space<hbm>> -> memref<21824xi32, #tpu.memory_space<hbm>>
      tpu.wait_dma2 semaphore(%run_scoped3A : memref<!tpu.dma_semaphore, #tpu.memory_space<semaphore_mem>>) src(%dma_wait3A_279 : memref<21824xi32, #tpu.memory_space<hbm>>) dst(%arg10 : memref<21824xi32, #tpu.memory_space<vmem>>)
      tpu.yield
    }) : () -> ()
    %dma_wait3A = arith.constant 0 : i32
    %dma_wait3A_19 = tpu.memref_slice %arg2[%mul3A_5, %dma_wait3A] : memref<128x21824xf32, #tpu.memory_space<hbm>> -> memref<1x21824xf32, #tpu.memory_space<hbm>>
    %dma_wait3A_20 = tpu.memref_squeeze %dma_wait3A_19 : memref<1x21824xf32, #tpu.memory_space<hbm>> -> memref<21824xf32, #tpu.memory_space<hbm>>
    %dma_wait3A_21 = arith.constant 0 : i32
    %dma_wait3A_22 = tpu.memref_slice %arg2[%mul3A_5, %dma_wait3A_21] : memref<128x21824xf32, #tpu.memory_space<hbm>> -> memref<1x21824xf32, #tpu.memory_space<hbm>>
    %dma_wait3A_23 = tpu.memref_squeeze %dma_wait3A_22 : memref<1x21824xf32, #tpu.memory_space<hbm>> -> memref<21824xf32, #tpu.memory_space<hbm>>
    tpu.wait_dma2 semaphore(%arg12 : memref<!tpu.dma_semaphore, #tpu.memory_space<semaphore_mem>>) src(%dma_wait3A_23 : memref<21824xf32, #tpu.memory_space<hbm>>) dst(%arg6 : memref<21824xf32, #tpu.memory_space<vmem>>)
    %dma_wait3A_24 = arith.constant 0 : i32
    %dma_wait3A_25 = tpu.memref_slice %arg3[%mul3A_5, %dma_wait3A_24] : memref<128x21824xf32, #tpu.memory_space<hbm>> -> memref<1x21824xf32, #tpu.memory_space<hbm>>
    %dma_wait3A_26 = tpu.memref_squeeze %dma_wait3A_25 : memref<1x21824xf32, #tpu.memory_space<hbm>> -> memref<21824xf32, #tpu.memory_space<hbm>>
    %dma_wait3A_27 = arith.constant 0 : i32
    %dma_wait3A_28 = tpu.memref_slice %arg3[%mul3A_5, %dma_wait3A_27] : memref<128x21824xf32, #tpu.memory_space<hbm>> -> memref<1x21824xf32, #tpu.memory_space<hbm>>
    %dma_wait3A_29 = tpu.memref_squeeze %dma_wait3A_28 : memref<1x21824xf32, #tpu.memory_space<hbm>> -> memref<21824xf32, #tpu.memory_space<hbm>>
    tpu.wait_dma2 semaphore(%arg12 : memref<!tpu.dma_semaphore, #tpu.memory_space<semaphore_mem>>) src(%dma_wait3A_29 : memref<21824xf32, #tpu.memory_space<hbm>>) dst(%arg7 : memref<21824xf32, #tpu.memory_space<vmem>>)
    %add3A_30 = arith.constant 0 : i32
    %add3A_31 = arith.addi %mul3A_5, %add3A_30 : i32
    %add3A_32 = arith.constant 1 : i32
    %add3A_33 = arith.addi %add3A_31, %add3A_32 : i32
    %dma_start3A_34 = arith.constant 0 : i32
    %dma_start3A_35 = tpu.memref_slice %arg2[%add3A_33, %dma_start3A_34] : memref<128x21824xf32, #tpu.memory_space<hbm>> -> memref<1x21824xf32, #tpu.memory_space<hbm>>
    %dma_start3A_36 = tpu.memref_squeeze %dma_start3A_35 : memref<1x21824xf32, #tpu.memory_space<hbm>> -> memref<21824xf32, #tpu.memory_space<hbm>>
    %dma_start3A_37 = arith.constant 0 : i32
    %dma_start3A_38 = tpu.memref_slice %arg2[%add3A_33, %dma_start3A_37] : memref<128x21824xf32, #tpu.memory_space<hbm>> -> memref<1x21824xf32, #tpu.memory_space<hbm>>
    %dma_start3A_39 = tpu.memref_squeeze %dma_start3A_38 : memref<1x21824xf32, #tpu.memory_space<hbm>> -> memref<21824xf32, #tpu.memory_space<hbm>>
    tpu.enqueue_dma source(%dma_start3A_39 : memref<21824xf32, #tpu.memory_space<hbm>>) target(%arg8 : memref<21824xf32, #tpu.memory_space<vmem>>) target_semaphore(%arg13 : memref<!tpu.dma_semaphore, #tpu.memory_space<semaphore_mem>>)
    %add3A_40 = arith.constant 0 : i32
    %add3A_41 = arith.addi %mul3A_5, %add3A_40 : i32
    %add3A_42 = arith.constant 1 : i32
    %add3A_43 = arith.addi %add3A_41, %add3A_42 : i32
    %dma_start3A_44 = arith.constant 0 : i32
    %dma_start3A_45 = tpu.memref_slice %arg3[%add3A_43, %dma_start3A_44] : memref<128x21824xf32, #tpu.memory_space<hbm>> -> memref<1x21824xf32, #tpu.memory_space<hbm>>
    %dma_start3A_46 = tpu.memref_squeeze %dma_start3A_45 : memref<1x21824xf32, #tpu.memory_space<hbm>> -> memref<21824xf32, #tpu.memory_space<hbm>>
    %dma_start3A_47 = arith.constant 0 : i32
    %dma_start3A_48 = tpu.memref_slice %arg3[%add3A_43, %dma_start3A_47] : memref<128x21824xf32, #tpu.memory_space<hbm>> -> memref<1x21824xf32, #tpu.memory_space<hbm>>
    %dma_start3A_49 = tpu.memref_squeeze %dma_start3A_48 : memref<1x21824xf32, #tpu.memory_space<hbm>> -> memref<21824xf32, #tpu.memory_space<hbm>>
    tpu.enqueue_dma source(%dma_start3A_49 : memref<21824xf32, #tpu.memory_space<hbm>>) target(%arg9 : memref<21824xf32, #tpu.memory_space<vmem>>) target_semaphore(%arg13 : memref<!tpu.dma_semaphore, #tpu.memory_space<semaphore_mem>>)
    %scan3A = arith.constant 0 : i32
    %scan3A_50 = arith.constant 682 : i32
    %scan3A_51 = arith.addi %scan3A, %scan3A_50 : i32
    %scan3A_52 = arith.constant 1 : i32
    %scan3A_53:2 = scf.for %scan3A_268 = %scan3A to %scan3A_51 step %scan3A_52 iter_args(%scan3A_269 = %broadcast_in_dim3A_3, %scan3A_270 = %broadcast_in_dim3A_3) -> (vector<16xf32>, vector<16xf32>)  : i32 {
      %mul3A_271 = arith.constant 32 : i32
      %mul3A_272 = arith.muli %scan3A_268, %mul3A_271 : i32
      %add3A_273 = arith.constant 0 : i32
      %add3A_274 = arith.addi %mul3A_272, %add3A_273 : i32
      %get3A = arith.index_cast %add3A_274 : i32 to index
      %get3A_275 = tpu.vector_load %arg6[%get3A] {strides = array<i32>} : memref<21824xf32, #tpu.memory_space<vmem>>, vector<16xf32>,
      %get3A_276 = arith.index_cast %add3A_274 : i32 to index
      %get3A_277 = tpu.vector_load %arg7[%get3A_276] {strides = array<i32>} : memref<21824xf32, #tpu.memory_space<vmem>>, vector<16xf32>,
      %get3A_278 = arith.index_cast %add3A_274 : i32 to index
      %get3A_279 = tpu.vector_load %arg10[%get3A_278] {strides = array<i32>} : memref<21824xi32, #tpu.memory_space<vmem>>, vector<16xi32>,
      %sub3A_280 = arith.subf %get3A_275, %get3A_277 : vector<16xf32>
      %gt3A = arith.constant 0 : i32
      %gt3A_281 = vector.broadcast %gt3A : i32 to vector<16xi32>
      %gt3A_282 = arith.cmpi sgt, %get3A_279, %gt3A_281 : vector<16xi32>
      %neg3A = arith.constant 0.000000e+00 : f32
      %neg3A_283 = vector.broadcast %neg3A : f32 to vector<16xf32>
      %neg3A_284 = arith.subf %neg3A_283, %sub3A_280 : vector<16xf32>
      %select_n3A_285 = arith.select %gt3A_282, %sub3A_280, %neg3A_284 : vector<16xi1>, vector<16xf32>
      %abs3A = math.absf %sub3A_280 : vector<16xf32>
      %max3A = arith.constant 0.000000e+00 : f32
      %max3A_286 = vector.broadcast %max3A : f32 to vector<16xf32>
      %max3A_287 = arith.maximumf %select_n3A_285, %max3A_286 : vector<16xf32>
      %neg3A_288 = arith.constant 0.000000e+00 : f32
      %neg3A_289 = vector.broadcast %neg3A_288 : f32 to vector<16xf32>
      %neg3A_290 = arith.subf %neg3A_289, %abs3A : vector<16xf32>
      %exp3A = math.exp %neg3A_290 : vector<16xf32>
      %broadcast_in_dim3A_291 = arith.constant -0.0174140781 : f32
      %broadcast_in_dim3A_292 = vector.broadcast %broadcast_in_dim3A_291 : f32 to vector<16xf32>
      %mul3A_293 = arith.mulf %broadcast_in_dim3A_292, %exp3A : vector<16xf32>
      %add3A_294 = arith.constant 0.0826912373 : f32
      %add3A_295 = vector.broadcast %add3A_294 : f32 to vector<16xf32>
      %add3A_296 = arith.addf %mul3A_293, %add3A_295 : vector<16xf32>
      %mul3A_297 = arith.mulf %add3A_296, %exp3A : vector<16xf32>
      %add3A_298 = arith.constant -0.190354332 : f32
      %add3A_299 = vector.broadcast %add3A_298 : f32 to vector<16xf32>
      %add3A_300 = arith.addf %mul3A_297, %add3A_299 : vector<16xf32>
      %mul3A_301 = arith.mulf %add3A_300, %exp3A : vector<16xf32>
      %add3A_302 = arith.constant 0.315747321 : f32
      %add3A_303 = vector.broadcast %add3A_302 : f32 to vector<16xf32>
      %add3A_304 = arith.addf %mul3A_301, %add3A_303 : vector<16xf32>
      %mul3A_305 = arith.mulf %add3A_304, %exp3A : vector<16xf32>
      %add3A_306 = arith.constant -0.497373223 : f32
      %add3A_307 = vector.broadcast %add3A_306 : f32 to vector<16xf32>
      %add3A_308 = arith.addf %mul3A_305, %add3A_307 : vector<16xf32>
      %mul3A_309 = arith.mulf %add3A_308, %exp3A : vector<16xf32>
      %add3A_310 = arith.constant 0.99984771 : f32
      %add3A_311 = vector.broadcast %add3A_310 : f32 to vector<16xf32>
      %add3A_312 = arith.addf %mul3A_309, %add3A_311 : vector<16xf32>
      %mul3A_313 = arith.mulf %add3A_312, %exp3A : vector<16xf32>
      %add3A_314 = arith.constant 1.47206504E-6 : f32
      %add3A_315 = vector.broadcast %add3A_314 : f32 to vector<16xf32>
      %add3A_316 = arith.addf %mul3A_313, %add3A_315 : vector<16xf32>
      %add3A_317 = arith.addf %max3A_287, %add3A_316 : vector<16xf32>
      %add3A_318 = arith.addf %scan3A_270, %add3A_317 : vector<16xf32>
      %gt3A_319 = arith.constant 0 : i32
      %gt3A_320 = vector.broadcast %gt3A_319 : i32 to vector<16xi32>
      %gt3A_321 = arith.cmpi sgt, %get3A_279, %gt3A_320 : vector<16xi32>
      %jit3A = arith.constant 1.000000e+00 : f32
      %jit3A_322 = arith.constant 0.000000e+00 : f32
      %broadcast_in_dim3A_323 = vector.broadcast %jit3A : f32 to vector<16xf32>
      %broadcast_in_dim3A_324 = vector.broadcast %jit3A_322 : f32 to vector<16xf32>
      %select_n3A_325 = arith.select %gt3A_321, %broadcast_in_dim3A_323, %broadcast_in_dim3A_324 : vector<16xi1>, vector<16xf32>
      %add3A_326 = arith.addf %scan3A_269, %select_n3A_325 : vector<16xf32>
      %mul3A_327 = arith.constant 32 : i32
      %mul3A_328 = arith.muli %scan3A_268, %mul3A_327 : i32
      %add3A_329 = arith.constant 16 : i32
      %add3A_330 = arith.addi %mul3A_328, %add3A_329 : i32
      %get3A_331 = arith.index_cast %add3A_330 : i32 to index
      %get3A_332 = tpu.vector_load %arg6[%get3A_331] {strides = array<i32>} : memref<21824xf32, #tpu.memory_space<vmem>>, vector<16xf32>,
      %get3A_333 = arith.index_cast %add3A_330 : i32 to index
      %get3A_334 = tpu.vector_load %arg7[%get3A_333] {strides = array<i32>} : memref<21824xf32, #tpu.memory_space<vmem>>, vector<16xf32>,
      %get3A_335 = arith.index_cast %add3A_330 : i32 to index
      %get3A_336 = tpu.vector_load %arg10[%get3A_335] {strides = array<i32>} : memref<21824xi32, #tpu.memory_space<vmem>>, vector<16xi32>,
      %sub3A_337 = arith.subf %get3A_332, %get3A_334 : vector<16xf32>
      %gt3A_338 = arith.constant 0 : i32
      %gt3A_339 = vector.broadcast %gt3A_338 : i32 to vector<16xi32>
      %gt3A_340 = arith.cmpi sgt, %get3A_336, %gt3A_339 : vector<16xi32>
      %neg3A_341 = arith.constant 0.000000e+00 : f32
      %neg3A_342 = vector.broadcast %neg3A_341 : f32 to vector<16xf32>
      %neg3A_343 = arith.subf %neg3A_342, %sub3A_337 : vector<16xf32>
      %select_n3A_344 = arith.select %gt3A_340, %sub3A_337, %neg3A_343 : vector<16xi1>, vector<16xf32>
      %abs3A_345 = math.absf %sub3A_337 : vector<16xf32>
      %max3A_346 = arith.constant 0.000000e+00 : f32
      %max3A_347 = vector.broadcast %max3A_346 : f32 to vector<16xf32>
      %max3A_348 = arith.maximumf %select_n3A_344, %max3A_347 : vector<16xf32>
      %neg3A_349 = arith.constant 0.000000e+00 : f32
      %neg3A_350 = vector.broadcast %neg3A_349 : f32 to vector<16xf32>
      %neg3A_351 = arith.subf %neg3A_350, %abs3A_345 : vector<16xf32>
      %exp3A_352 = math.exp %neg3A_351 : vector<16xf32>
      %broadcast_in_dim3A_353 = arith.constant -0.0174140781 : f32
      %broadcast_in_dim3A_354 = vector.broadcast %broadcast_in_dim3A_353 : f32 to vector<16xf32>
      %mul3A_355 = arith.mulf %broadcast_in_dim3A_354, %exp3A_352 : vector<16xf32>
      %add3A_356 = arith.constant 0.0826912373 : f32
      %add3A_357 = vector.broadcast %add3A_356 : f32 to vector<16xf32>
      %add3A_358 = arith.addf %mul3A_355, %add3A_357 : vector<16xf32>
      %mul3A_359 = arith.mulf %add3A_358, %exp3A_352 : vector<16xf32>
      %add3A_360 = arith.constant -0.190354332 : f32
      %add3A_361 = vector.broadcast %add3A_360 : f32 to vector<16xf32>
      %add3A_362 = arith.addf %mul3A_359, %add3A_361 : vector<16xf32>
      %mul3A_363 = arith.mulf %add3A_362, %exp3A_352 : vector<16xf32>
      %add3A_364 = arith.constant 0.315747321 : f32
      %add3A_365 = vector.broadcast %add3A_364 : f32 to vector<16xf32>
      %add3A_366 = arith.addf %mul3A_363, %add3A_365 : vector<16xf32>
      %mul3A_367 = arith.mulf %add3A_366, %exp3A_352 : vector<16xf32>
      %add3A_368 = arith.constant -0.497373223 : f32
      %add3A_369 = vector.broadcast %add3A_368 : f32 to vector<16xf32>
      %add3A_370 = arith.addf %mul3A_367, %add3A_369 : vector<16xf32>
      %mul3A_371 = arith.mulf %add3A_370, %exp3A_352 : vector<16xf32>
      %add3A_372 = arith.constant 0.99984771 : f32
      %add3A_373 = vector.broadcast %add3A_372 : f32 to vector<16xf32>
      %add3A_374 = arith.addf %mul3A_371, %add3A_373 : vector<16xf32>
      %mul3A_375 = arith.mulf %add3A_374, %exp3A_352 : vector<16xf32>
      %add3A_376 = arith.constant 1.47206504E-6 : f32
      %add3A_377 = vector.broadcast %add3A_376 : f32 to vector<16xf32>
      %add3A_378 = arith.addf %mul3A_375, %add3A_377 : vector<16xf32>
      %add3A_379 = arith.addf %max3A_348, %add3A_378 : vector<16xf32>
      %add3A_380 = arith.addf %add3A_318, %add3A_379 : vector<16xf32>
      %gt3A_381 = arith.constant 0 : i32
      %gt3A_382 = vector.broadcast %gt3A_381 : i32 to vector<16xi32>
      %gt3A_383 = arith.cmpi sgt, %get3A_336, %gt3A_382 : vector<16xi32>
      %jit3A_384 = arith.constant 1.000000e+00 : f32
      %jit3A_385 = arith.constant 0.000000e+00 : f32
      %broadcast_in_dim3A_386 = vector.broadcast %jit3A_384 : f32 to vector<16xf32>
      %broadcast_in_dim3A_387 = vector.broadcast %jit3A_385 : f32 to vector<16xf32>
      %select_n3A_388 = arith.select %gt3A_383, %broadcast_in_dim3A_386, %broadcast_in_dim3A_387 : vector<16xi1>, vector<16xf32>
      %add3A_389 = arith.addf %add3A_326, %select_n3A_388 : vector<16xf32>
      scf.yield %add3A_389, %add3A_380 : vector<16xf32>, vector<16xf32>
    }
    %scan3A_54 = arith.constant 682 : i32
    %reduce_sum3A = arith.constant true
    %reduce_sum3A_55 = vector.broadcast %reduce_sum3A : i1 to vector<16xi1>
    %reduce_sum3A_56 = tpu.scan <sum>, %scan3A_53#0 masked %reduce_sum3A_55 : vector<16xf32>, vector<16xi1> -> vector<16xf32>
    %reduce_sum3A_57 = vector.extract %reduce_sum3A_56[15] : f32 from vector<16xf32>
    %reduce_sum3A_58 = arith.constant true
    %reduce_sum3A_59 = vector.broadcast %reduce_sum3A_58 : i1 to vector<16xi1>
    %reduce_sum3A_60 = tpu.scan <sum>, %scan3A_53#1 masked %reduce_sum3A_59 : vector<16xf32>, vector<16xi1> -> vector<16xf32>
    %reduce_sum3A_61 = vector.extract %reduce_sum3A_60[15] : f32 from vector<16xf32>
    %mul3A_62 = arith.constant 3.000000e+00 : f32
    %mul3A_63 = arith.mulf %mul3A_62, %reduce_sum3A_57 : f32
    %min3A = arith.constant 2.182300e+04 : f32
    %min3A_64 = arith.minimumf %mul3A_63, %min3A : f32
    %sub3A = arith.constant 2.182400e+04 : f32
    %sub3A_65 = arith.subf %sub3A, %min3A_64 : f32
    %le3A = arith.cmpf ole, %sub3A_65, %reduce_sum3A_57 : f32
    %convert_element_type3A = arith.extui %le3A : i1 to i32
    %cond3A = arith.constant 0 : i32
    %cond3A_66 = arith.cmpi ne, %convert_element_type3A, %cond3A : i32
    %cond3A_67 = scf.if %cond3A_66 -> (f32) {
      %cond3A_268 = arith.constant 0.000000e+00 : f32
      scf.yield %cond3A_268 : f32
    } else {
      %scan3A_268 = arith.constant 0 : i32
      %scan3A_269 = arith.constant 0 : i32
      %scan3A_270 = arith.constant 682 : i32
      %scan3A_271 = arith.addi %scan3A_269, %scan3A_270 : i32
      %scan3A_272 = arith.constant 1 : i32
      scf.for %scan3A_299 = %scan3A_269 to %scan3A_271 step %scan3A_272  : i32 {
        %mul3A_300 = arith.constant 32 : i32
        %mul3A_301 = arith.muli %scan3A_299, %mul3A_300 : i32
        %add3A_302 = arith.constant 0 : i32
        %add3A_303 = arith.addi %mul3A_301, %add3A_302 : i32
        %get3A = arith.index_cast %add3A_303 : i32 to index
        %get3A_304 = tpu.vector_load %arg6[%get3A] {strides = array<i32>} : memref<21824xf32, #tpu.memory_space<vmem>>, vector<16xf32>,
        %get3A_305 = arith.index_cast %add3A_303 : i32 to index
        %get3A_306 = tpu.vector_load %arg7[%get3A_305] {strides = array<i32>} : memref<21824xf32, #tpu.memory_space<vmem>>, vector<16xf32>,
        %get3A_307 = arith.index_cast %add3A_303 : i32 to index
        %get3A_308 = tpu.vector_load %arg10[%get3A_307] {strides = array<i32>} : memref<21824xi32, #tpu.memory_space<vmem>>, vector<16xi32>,
        %sub3A_309 = arith.subf %get3A_304, %get3A_306 : vector<16xf32>
        %gt3A = arith.constant 0 : i32
        %gt3A_310 = vector.broadcast %gt3A : i32 to vector<16xi32>
        %gt3A_311 = arith.cmpi sgt, %get3A_308, %gt3A_310 : vector<16xi32>
        %neg3A = arith.constant 0.000000e+00 : f32
        %neg3A_312 = vector.broadcast %neg3A : f32 to vector<16xf32>
        %neg3A_313 = arith.subf %neg3A_312, %sub3A_309 : vector<16xf32>
        %select_n3A_314 = arith.select %gt3A_311, %sub3A_309, %neg3A_313 : vector<16xi1>, vector<16xf32>
        %abs3A = math.absf %sub3A_309 : vector<16xf32>
        %max3A = arith.constant 0.000000e+00 : f32
        %max3A_315 = vector.broadcast %max3A : f32 to vector<16xf32>
        %max3A_316 = arith.maximumf %select_n3A_314, %max3A_315 : vector<16xf32>
        %neg3A_317 = arith.constant 0.000000e+00 : f32
        %neg3A_318 = vector.broadcast %neg3A_317 : f32 to vector<16xf32>
        %neg3A_319 = arith.subf %neg3A_318, %abs3A : vector<16xf32>
        %exp3A = math.exp %neg3A_319 : vector<16xf32>
        %broadcast_in_dim3A_320 = arith.constant -0.0174140781 : f32
        %broadcast_in_dim3A_321 = vector.broadcast %broadcast_in_dim3A_320 : f32 to vector<16xf32>
        %mul3A_322 = arith.mulf %broadcast_in_dim3A_321, %exp3A : vector<16xf32>
        %add3A_323 = arith.constant 0.0826912373 : f32
        %add3A_324 = vector.broadcast %add3A_323 : f32 to vector<16xf32>
        %add3A_325 = arith.addf %mul3A_322, %add3A_324 : vector<16xf32>
        %mul3A_326 = arith.mulf %add3A_325, %exp3A : vector<16xf32>
        %add3A_327 = arith.constant -0.190354332 : f32
        %add3A_328 = vector.broadcast %add3A_327 : f32 to vector<16xf32>
        %add3A_329 = arith.addf %mul3A_326, %add3A_328 : vector<16xf32>
        %mul3A_330 = arith.mulf %add3A_329, %exp3A : vector<16xf32>
        %add3A_331 = arith.constant 0.315747321 : f32
        %add3A_332 = vector.broadcast %add3A_331 : f32 to vector<16xf32>
        %add3A_333 = arith.addf %mul3A_330, %add3A_332 : vector<16xf32>
        %mul3A_334 = arith.mulf %add3A_333, %exp3A : vector<16xf32>
        %add3A_335 = arith.constant -0.497373223 : f32
        %add3A_336 = vector.broadcast %add3A_335 : f32 to vector<16xf32>
        %add3A_337 = arith.addf %mul3A_334, %add3A_336 : vector<16xf32>
        %mul3A_338 = arith.mulf %add3A_337, %exp3A : vector<16xf32>
        %add3A_339 = arith.constant 0.99984771 : f32
        %add3A_340 = vector.broadcast %add3A_339 : f32 to vector<16xf32>
        %add3A_341 = arith.addf %mul3A_338, %add3A_340 : vector<16xf32>
        %mul3A_342 = arith.mulf %add3A_341, %exp3A : vector<16xf32>
        %add3A_343 = arith.constant 1.47206504E-6 : f32
        %add3A_344 = vector.broadcast %add3A_343 : f32 to vector<16xf32>
        %add3A_345 = arith.addf %mul3A_342, %add3A_344 : vector<16xf32>
        %add3A_346 = arith.addf %max3A_316, %add3A_345 : vector<16xf32>
        %gt3A_347 = arith.constant 0 : i32
        %gt3A_348 = vector.broadcast %gt3A_347 : i32 to vector<16xi32>
        %gt3A_349 = arith.cmpi sgt, %get3A_308, %gt3A_348 : vector<16xi32>
        %jit3A = arith.constant 0.000000e+00 : f32
        %broadcast_in_dim3A_350 = vector.broadcast %jit3A : f32 to vector<16xf32>
        %select_n3A_351 = arith.select %gt3A_349, %broadcast_in_dim3A_350, %add3A_346 : vector<16xi1>, vector<16xf32>
        %swap3A_352 = arith.index_cast %add3A_303 : i32 to index
        %swap3A_353 = tpu.vector_load %arg6[%swap3A_352] {strides = array<i32>} : memref<21824xf32, #tpu.memory_space<vmem>>, vector<16xf32>,
        tpu.vector_store %arg6[%swap3A_352], %select_n3A_351 {strides = array<i32>} : memref<21824xf32, #tpu.memory_space<vmem>>, vector<16xf32>,
        %mul3A_354 = arith.constant 32 : i32
        %mul3A_355 = arith.muli %scan3A_299, %mul3A_354 : i32
        %add3A_356 = arith.constant 16 : i32
        %add3A_357 = arith.addi %mul3A_355, %add3A_356 : i32
        %get3A_358 = arith.index_cast %add3A_357 : i32 to index
        %get3A_359 = tpu.vector_load %arg6[%get3A_358] {strides = array<i32>} : memref<21824xf32, #tpu.memory_space<vmem>>, vector<16xf32>,
        %get3A_360 = arith.index_cast %add3A_357 : i32 to index
        %get3A_361 = tpu.vector_load %arg7[%get3A_360] {strides = array<i32>} : memref<21824xf32, #tpu.memory_space<vmem>>, vector<16xf32>,
        %get3A_362 = arith.index_cast %add3A_357 : i32 to index
        %get3A_363 = tpu.vector_load %arg10[%get3A_362] {strides = array<i32>} : memref<21824xi32, #tpu.memory_space<vmem>>, vector<16xi32>,
        %sub3A_364 = arith.subf %get3A_359, %get3A_361 : vector<16xf32>
        %gt3A_365 = arith.constant 0 : i32
        %gt3A_366 = vector.broadcast %gt3A_365 : i32 to vector<16xi32>
        %gt3A_367 = arith.cmpi sgt, %get3A_363, %gt3A_366 : vector<16xi32>
        %neg3A_368 = arith.constant 0.000000e+00 : f32
        %neg3A_369 = vector.broadcast %neg3A_368 : f32 to vector<16xf32>
        %neg3A_370 = arith.subf %neg3A_369, %sub3A_364 : vector<16xf32>
        %select_n3A_371 = arith.select %gt3A_367, %sub3A_364, %neg3A_370 : vector<16xi1>, vector<16xf32>
        %abs3A_372 = math.absf %sub3A_364 : vector<16xf32>
        %max3A_373 = arith.constant 0.000000e+00 : f32
        %max3A_374 = vector.broadcast %max3A_373 : f32 to vector<16xf32>
        %max3A_375 = arith.maximumf %select_n3A_371, %max3A_374 : vector<16xf32>
        %neg3A_376 = arith.constant 0.000000e+00 : f32
        %neg3A_377 = vector.broadcast %neg3A_376 : f32 to vector<16xf32>
        %neg3A_378 = arith.subf %neg3A_377, %abs3A_372 : vector<16xf32>
        %exp3A_379 = math.exp %neg3A_378 : vector<16xf32>
        %broadcast_in_dim3A_380 = arith.constant -0.0174140781 : f32
        %broadcast_in_dim3A_381 = vector.broadcast %broadcast_in_dim3A_380 : f32 to vector<16xf32>
        %mul3A_382 = arith.mulf %broadcast_in_dim3A_381, %exp3A_379 : vector<16xf32>
        %add3A_383 = arith.constant 0.0826912373 : f32
        %add3A_384 = vector.broadcast %add3A_383 : f32 to vector<16xf32>
        %add3A_385 = arith.addf %mul3A_382, %add3A_384 : vector<16xf32>
        %mul3A_386 = arith.mulf %add3A_385, %exp3A_379 : vector<16xf32>
        %add3A_387 = arith.constant -0.190354332 : f32
        %add3A_388 = vector.broadcast %add3A_387 : f32 to vector<16xf32>
        %add3A_389 = arith.addf %mul3A_386, %add3A_388 : vector<16xf32>
        %mul3A_390 = arith.mulf %add3A_389, %exp3A_379 : vector<16xf32>
        %add3A_391 = arith.constant 0.315747321 : f32
        %add3A_392 = vector.broadcast %add3A_391 : f32 to vector<16xf32>
        %add3A_393 = arith.addf %mul3A_390, %add3A_392 : vector<16xf32>
        %mul3A_394 = arith.mulf %add3A_393, %exp3A_379 : vector<16xf32>
        %add3A_395 = arith.constant -0.497373223 : f32
        %add3A_396 = vector.broadcast %add3A_395 : f32 to vector<16xf32>
        %add3A_397 = arith.addf %mul3A_394, %add3A_396 : vector<16xf32>
        %mul3A_398 = arith.mulf %add3A_397, %exp3A_379 : vector<16xf32>
        %add3A_399 = arith.constant 0.99984771 : f32
        %add3A_400 = vector.broadcast %add3A_399 : f32 to vector<16xf32>
        %add3A_401 = arith.addf %mul3A_398, %add3A_400 : vector<16xf32>
        %mul3A_402 = arith.mulf %add3A_401, %exp3A_379 : vector<16xf32>
        %add3A_403 = arith.constant 1.47206504E-6 : f32
        %add3A_404 = vector.broadcast %add3A_403 : f32 to vector<16xf32>
        %add3A_405 = arith.addf %mul3A_402, %add3A_404 : vector<16xf32>
        %add3A_406 = arith.addf %max3A_375, %add3A_405 : vector<16xf32>
        %gt3A_407 = arith.constant 0 : i32
        %gt3A_408 = vector.broadcast %gt3A_407 : i32 to vector<16xi32>
        %gt3A_409 = arith.cmpi sgt, %get3A_363, %gt3A_408 : vector<16xi32>
        %jit3A_410 = arith.constant 0.000000e+00 : f32
        %broadcast_in_dim3A_411 = vector.broadcast %jit3A_410 : f32 to vector<16xf32>
        %select_n3A_412 = arith.select %gt3A_409, %broadcast_in_dim3A_411, %add3A_406 : vector<16xi1>, vector<16xf32>
        %swap3A_413 = arith.index_cast %add3A_357 : i32 to index
        %swap3A_414 = tpu.vector_load %arg6[%swap3A_413] {strides = array<i32>} : memref<21824xf32, #tpu.memory_space<vmem>>, vector<16xf32>,
        tpu.vector_store %arg6[%swap3A_413], %select_n3A_412 {strides = array<i32>} : memref<21824xf32, #tpu.memory_space<vmem>>, vector<16xf32>,
      }
      %scan3A_273 = arith.constant 682 : i32
      %scan3A_274 = arith.constant 0 : i32
      %scan3A_275 = arith.constant 2139095041 : i32
      %scan3A_276 = arith.constant 0 : i32
      %scan3A_277 = arith.constant 31 : i32
      %scan3A_278 = arith.addi %scan3A_276, %scan3A_277 : i32
      %scan3A_279 = arith.constant 1 : i32
      %scan3A_280:2 = scf.for %scan3A_299 = %scan3A_276 to %scan3A_278 step %scan3A_279 iter_args(%scan3A_300 = %scan3A_274, %scan3A_301 = %scan3A_275) -> (i32, i32)  : i32 {
        %sub3A_302 = arith.subi %scan3A_301, %scan3A_300 : i32
        %jit3A = arith.constant 2 : i32
        %div3A = arith.divsi %sub3A_302, %jit3A : i32
        %sign3A = arith.constant 0 : i32
        %sign3A_303 = arith.cmpi sgt, %sub3A_302, %sign3A : i32
        %sign3A_304 = arith.extui %sign3A_303 : i1 to i32
        %sign3A_305 = arith.constant 0 : i32
        %sign3A_306 = arith.cmpi slt, %sub3A_302, %sign3A_305 : i32
        %sign3A_307 = arith.extui %sign3A_306 : i1 to i32
        %sign3A_308 = arith.subi %sign3A_304, %sign3A_307 : i32
        %sign3A_309 = arith.constant 0 : i32
        %sign3A_310 = arith.cmpi sgt, %jit3A, %sign3A_309 : i32
        %sign3A_311 = arith.extui %sign3A_310 : i1 to i32
        %sign3A_312 = arith.constant 0 : i32
        %sign3A_313 = arith.cmpi slt, %jit3A, %sign3A_312 : i32
        %sign3A_314 = arith.extui %sign3A_313 : i1 to i32
        %sign3A_315 = arith.subi %sign3A_311, %sign3A_314 : i32
        %ne3A = arith.cmpi ne, %sign3A_308, %sign3A_315 : i32
        %rem3A = arith.remsi %sub3A_302, %jit3A : i32
        %ne3A_316 = arith.constant 0 : i32
        %ne3A_317 = arith.cmpi ne, %rem3A, %ne3A_316 : i32
        %and3A = arith.andi %ne3A, %ne3A_317 : i1
        %sub3A_318 = arith.constant 1 : i32
        %sub3A_319 = arith.subi %div3A, %sub3A_318 : i32
        %select_n3A_320 = arith.select %and3A, %sub3A_319, %div3A : i32
        %add3A_321 = arith.addi %scan3A_300, %select_n3A_320 : i32
        %scan3A_322 = arith.constant 0 : i32
        %scan3A_323 = arith.constant 1364 : i32
        %scan3A_324 = arith.addi %scan3A_322, %scan3A_323 : i32
        %scan3A_325 = arith.constant 1 : i32
        %scan3A_326 = scf.for %scan3A_334 = %scan3A_322 to %scan3A_324 step %scan3A_325 iter_args(%scan3A_335 = %broadcast_in_dim3A_3) -> (vector<16xf32>)  : i32 {
          %mul3A_336 = arith.constant 16 : i32
          %mul3A_337 = arith.muli %scan3A_334, %mul3A_336 : i32
          %get3A = arith.index_cast %mul3A_337 : i32 to index
          %get3A_338 = tpu.vector_load %arg6[%get3A] {strides = array<i32>} : memref<21824xf32, #tpu.memory_space<vmem>>, vector<16xf32>,
          %bitcast3A = vector.bitcast %get3A_338 : vector<16xf32> to vector<16xi32>
          %lt3A_339 = vector.broadcast %add3A_321 : i32 to vector<16xi32>
          %lt3A_340 = arith.cmpi slt, %bitcast3A, %lt3A_339 : vector<16xi32>
          %jit3A_341 = arith.constant 1.000000e+00 : f32
          %jit3A_342 = arith.constant 0.000000e+00 : f32
          %broadcast_in_dim3A_343 = vector.broadcast %jit3A_341 : f32 to vector<16xf32>
          %broadcast_in_dim3A_344 = vector.broadcast %jit3A_342 : f32 to vector<16xf32>
          %select_n3A_345 = arith.select %lt3A_340, %broadcast_in_dim3A_343, %broadcast_in_dim3A_344 : vector<16xi1>, vector<16xf32>
          %add3A_346 = arith.addf %scan3A_335, %select_n3A_345 : vector<16xf32>
          scf.yield %add3A_346 : vector<16xf32>
        }
        %scan3A_327 = arith.constant 1364 : i32
        %reduce_sum3A_328 = arith.constant true
        %reduce_sum3A_329 = vector.broadcast %reduce_sum3A_328 : i1 to vector<16xi1>
        %reduce_sum3A_330 = tpu.scan <sum>, %scan3A_326 masked %reduce_sum3A_329 : vector<16xf32>, vector<16xi1> -> vector<16xf32>
        %reduce_sum3A_331 = vector.extract %reduce_sum3A_330[15] : f32 from vector<16xf32>
        %lt3A = arith.cmpf olt, %reduce_sum3A_331, %sub3A_65 : f32
        %select_n3A_332 = arith.select %lt3A, %add3A_321, %scan3A_300 : i32
        %select_n3A_333 = arith.select %lt3A, %scan3A_301, %add3A_321 : i32
        scf.yield %select_n3A_332, %select_n3A_333 : i32, i32
      }
      %scan3A_281 = arith.constant 31 : i32
      %scan3A_282 = arith.constant 0 : i32
      %scan3A_283 = arith.constant 1364 : i32
      %scan3A_284 = arith.addi %scan3A_282, %scan3A_283 : i32
      %scan3A_285 = arith.constant 1 : i32
      %scan3A_286:2 = scf.for %scan3A_299 = %scan3A_282 to %scan3A_284 step %scan3A_285 iter_args(%scan3A_300 = %broadcast_in_dim3A_3, %scan3A_301 = %broadcast_in_dim3A_3) -> (vector<16xf32>, vector<16xf32>)  : i32 {
        %mul3A_302 = arith.constant 16 : i32
        %mul3A_303 = arith.muli %scan3A_299, %mul3A_302 : i32
        %get3A = arith.index_cast %mul3A_303 : i32 to index
        %get3A_304 = tpu.vector_load %arg6[%get3A] {strides = array<i32>} : memref<21824xf32, #tpu.memory_space<vmem>>, vector<16xf32>,
        %bitcast3A = vector.bitcast %get3A_304 : vector<16xf32> to vector<16xi32>
        %lt3A = vector.broadcast %scan3A_280#0 : i32 to vector<16xi32>
        %lt3A_305 = arith.cmpi slt, %bitcast3A, %lt3A : vector<16xi32>
        %jit3A = arith.constant 0.000000e+00 : f32
        %broadcast_in_dim3A_306 = vector.broadcast %jit3A : f32 to vector<16xf32>
        %select_n3A_307 = arith.select %lt3A_305, %get3A_304, %broadcast_in_dim3A_306 : vector<16xi1>, vector<16xf32>
        %add3A_308 = arith.addf %scan3A_300, %select_n3A_307 : vector<16xf32>
        %jit3A_309 = arith.constant 1.000000e+00 : f32
        %jit3A_310 = arith.constant 0.000000e+00 : f32
        %broadcast_in_dim3A_311 = vector.broadcast %jit3A_309 : f32 to vector<16xf32>
        %broadcast_in_dim3A_312 = vector.broadcast %jit3A_310 : f32 to vector<16xf32>
        %select_n3A_313 = arith.select %lt3A_305, %broadcast_in_dim3A_311, %broadcast_in_dim3A_312 : vector<16xi1>, vector<16xf32>
        %add3A_314 = arith.addf %scan3A_301, %select_n3A_313 : vector<16xf32>
        scf.yield %add3A_308, %add3A_314 : vector<16xf32>, vector<16xf32>
      }
      %scan3A_287 = arith.constant 1364 : i32
      %bitcast_convert_type3A = arith.bitcast %scan3A_280#0 : i32 to f32
      %reduce_sum3A_288 = arith.constant true
      %reduce_sum3A_289 = vector.broadcast %reduce_sum3A_288 : i1 to vector<16xi1>
      %reduce_sum3A_290 = tpu.scan <sum>, %scan3A_286#0 masked %reduce_sum3A_289 : vector<16xf32>, vector<16xi1> -> vector<16xf32>
      %reduce_sum3A_291 = vector.extract %reduce_sum3A_290[15] : f32 from vector<16xf32>
      %reduce_sum3A_292 = arith.constant true
      %reduce_sum3A_293 = vector.broadcast %reduce_sum3A_292 : i1 to vector<16xi1>
      %reduce_sum3A_294 = tpu.scan <sum>, %scan3A_286#1 masked %reduce_sum3A_293 : vector<16xf32>, vector<16xi1> -> vector<16xf32>
      %reduce_sum3A_295 = vector.extract %reduce_sum3A_294[15] : f32 from vector<16xf32>
      %sub3A_296 = arith.subf %sub3A_65, %reduce_sum3A_295 : f32
      %mul3A_297 = arith.mulf %sub3A_296, %bitcast_convert_type3A : f32
      %add3A_298 = arith.addf %reduce_sum3A_291, %mul3A_297 : f32
      scf.yield %add3A_298 : f32
    }
    %sub3A_68 = arith.subf %reduce_sum3A_61, %cond3A_67 : f32
    %eq3A = arith.constant 0 : i32
    %eq3A_69 = vector.broadcast %eq3A : i32 to vector<16xi32>
    %eq3A_70 = arith.cmpi eq, %iota3A, %eq3A_69 : vector<16xi32>
    %broadcast_in_dim3A_71 = vector.broadcast %sub3A_68 : f32 to vector<16xf32>
    %select_n3A = arith.select %eq3A_70, %broadcast_in_dim3A_71, %broadcast_in_dim3A_1 : vector<16xi1>, vector<16xf32>
    %eq3A_72 = arith.constant 4 : i32
    %eq3A_73 = vector.broadcast %eq3A_72 : i32 to vector<16xi32>
    %eq3A_74 = arith.cmpi eq, %iota3A, %eq3A_73 : vector<16xi32>
    %broadcast_in_dim3A_75 = vector.broadcast %reduce_sum3A_57 : f32 to vector<16xf32>
    %select_n3A_76 = arith.select %eq3A_74, %broadcast_in_dim3A_75, %select_n3A : vector<16xi1>, vector<16xf32>
    %add3A_77 = arith.constant 1 : i32
    %add3A_78 = arith.addi %mul3A_5, %add3A_77 : i32
    "tpu.region"() ({
      %run_scoped3A = tpu.sem_alloc : memref<!tpu.dma_semaphore, #tpu.memory_space<semaphore_mem>>
      %dma_start3A_268 = arith.constant 0 : i32
      %dma_start3A_269 = tpu.memref_slice %arg4[%add3A_78, %dma_start3A_268] : memref<128x21824xi32, #tpu.memory_space<hbm>> -> memref<1x21824xi32, #tpu.memory_space<hbm>>
      %dma_start3A_270 = tpu.memref_squeeze %dma_start3A_269 : memref<1x21824xi32, #tpu.memory_space<hbm>> -> memref<21824xi32, #tpu.memory_space<hbm>>
      %dma_start3A_271 = arith.constant 0 : i32
      %dma_start3A_272 = tpu.memref_slice %arg4[%add3A_78, %dma_start3A_271] : memref<128x21824xi32, #tpu.memory_space<hbm>> -> memref<1x21824xi32, #tpu.memory_space<hbm>>
      %dma_start3A_273 = tpu.memref_squeeze %dma_start3A_272 : memref<1x21824xi32, #tpu.memory_space<hbm>> -> memref<21824xi32, #tpu.memory_space<hbm>>
      tpu.enqueue_dma source(%dma_start3A_273 : memref<21824xi32, #tpu.memory_space<hbm>>) target(%arg10 : memref<21824xi32, #tpu.memory_space<vmem>>) target_semaphore(%run_scoped3A : memref<!tpu.dma_semaphore, #tpu.memory_space<semaphore_mem>>)
      %dma_wait3A_274 = arith.constant 0 : i32
      %dma_wait3A_275 = tpu.memref_slice %arg4[%add3A_78, %dma_wait3A_274] : memref<128x21824xi32, #tpu.memory_space<hbm>> -> memref<1x21824xi32, #tpu.memory_space<hbm>>
      %dma_wait3A_276 = tpu.memref_squeeze %dma_wait3A_275 : memref<1x21824xi32, #tpu.memory_space<hbm>> -> memref<21824xi32, #tpu.memory_space<hbm>>
      %dma_wait3A_277 = arith.constant 0 : i32
      %dma_wait3A_278 = tpu.memref_slice %arg4[%add3A_78, %dma_wait3A_277] : memref<128x21824xi32, #tpu.memory_space<hbm>> -> memref<1x21824xi32, #tpu.memory_space<hbm>>
      %dma_wait3A_279 = tpu.memref_squeeze %dma_wait3A_278 : memref<1x21824xi32, #tpu.memory_space<hbm>> -> memref<21824xi32, #tpu.memory_space<hbm>>
      tpu.wait_dma2 semaphore(%run_scoped3A : memref<!tpu.dma_semaphore, #tpu.memory_space<semaphore_mem>>) src(%dma_wait3A_279 : memref<21824xi32, #tpu.memory_space<hbm>>) dst(%arg10 : memref<21824xi32, #tpu.memory_space<vmem>>)
      tpu.yield
    }) : () -> ()
    %dma_wait3A_79 = arith.constant 0 : i32
    %dma_wait3A_80 = tpu.memref_slice %arg2[%add3A_33, %dma_wait3A_79] : memref<128x21824xf32, #tpu.memory_space<hbm>> -> memref<1x21824xf32, #tpu.memory_space<hbm>>
    %dma_wait3A_81 = tpu.memref_squeeze %dma_wait3A_80 : memref<1x21824xf32, #tpu.memory_space<hbm>> -> memref<21824xf32, #tpu.memory_space<hbm>>
    %dma_wait3A_82 = arith.constant 0 : i32
    %dma_wait3A_83 = tpu.memref_slice %arg2[%add3A_33, %dma_wait3A_82] : memref<128x21824xf32, #tpu.memory_space<hbm>> -> memref<1x21824xf32, #tpu.memory_space<hbm>>
    %dma_wait3A_84 = tpu.memref_squeeze %dma_wait3A_83 : memref<1x21824xf32, #tpu.memory_space<hbm>> -> memref<21824xf32, #tpu.memory_space<hbm>>
    tpu.wait_dma2 semaphore(%arg13 : memref<!tpu.dma_semaphore, #tpu.memory_space<semaphore_mem>>) src(%dma_wait3A_84 : memref<21824xf32, #tpu.memory_space<hbm>>) dst(%arg8 : memref<21824xf32, #tpu.memory_space<vmem>>)
    %dma_wait3A_85 = arith.constant 0 : i32
    %dma_wait3A_86 = tpu.memref_slice %arg3[%add3A_43, %dma_wait3A_85] : memref<128x21824xf32, #tpu.memory_space<hbm>> -> memref<1x21824xf32, #tpu.memory_space<hbm>>
    %dma_wait3A_87 = tpu.memref_squeeze %dma_wait3A_86 : memref<1x21824xf32, #tpu.memory_space<hbm>> -> memref<21824xf32, #tpu.memory_space<hbm>>
    %dma_wait3A_88 = arith.constant 0 : i32
    %dma_wait3A_89 = tpu.memref_slice %arg3[%add3A_43, %dma_wait3A_88] : memref<128x21824xf32, #tpu.memory_space<hbm>> -> memref<1x21824xf32, #tpu.memory_space<hbm>>
    %dma_wait3A_90 = tpu.memref_squeeze %dma_wait3A_89 : memref<1x21824xf32, #tpu.memory_space<hbm>> -> memref<21824xf32, #tpu.memory_space<hbm>>
    tpu.wait_dma2 semaphore(%arg13 : memref<!tpu.dma_semaphore, #tpu.memory_space<semaphore_mem>>) src(%dma_wait3A_90 : memref<21824xf32, #tpu.memory_space<hbm>>) dst(%arg9 : memref<21824xf32, #tpu.memory_space<vmem>>)
    %add3A_91 = arith.constant 1 : i32
    %add3A_92 = arith.addi %mul3A_5, %add3A_91 : i32
    %add3A_93 = arith.constant 1 : i32
    %add3A_94 = arith.addi %add3A_92, %add3A_93 : i32
    %dma_start3A_95 = arith.constant 0 : i32
    %dma_start3A_96 = tpu.memref_slice %arg2[%add3A_94, %dma_start3A_95] : memref<128x21824xf32, #tpu.memory_space<hbm>> -> memref<1x21824xf32, #tpu.memory_space<hbm>>
    %dma_start3A_97 = tpu.memref_squeeze %dma_start3A_96 : memref<1x21824xf32, #tpu.memory_space<hbm>> -> memref<21824xf32, #tpu.memory_space<hbm>>
    %dma_start3A_98 = arith.constant 0 : i32
    %dma_start3A_99 = tpu.memref_slice %arg2[%add3A_94, %dma_start3A_98] : memref<128x21824xf32, #tpu.memory_space<hbm>> -> memref<1x21824xf32, #tpu.memory_space<hbm>>
    %dma_start3A_100 = tpu.memref_squeeze %dma_start3A_99 : memref<1x21824xf32, #tpu.memory_space<hbm>> -> memref<21824xf32, #tpu.memory_space<hbm>>
    tpu.enqueue_dma source(%dma_start3A_100 : memref<21824xf32, #tpu.memory_space<hbm>>) target(%arg6 : memref<21824xf32, #tpu.memory_space<vmem>>) target_semaphore(%arg12 : memref<!tpu.dma_semaphore, #tpu.memory_space<semaphore_mem>>)
    %add3A_101 = arith.constant 1 : i32
    %add3A_102 = arith.addi %mul3A_5, %add3A_101 : i32
    %add3A_103 = arith.constant 1 : i32
    %add3A_104 = arith.addi %add3A_102, %add3A_103 : i32
    %dma_start3A_105 = arith.constant 0 : i32
    %dma_start3A_106 = tpu.memref_slice %arg3[%add3A_104, %dma_start3A_105] : memref<128x21824xf32, #tpu.memory_space<hbm>> -> memref<1x21824xf32, #tpu.memory_space<hbm>>
    %dma_start3A_107 = tpu.memref_squeeze %dma_start3A_106 : memref<1x21824xf32, #tpu.memory_space<hbm>> -> memref<21824xf32, #tpu.memory_space<hbm>>
    %dma_start3A_108 = arith.constant 0 : i32
    %dma_start3A_109 = tpu.memref_slice %arg3[%add3A_104, %dma_start3A_108] : memref<128x21824xf32, #tpu.memory_space<hbm>> -> memref<1x21824xf32, #tpu.memory_space<hbm>>
    %dma_start3A_110 = tpu.memref_squeeze %dma_start3A_109 : memref<1x21824xf32, #tpu.memory_space<hbm>> -> memref<21824xf32, #tpu.memory_space<hbm>>
    tpu.enqueue_dma source(%dma_start3A_110 : memref<21824xf32, #tpu.memory_space<hbm>>) target(%arg7 : memref<21824xf32, #tpu.memory_space<vmem>>) target_semaphore(%arg12 : memref<!tpu.dma_semaphore, #tpu.memory_space<semaphore_mem>>)
    %scan3A_111 = arith.constant 0 : i32
    %scan3A_112 = arith.constant 682 : i32
    %scan3A_113 = arith.addi %scan3A_111, %scan3A_112 : i32
    %scan3A_114 = arith.constant 1 : i32
    %scan3A_115:2 = scf.for %scan3A_268 = %scan3A_111 to %scan3A_113 step %scan3A_114 iter_args(%scan3A_269 = %broadcast_in_dim3A_3, %scan3A_270 = %broadcast_in_dim3A_3) -> (vector<16xf32>, vector<16xf32>)  : i32 {
      %mul3A_271 = arith.constant 32 : i32
      %mul3A_272 = arith.muli %scan3A_268, %mul3A_271 : i32
      %add3A_273 = arith.constant 0 : i32
      %add3A_274 = arith.addi %mul3A_272, %add3A_273 : i32
      %get3A = arith.index_cast %add3A_274 : i32 to index
      %get3A_275 = tpu.vector_load %arg8[%get3A] {strides = array<i32>} : memref<21824xf32, #tpu.memory_space<vmem>>, vector<16xf32>,
      %get3A_276 = arith.index_cast %add3A_274 : i32 to index
      %get3A_277 = tpu.vector_load %arg9[%get3A_276] {strides = array<i32>} : memref<21824xf32, #tpu.memory_space<vmem>>, vector<16xf32>,
      %get3A_278 = arith.index_cast %add3A_274 : i32 to index
      %get3A_279 = tpu.vector_load %arg10[%get3A_278] {strides = array<i32>} : memref<21824xi32, #tpu.memory_space<vmem>>, vector<16xi32>,
      %sub3A_280 = arith.subf %get3A_275, %get3A_277 : vector<16xf32>
      %gt3A = arith.constant 0 : i32
      %gt3A_281 = vector.broadcast %gt3A : i32 to vector<16xi32>
      %gt3A_282 = arith.cmpi sgt, %get3A_279, %gt3A_281 : vector<16xi32>
      %neg3A = arith.constant 0.000000e+00 : f32
      %neg3A_283 = vector.broadcast %neg3A : f32 to vector<16xf32>
      %neg3A_284 = arith.subf %neg3A_283, %sub3A_280 : vector<16xf32>
      %select_n3A_285 = arith.select %gt3A_282, %sub3A_280, %neg3A_284 : vector<16xi1>, vector<16xf32>
      %abs3A = math.absf %sub3A_280 : vector<16xf32>
      %max3A = arith.constant 0.000000e+00 : f32
      %max3A_286 = vector.broadcast %max3A : f32 to vector<16xf32>
      %max3A_287 = arith.maximumf %select_n3A_285, %max3A_286 : vector<16xf32>
      %neg3A_288 = arith.constant 0.000000e+00 : f32
      %neg3A_289 = vector.broadcast %neg3A_288 : f32 to vector<16xf32>
      %neg3A_290 = arith.subf %neg3A_289, %abs3A : vector<16xf32>
      %exp3A = math.exp %neg3A_290 : vector<16xf32>
      %broadcast_in_dim3A_291 = arith.constant -0.0174140781 : f32
      %broadcast_in_dim3A_292 = vector.broadcast %broadcast_in_dim3A_291 : f32 to vector<16xf32>
      %mul3A_293 = arith.mulf %broadcast_in_dim3A_292, %exp3A : vector<16xf32>
      %add3A_294 = arith.constant 0.0826912373 : f32
      %add3A_295 = vector.broadcast %add3A_294 : f32 to vector<16xf32>
      %add3A_296 = arith.addf %mul3A_293, %add3A_295 : vector<16xf32>
      %mul3A_297 = arith.mulf %add3A_296, %exp3A : vector<16xf32>
      %add3A_298 = arith.constant -0.190354332 : f32
      %add3A_299 = vector.broadcast %add3A_298 : f32 to vector<16xf32>
      %add3A_300 = arith.addf %mul3A_297, %add3A_299 : vector<16xf32>
      %mul3A_301 = arith.mulf %add3A_300, %exp3A : vector<16xf32>
      %add3A_302 = arith.constant 0.315747321 : f32
      %add3A_303 = vector.broadcast %add3A_302 : f32 to vector<16xf32>
      %add3A_304 = arith.addf %mul3A_301, %add3A_303 : vector<16xf32>
      %mul3A_305 = arith.mulf %add3A_304, %exp3A : vector<16xf32>
      %add3A_306 = arith.constant -0.497373223 : f32
      %add3A_307 = vector.broadcast %add3A_306 : f32 to vector<16xf32>
      %add3A_308 = arith.addf %mul3A_305, %add3A_307 : vector<16xf32>
      %mul3A_309 = arith.mulf %add3A_308, %exp3A : vector<16xf32>
      %add3A_310 = arith.constant 0.99984771 : f32
      %add3A_311 = vector.broadcast %add3A_310 : f32 to vector<16xf32>
      %add3A_312 = arith.addf %mul3A_309, %add3A_311 : vector<16xf32>
      %mul3A_313 = arith.mulf %add3A_312, %exp3A : vector<16xf32>
      %add3A_314 = arith.constant 1.47206504E-6 : f32
      %add3A_315 = vector.broadcast %add3A_314 : f32 to vector<16xf32>
      %add3A_316 = arith.addf %mul3A_313, %add3A_315 : vector<16xf32>
      %add3A_317 = arith.addf %max3A_287, %add3A_316 : vector<16xf32>
      %add3A_318 = arith.addf %scan3A_270, %add3A_317 : vector<16xf32>
      %gt3A_319 = arith.constant 0 : i32
      %gt3A_320 = vector.broadcast %gt3A_319 : i32 to vector<16xi32>
      %gt3A_321 = arith.cmpi sgt, %get3A_279, %gt3A_320 : vector<16xi32>
      %jit3A = arith.constant 1.000000e+00 : f32
      %jit3A_322 = arith.constant 0.000000e+00 : f32
      %broadcast_in_dim3A_323 = vector.broadcast %jit3A : f32 to vector<16xf32>
      %broadcast_in_dim3A_324 = vector.broadcast %jit3A_322 : f32 to vector<16xf32>
      %select_n3A_325 = arith.select %gt3A_321, %broadcast_in_dim3A_323, %broadcast_in_dim3A_324 : vector<16xi1>, vector<16xf32>
      %add3A_326 = arith.addf %scan3A_269, %select_n3A_325 : vector<16xf32>
      %mul3A_327 = arith.constant 32 : i32
      %mul3A_328 = arith.muli %scan3A_268, %mul3A_327 : i32
      %add3A_329 = arith.constant 16 : i32
      %add3A_330 = arith.addi %mul3A_328, %add3A_329 : i32
      %get3A_331 = arith.index_cast %add3A_330 : i32 to index
      %get3A_332 = tpu.vector_load %arg8[%get3A_331] {strides = array<i32>} : memref<21824xf32, #tpu.memory_space<vmem>>, vector<16xf32>,
      %get3A_333 = arith.index_cast %add3A_330 : i32 to index
      %get3A_334 = tpu.vector_load %arg9[%get3A_333] {strides = array<i32>} : memref<21824xf32, #tpu.memory_space<vmem>>, vector<16xf32>,
      %get3A_335 = arith.index_cast %add3A_330 : i32 to index
      %get3A_336 = tpu.vector_load %arg10[%get3A_335] {strides = array<i32>} : memref<21824xi32, #tpu.memory_space<vmem>>, vector<16xi32>,
      %sub3A_337 = arith.subf %get3A_332, %get3A_334 : vector<16xf32>
      %gt3A_338 = arith.constant 0 : i32
      %gt3A_339 = vector.broadcast %gt3A_338 : i32 to vector<16xi32>
      %gt3A_340 = arith.cmpi sgt, %get3A_336, %gt3A_339 : vector<16xi32>
      %neg3A_341 = arith.constant 0.000000e+00 : f32
      %neg3A_342 = vector.broadcast %neg3A_341 : f32 to vector<16xf32>
      %neg3A_343 = arith.subf %neg3A_342, %sub3A_337 : vector<16xf32>
      %select_n3A_344 = arith.select %gt3A_340, %sub3A_337, %neg3A_343 : vector<16xi1>, vector<16xf32>
      %abs3A_345 = math.absf %sub3A_337 : vector<16xf32>
      %max3A_346 = arith.constant 0.000000e+00 : f32
      %max3A_347 = vector.broadcast %max3A_346 : f32 to vector<16xf32>
      %max3A_348 = arith.maximumf %select_n3A_344, %max3A_347 : vector<16xf32>
      %neg3A_349 = arith.constant 0.000000e+00 : f32
      %neg3A_350 = vector.broadcast %neg3A_349 : f32 to vector<16xf32>
      %neg3A_351 = arith.subf %neg3A_350, %abs3A_345 : vector<16xf32>
      %exp3A_352 = math.exp %neg3A_351 : vector<16xf32>
      %broadcast_in_dim3A_353 = arith.constant -0.0174140781 : f32
      %broadcast_in_dim3A_354 = vector.broadcast %broadcast_in_dim3A_353 : f32 to vector<16xf32>
      %mul3A_355 = arith.mulf %broadcast_in_dim3A_354, %exp3A_352 : vector<16xf32>
      %add3A_356 = arith.constant 0.0826912373 : f32
      %add3A_357 = vector.broadcast %add3A_356 : f32 to vector<16xf32>
      %add3A_358 = arith.addf %mul3A_355, %add3A_357 : vector<16xf32>
      %mul3A_359 = arith.mulf %add3A_358, %exp3A_352 : vector<16xf32>
      %add3A_360 = arith.constant -0.190354332 : f32
      %add3A_361 = vector.broadcast %add3A_360 : f32 to vector<16xf32>
      %add3A_362 = arith.addf %mul3A_359, %add3A_361 : vector<16xf32>
      %mul3A_363 = arith.mulf %add3A_362, %exp3A_352 : vector<16xf32>
      %add3A_364 = arith.constant 0.315747321 : f32
      %add3A_365 = vector.broadcast %add3A_364 : f32 to vector<16xf32>
      %add3A_366 = arith.addf %mul3A_363, %add3A_365 : vector<16xf32>
      %mul3A_367 = arith.mulf %add3A_366, %exp3A_352 : vector<16xf32>
      %add3A_368 = arith.constant -0.497373223 : f32
      %add3A_369 = vector.broadcast %add3A_368 : f32 to vector<16xf32>
      %add3A_370 = arith.addf %mul3A_367, %add3A_369 : vector<16xf32>
      %mul3A_371 = arith.mulf %add3A_370, %exp3A_352 : vector<16xf32>
      %add3A_372 = arith.constant 0.99984771 : f32
      %add3A_373 = vector.broadcast %add3A_372 : f32 to vector<16xf32>
      %add3A_374 = arith.addf %mul3A_371, %add3A_373 : vector<16xf32>
      %mul3A_375 = arith.mulf %add3A_374, %exp3A_352 : vector<16xf32>
      %add3A_376 = arith.constant 1.47206504E-6 : f32
      %add3A_377 = vector.broadcast %add3A_376 : f32 to vector<16xf32>
      %add3A_378 = arith.addf %mul3A_375, %add3A_377 : vector<16xf32>
      %add3A_379 = arith.addf %max3A_348, %add3A_378 : vector<16xf32>
      %add3A_380 = arith.addf %add3A_318, %add3A_379 : vector<16xf32>
      %gt3A_381 = arith.constant 0 : i32
      %gt3A_382 = vector.broadcast %gt3A_381 : i32 to vector<16xi32>
      %gt3A_383 = arith.cmpi sgt, %get3A_336, %gt3A_382 : vector<16xi32>
      %jit3A_384 = arith.constant 1.000000e+00 : f32
      %jit3A_385 = arith.constant 0.000000e+00 : f32
      %broadcast_in_dim3A_386 = vector.broadcast %jit3A_384 : f32 to vector<16xf32>
      %broadcast_in_dim3A_387 = vector.broadcast %jit3A_385 : f32 to vector<16xf32>
      %select_n3A_388 = arith.select %gt3A_383, %broadcast_in_dim3A_386, %broadcast_in_dim3A_387 : vector<16xi1>, vector<16xf32>
      %add3A_389 = arith.addf %add3A_326, %select_n3A_388 : vector<16xf32>
      scf.yield %add3A_389, %add3A_380 : vector<16xf32>, vector<16xf32>
    }
    %scan3A_116 = arith.constant 682 : i32
    %reduce_sum3A_117 = arith.constant true
    %reduce_sum3A_118 = vector.broadcast %reduce_sum3A_117 : i1 to vector<16xi1>
    %reduce_sum3A_119 = tpu.scan <sum>, %scan3A_115#0 masked %reduce_sum3A_118 : vector<16xf32>, vector<16xi1> -> vector<16xf32>
    %reduce_sum3A_120 = vector.extract %reduce_sum3A_119[15] : f32 from vector<16xf32>
    %reduce_sum3A_121 = arith.constant true
    %reduce_sum3A_122 = vector.broadcast %reduce_sum3A_121 : i1 to vector<16xi1>
    %reduce_sum3A_123 = tpu.scan <sum>, %scan3A_115#1 masked %reduce_sum3A_122 : vector<16xf32>, vector<16xi1> -> vector<16xf32>
    %reduce_sum3A_124 = vector.extract %reduce_sum3A_123[15] : f32 from vector<16xf32>
    %mul3A_125 = arith.constant 3.000000e+00 : f32
    %mul3A_126 = arith.mulf %mul3A_125, %reduce_sum3A_120 : f32
    %min3A_127 = arith.constant 2.182300e+04 : f32
    %min3A_128 = arith.minimumf %mul3A_126, %min3A_127 : f32
    %sub3A_129 = arith.constant 2.182400e+04 : f32
    %sub3A_130 = arith.subf %sub3A_129, %min3A_128 : f32
    %le3A_131 = arith.cmpf ole, %sub3A_130, %reduce_sum3A_120 : f32
    %convert_element_type3A_132 = arith.extui %le3A_131 : i1 to i32
    %cond3A_133 = arith.constant 0 : i32
    %cond3A_134 = arith.cmpi ne, %convert_element_type3A_132, %cond3A_133 : i32
    %cond3A_135 = scf.if %cond3A_134 -> (f32) {
      %cond3A_268 = arith.constant 0.000000e+00 : f32
      scf.yield %cond3A_268 : f32
    } else {
      %scan3A_268 = arith.constant 0 : i32
      %scan3A_269 = arith.constant 0 : i32
      %scan3A_270 = arith.constant 682 : i32
      %scan3A_271 = arith.addi %scan3A_269, %scan3A_270 : i32
      %scan3A_272 = arith.constant 1 : i32
      scf.for %scan3A_299 = %scan3A_269 to %scan3A_271 step %scan3A_272  : i32 {
        %mul3A_300 = arith.constant 32 : i32
        %mul3A_301 = arith.muli %scan3A_299, %mul3A_300 : i32
        %add3A_302 = arith.constant 0 : i32
        %add3A_303 = arith.addi %mul3A_301, %add3A_302 : i32
        %get3A = arith.index_cast %add3A_303 : i32 to index
        %get3A_304 = tpu.vector_load %arg8[%get3A] {strides = array<i32>} : memref<21824xf32, #tpu.memory_space<vmem>>, vector<16xf32>,
        %get3A_305 = arith.index_cast %add3A_303 : i32 to index
        %get3A_306 = tpu.vector_load %arg9[%get3A_305] {strides = array<i32>} : memref<21824xf32, #tpu.memory_space<vmem>>, vector<16xf32>,
        %get3A_307 = arith.index_cast %add3A_303 : i32 to index
        %get3A_308 = tpu.vector_load %arg10[%get3A_307] {strides = array<i32>} : memref<21824xi32, #tpu.memory_space<vmem>>, vector<16xi32>,
        %sub3A_309 = arith.subf %get3A_304, %get3A_306 : vector<16xf32>
        %gt3A = arith.constant 0 : i32
        %gt3A_310 = vector.broadcast %gt3A : i32 to vector<16xi32>
        %gt3A_311 = arith.cmpi sgt, %get3A_308, %gt3A_310 : vector<16xi32>
        %neg3A = arith.constant 0.000000e+00 : f32
        %neg3A_312 = vector.broadcast %neg3A : f32 to vector<16xf32>
        %neg3A_313 = arith.subf %neg3A_312, %sub3A_309 : vector<16xf32>
        %select_n3A_314 = arith.select %gt3A_311, %sub3A_309, %neg3A_313 : vector<16xi1>, vector<16xf32>
        %abs3A = math.absf %sub3A_309 : vector<16xf32>
        %max3A = arith.constant 0.000000e+00 : f32
        %max3A_315 = vector.broadcast %max3A : f32 to vector<16xf32>
        %max3A_316 = arith.maximumf %select_n3A_314, %max3A_315 : vector<16xf32>
        %neg3A_317 = arith.constant 0.000000e+00 : f32
        %neg3A_318 = vector.broadcast %neg3A_317 : f32 to vector<16xf32>
        %neg3A_319 = arith.subf %neg3A_318, %abs3A : vector<16xf32>
        %exp3A = math.exp %neg3A_319 : vector<16xf32>
        %broadcast_in_dim3A_320 = arith.constant -0.0174140781 : f32
        %broadcast_in_dim3A_321 = vector.broadcast %broadcast_in_dim3A_320 : f32 to vector<16xf32>
        %mul3A_322 = arith.mulf %broadcast_in_dim3A_321, %exp3A : vector<16xf32>
        %add3A_323 = arith.constant 0.0826912373 : f32
        %add3A_324 = vector.broadcast %add3A_323 : f32 to vector<16xf32>
        %add3A_325 = arith.addf %mul3A_322, %add3A_324 : vector<16xf32>
        %mul3A_326 = arith.mulf %add3A_325, %exp3A : vector<16xf32>
        %add3A_327 = arith.constant -0.190354332 : f32
        %add3A_328 = vector.broadcast %add3A_327 : f32 to vector<16xf32>
        %add3A_329 = arith.addf %mul3A_326, %add3A_328 : vector<16xf32>
        %mul3A_330 = arith.mulf %add3A_329, %exp3A : vector<16xf32>
        %add3A_331 = arith.constant 0.315747321 : f32
        %add3A_332 = vector.broadcast %add3A_331 : f32 to vector<16xf32>
        %add3A_333 = arith.addf %mul3A_330, %add3A_332 : vector<16xf32>
        %mul3A_334 = arith.mulf %add3A_333, %exp3A : vector<16xf32>
        %add3A_335 = arith.constant -0.497373223 : f32
        %add3A_336 = vector.broadcast %add3A_335 : f32 to vector<16xf32>
        %add3A_337 = arith.addf %mul3A_334, %add3A_336 : vector<16xf32>
        %mul3A_338 = arith.mulf %add3A_337, %exp3A : vector<16xf32>
        %add3A_339 = arith.constant 0.99984771 : f32
        %add3A_340 = vector.broadcast %add3A_339 : f32 to vector<16xf32>
        %add3A_341 = arith.addf %mul3A_338, %add3A_340 : vector<16xf32>
        %mul3A_342 = arith.mulf %add3A_341, %exp3A : vector<16xf32>
        %add3A_343 = arith.constant 1.47206504E-6 : f32
        %add3A_344 = vector.broadcast %add3A_343 : f32 to vector<16xf32>
        %add3A_345 = arith.addf %mul3A_342, %add3A_344 : vector<16xf32>
        %add3A_346 = arith.addf %max3A_316, %add3A_345 : vector<16xf32>
        %gt3A_347 = arith.constant 0 : i32
        %gt3A_348 = vector.broadcast %gt3A_347 : i32 to vector<16xi32>
        %gt3A_349 = arith.cmpi sgt, %get3A_308, %gt3A_348 : vector<16xi32>
        %jit3A = arith.constant 0.000000e+00 : f32
        %broadcast_in_dim3A_350 = vector.broadcast %jit3A : f32 to vector<16xf32>
        %select_n3A_351 = arith.select %gt3A_349, %broadcast_in_dim3A_350, %add3A_346 : vector<16xi1>, vector<16xf32>
        %swap3A_352 = arith.index_cast %add3A_303 : i32 to index
        %swap3A_353 = tpu.vector_load %arg8[%swap3A_352] {strides = array<i32>} : memref<21824xf32, #tpu.memory_space<vmem>>, vector<16xf32>,
        tpu.vector_store %arg8[%swap3A_352], %select_n3A_351 {strides = array<i32>} : memref<21824xf32, #tpu.memory_space<vmem>>, vector<16xf32>,
        %mul3A_354 = arith.constant 32 : i32
        %mul3A_355 = arith.muli %scan3A_299, %mul3A_354 : i32
        %add3A_356 = arith.constant 16 : i32
        %add3A_357 = arith.addi %mul3A_355, %add3A_356 : i32
        %get3A_358 = arith.index_cast %add3A_357 : i32 to index
        %get3A_359 = tpu.vector_load %arg8[%get3A_358] {strides = array<i32>} : memref<21824xf32, #tpu.memory_space<vmem>>, vector<16xf32>,
        %get3A_360 = arith.index_cast %add3A_357 : i32 to index
        %get3A_361 = tpu.vector_load %arg9[%get3A_360] {strides = array<i32>} : memref<21824xf32, #tpu.memory_space<vmem>>, vector<16xf32>,
        %get3A_362 = arith.index_cast %add3A_357 : i32 to index
        %get3A_363 = tpu.vector_load %arg10[%get3A_362] {strides = array<i32>} : memref<21824xi32, #tpu.memory_space<vmem>>, vector<16xi32>,
        %sub3A_364 = arith.subf %get3A_359, %get3A_361 : vector<16xf32>
        %gt3A_365 = arith.constant 0 : i32
        %gt3A_366 = vector.broadcast %gt3A_365 : i32 to vector<16xi32>
        %gt3A_367 = arith.cmpi sgt, %get3A_363, %gt3A_366 : vector<16xi32>
        %neg3A_368 = arith.constant 0.000000e+00 : f32
        %neg3A_369 = vector.broadcast %neg3A_368 : f32 to vector<16xf32>
        %neg3A_370 = arith.subf %neg3A_369, %sub3A_364 : vector<16xf32>
        %select_n3A_371 = arith.select %gt3A_367, %sub3A_364, %neg3A_370 : vector<16xi1>, vector<16xf32>
        %abs3A_372 = math.absf %sub3A_364 : vector<16xf32>
        %max3A_373 = arith.constant 0.000000e+00 : f32
        %max3A_374 = vector.broadcast %max3A_373 : f32 to vector<16xf32>
        %max3A_375 = arith.maximumf %select_n3A_371, %max3A_374 : vector<16xf32>
        %neg3A_376 = arith.constant 0.000000e+00 : f32
        %neg3A_377 = vector.broadcast %neg3A_376 : f32 to vector<16xf32>
        %neg3A_378 = arith.subf %neg3A_377, %abs3A_372 : vector<16xf32>
        %exp3A_379 = math.exp %neg3A_378 : vector<16xf32>
        %broadcast_in_dim3A_380 = arith.constant -0.0174140781 : f32
        %broadcast_in_dim3A_381 = vector.broadcast %broadcast_in_dim3A_380 : f32 to vector<16xf32>
        %mul3A_382 = arith.mulf %broadcast_in_dim3A_381, %exp3A_379 : vector<16xf32>
        %add3A_383 = arith.constant 0.0826912373 : f32
        %add3A_384 = vector.broadcast %add3A_383 : f32 to vector<16xf32>
        %add3A_385 = arith.addf %mul3A_382, %add3A_384 : vector<16xf32>
        %mul3A_386 = arith.mulf %add3A_385, %exp3A_379 : vector<16xf32>
        %add3A_387 = arith.constant -0.190354332 : f32
        %add3A_388 = vector.broadcast %add3A_387 : f32 to vector<16xf32>
        %add3A_389 = arith.addf %mul3A_386, %add3A_388 : vector<16xf32>
        %mul3A_390 = arith.mulf %add3A_389, %exp3A_379 : vector<16xf32>
        %add3A_391 = arith.constant 0.315747321 : f32
        %add3A_392 = vector.broadcast %add3A_391 : f32 to vector<16xf32>
        %add3A_393 = arith.addf %mul3A_390, %add3A_392 : vector<16xf32>
        %mul3A_394 = arith.mulf %add3A_393, %exp3A_379 : vector<16xf32>
        %add3A_395 = arith.constant -0.497373223 : f32
        %add3A_396 = vector.broadcast %add3A_395 : f32 to vector<16xf32>
        %add3A_397 = arith.addf %mul3A_394, %add3A_396 : vector<16xf32>
        %mul3A_398 = arith.mulf %add3A_397, %exp3A_379 : vector<16xf32>
        %add3A_399 = arith.constant 0.99984771 : f32
        %add3A_400 = vector.broadcast %add3A_399 : f32 to vector<16xf32>
        %add3A_401 = arith.addf %mul3A_398, %add3A_400 : vector<16xf32>
        %mul3A_402 = arith.mulf %add3A_401, %exp3A_379 : vector<16xf32>
        %add3A_403 = arith.constant 1.47206504E-6 : f32
        %add3A_404 = vector.broadcast %add3A_403 : f32 to vector<16xf32>
        %add3A_405 = arith.addf %mul3A_402, %add3A_404 : vector<16xf32>
        %add3A_406 = arith.addf %max3A_375, %add3A_405 : vector<16xf32>
        %gt3A_407 = arith.constant 0 : i32
        %gt3A_408 = vector.broadcast %gt3A_407 : i32 to vector<16xi32>
        %gt3A_409 = arith.cmpi sgt, %get3A_363, %gt3A_408 : vector<16xi32>
        %jit3A_410 = arith.constant 0.000000e+00 : f32
        %broadcast_in_dim3A_411 = vector.broadcast %jit3A_410 : f32 to vector<16xf32>
        %select_n3A_412 = arith.select %gt3A_409, %broadcast_in_dim3A_411, %add3A_406 : vector<16xi1>, vector<16xf32>
        %swap3A_413 = arith.index_cast %add3A_357 : i32 to index
        %swap3A_414 = tpu.vector_load %arg8[%swap3A_413] {strides = array<i32>} : memref<21824xf32, #tpu.memory_space<vmem>>, vector<16xf32>,
        tpu.vector_store %arg8[%swap3A_413], %select_n3A_412 {strides = array<i32>} : memref<21824xf32, #tpu.memory_space<vmem>>, vector<16xf32>,
      }
      %scan3A_273 = arith.constant 682 : i32
      %scan3A_274 = arith.constant 0 : i32
      %scan3A_275 = arith.constant 2139095041 : i32
      %scan3A_276 = arith.constant 0 : i32
      %scan3A_277 = arith.constant 31 : i32
      %scan3A_278 = arith.addi %scan3A_276, %scan3A_277 : i32
      %scan3A_279 = arith.constant 1 : i32
      %scan3A_280:2 = scf.for %scan3A_299 = %scan3A_276 to %scan3A_278 step %scan3A_279 iter_args(%scan3A_300 = %scan3A_274, %scan3A_301 = %scan3A_275) -> (i32, i32)  : i32 {
        %sub3A_302 = arith.subi %scan3A_301, %scan3A_300 : i32
        %jit3A = arith.constant 2 : i32
        %div3A = arith.divsi %sub3A_302, %jit3A : i32
        %sign3A = arith.constant 0 : i32
        %sign3A_303 = arith.cmpi sgt, %sub3A_302, %sign3A : i32
        %sign3A_304 = arith.extui %sign3A_303 : i1 to i32
        %sign3A_305 = arith.constant 0 : i32
        %sign3A_306 = arith.cmpi slt, %sub3A_302, %sign3A_305 : i32
        %sign3A_307 = arith.extui %sign3A_306 : i1 to i32
        %sign3A_308 = arith.subi %sign3A_304, %sign3A_307 : i32
        %sign3A_309 = arith.constant 0 : i32
        %sign3A_310 = arith.cmpi sgt, %jit3A, %sign3A_309 : i32
        %sign3A_311 = arith.extui %sign3A_310 : i1 to i32
        %sign3A_312 = arith.constant 0 : i32
        %sign3A_313 = arith.cmpi slt, %jit3A, %sign3A_312 : i32
        %sign3A_314 = arith.extui %sign3A_313 : i1 to i32
        %sign3A_315 = arith.subi %sign3A_311, %sign3A_314 : i32
        %ne3A = arith.cmpi ne, %sign3A_308, %sign3A_315 : i32
        %rem3A = arith.remsi %sub3A_302, %jit3A : i32
        %ne3A_316 = arith.constant 0 : i32
        %ne3A_317 = arith.cmpi ne, %rem3A, %ne3A_316 : i32
        %and3A = arith.andi %ne3A, %ne3A_317 : i1
        %sub3A_318 = arith.constant 1 : i32
        %sub3A_319 = arith.subi %div3A, %sub3A_318 : i32
        %select_n3A_320 = arith.select %and3A, %sub3A_319, %div3A : i32
        %add3A_321 = arith.addi %scan3A_300, %select_n3A_320 : i32
        %scan3A_322 = arith.constant 0 : i32
        %scan3A_323 = arith.constant 1364 : i32
        %scan3A_324 = arith.addi %scan3A_322, %scan3A_323 : i32
        %scan3A_325 = arith.constant 1 : i32
        %scan3A_326 = scf.for %scan3A_334 = %scan3A_322 to %scan3A_324 step %scan3A_325 iter_args(%scan3A_335 = %broadcast_in_dim3A_3) -> (vector<16xf32>)  : i32 {
          %mul3A_336 = arith.constant 16 : i32
          %mul3A_337 = arith.muli %scan3A_334, %mul3A_336 : i32
          %get3A = arith.index_cast %mul3A_337 : i32 to index
          %get3A_338 = tpu.vector_load %arg8[%get3A] {strides = array<i32>} : memref<21824xf32, #tpu.memory_space<vmem>>, vector<16xf32>,
          %bitcast3A = vector.bitcast %get3A_338 : vector<16xf32> to vector<16xi32>
          %lt3A_339 = vector.broadcast %add3A_321 : i32 to vector<16xi32>
          %lt3A_340 = arith.cmpi slt, %bitcast3A, %lt3A_339 : vector<16xi32>
          %jit3A_341 = arith.constant 1.000000e+00 : f32
          %jit3A_342 = arith.constant 0.000000e+00 : f32
          %broadcast_in_dim3A_343 = vector.broadcast %jit3A_341 : f32 to vector<16xf32>
          %broadcast_in_dim3A_344 = vector.broadcast %jit3A_342 : f32 to vector<16xf32>
          %select_n3A_345 = arith.select %lt3A_340, %broadcast_in_dim3A_343, %broadcast_in_dim3A_344 : vector<16xi1>, vector<16xf32>
          %add3A_346 = arith.addf %scan3A_335, %select_n3A_345 : vector<16xf32>
          scf.yield %add3A_346 : vector<16xf32>
        }
        %scan3A_327 = arith.constant 1364 : i32
        %reduce_sum3A_328 = arith.constant true
        %reduce_sum3A_329 = vector.broadcast %reduce_sum3A_328 : i1 to vector<16xi1>
        %reduce_sum3A_330 = tpu.scan <sum>, %scan3A_326 masked %reduce_sum3A_329 : vector<16xf32>, vector<16xi1> -> vector<16xf32>
        %reduce_sum3A_331 = vector.extract %reduce_sum3A_330[15] : f32 from vector<16xf32>
        %lt3A = arith.cmpf olt, %reduce_sum3A_331, %sub3A_130 : f32
        %select_n3A_332 = arith.select %lt3A, %add3A_321, %scan3A_300 : i32
        %select_n3A_333 = arith.select %lt3A, %scan3A_301, %add3A_321 : i32
        scf.yield %select_n3A_332, %select_n3A_333 : i32, i32
      }
      %scan3A_281 = arith.constant 31 : i32
      %scan3A_282 = arith.constant 0 : i32
      %scan3A_283 = arith.constant 1364 : i32
      %scan3A_284 = arith.addi %scan3A_282, %scan3A_283 : i32
      %scan3A_285 = arith.constant 1 : i32
      %scan3A_286:2 = scf.for %scan3A_299 = %scan3A_282 to %scan3A_284 step %scan3A_285 iter_args(%scan3A_300 = %broadcast_in_dim3A_3, %scan3A_301 = %broadcast_in_dim3A_3) -> (vector<16xf32>, vector<16xf32>)  : i32 {
        %mul3A_302 = arith.constant 16 : i32
        %mul3A_303 = arith.muli %scan3A_299, %mul3A_302 : i32
        %get3A = arith.index_cast %mul3A_303 : i32 to index
        %get3A_304 = tpu.vector_load %arg8[%get3A] {strides = array<i32>} : memref<21824xf32, #tpu.memory_space<vmem>>, vector<16xf32>,
        %bitcast3A = vector.bitcast %get3A_304 : vector<16xf32> to vector<16xi32>
        %lt3A = vector.broadcast %scan3A_280#0 : i32 to vector<16xi32>
        %lt3A_305 = arith.cmpi slt, %bitcast3A, %lt3A : vector<16xi32>
        %jit3A = arith.constant 0.000000e+00 : f32
        %broadcast_in_dim3A_306 = vector.broadcast %jit3A : f32 to vector<16xf32>
        %select_n3A_307 = arith.select %lt3A_305, %get3A_304, %broadcast_in_dim3A_306 : vector<16xi1>, vector<16xf32>
        %add3A_308 = arith.addf %scan3A_300, %select_n3A_307 : vector<16xf32>
        %jit3A_309 = arith.constant 1.000000e+00 : f32
        %jit3A_310 = arith.constant 0.000000e+00 : f32
        %broadcast_in_dim3A_311 = vector.broadcast %jit3A_309 : f32 to vector<16xf32>
        %broadcast_in_dim3A_312 = vector.broadcast %jit3A_310 : f32 to vector<16xf32>
        %select_n3A_313 = arith.select %lt3A_305, %broadcast_in_dim3A_311, %broadcast_in_dim3A_312 : vector<16xi1>, vector<16xf32>
        %add3A_314 = arith.addf %scan3A_301, %select_n3A_313 : vector<16xf32>
        scf.yield %add3A_308, %add3A_314 : vector<16xf32>, vector<16xf32>
      }
      %scan3A_287 = arith.constant 1364 : i32
      %bitcast_convert_type3A = arith.bitcast %scan3A_280#0 : i32 to f32
      %reduce_sum3A_288 = arith.constant true
      %reduce_sum3A_289 = vector.broadcast %reduce_sum3A_288 : i1 to vector<16xi1>
      %reduce_sum3A_290 = tpu.scan <sum>, %scan3A_286#0 masked %reduce_sum3A_289 : vector<16xf32>, vector<16xi1> -> vector<16xf32>
      %reduce_sum3A_291 = vector.extract %reduce_sum3A_290[15] : f32 from vector<16xf32>
      %reduce_sum3A_292 = arith.constant true
      %reduce_sum3A_293 = vector.broadcast %reduce_sum3A_292 : i1 to vector<16xi1>
      %reduce_sum3A_294 = tpu.scan <sum>, %scan3A_286#1 masked %reduce_sum3A_293 : vector<16xf32>, vector<16xi1> -> vector<16xf32>
      %reduce_sum3A_295 = vector.extract %reduce_sum3A_294[15] : f32 from vector<16xf32>
      %sub3A_296 = arith.subf %sub3A_130, %reduce_sum3A_295 : f32
      %mul3A_297 = arith.mulf %sub3A_296, %bitcast_convert_type3A : f32
      %add3A_298 = arith.addf %reduce_sum3A_291, %mul3A_297 : f32
      scf.yield %add3A_298 : f32
    }
    %sub3A_136 = arith.subf %reduce_sum3A_124, %cond3A_135 : f32
    %eq3A_137 = arith.constant 1 : i32
    %eq3A_138 = vector.broadcast %eq3A_137 : i32 to vector<16xi32>
    %eq3A_139 = arith.cmpi eq, %iota3A, %eq3A_138 : vector<16xi32>
    %broadcast_in_dim3A_140 = vector.broadcast %sub3A_136 : f32 to vector<16xf32>
    %select_n3A_141 = arith.select %eq3A_139, %broadcast_in_dim3A_140, %select_n3A_76 : vector<16xi1>, vector<16xf32>
    %eq3A_142 = arith.constant 5 : i32
    %eq3A_143 = vector.broadcast %eq3A_142 : i32 to vector<16xi32>
    %eq3A_144 = arith.cmpi eq, %iota3A, %eq3A_143 : vector<16xi32>
    %broadcast_in_dim3A_145 = vector.broadcast %reduce_sum3A_120 : f32 to vector<16xf32>
    %select_n3A_146 = arith.select %eq3A_144, %broadcast_in_dim3A_145, %select_n3A_141 : vector<16xi1>, vector<16xf32>
    %add3A_147 = arith.constant 2 : i32
    %add3A_148 = arith.addi %mul3A_5, %add3A_147 : i32
    "tpu.region"() ({
      %run_scoped3A = tpu.sem_alloc : memref<!tpu.dma_semaphore, #tpu.memory_space<semaphore_mem>>
      %dma_start3A_268 = arith.constant 0 : i32
      %dma_start3A_269 = tpu.memref_slice %arg4[%add3A_148, %dma_start3A_268] : memref<128x21824xi32, #tpu.memory_space<hbm>> -> memref<1x21824xi32, #tpu.memory_space<hbm>>
      %dma_start3A_270 = tpu.memref_squeeze %dma_start3A_269 : memref<1x21824xi32, #tpu.memory_space<hbm>> -> memref<21824xi32, #tpu.memory_space<hbm>>
      %dma_start3A_271 = arith.constant 0 : i32
      %dma_start3A_272 = tpu.memref_slice %arg4[%add3A_148, %dma_start3A_271] : memref<128x21824xi32, #tpu.memory_space<hbm>> -> memref<1x21824xi32, #tpu.memory_space<hbm>>
      %dma_start3A_273 = tpu.memref_squeeze %dma_start3A_272 : memref<1x21824xi32, #tpu.memory_space<hbm>> -> memref<21824xi32, #tpu.memory_space<hbm>>
      tpu.enqueue_dma source(%dma_start3A_273 : memref<21824xi32, #tpu.memory_space<hbm>>) target(%arg10 : memref<21824xi32, #tpu.memory_space<vmem>>) target_semaphore(%run_scoped3A : memref<!tpu.dma_semaphore, #tpu.memory_space<semaphore_mem>>)
      %dma_wait3A_274 = arith.constant 0 : i32
      %dma_wait3A_275 = tpu.memref_slice %arg4[%add3A_148, %dma_wait3A_274] : memref<128x21824xi32, #tpu.memory_space<hbm>> -> memref<1x21824xi32, #tpu.memory_space<hbm>>
      %dma_wait3A_276 = tpu.memref_squeeze %dma_wait3A_275 : memref<1x21824xi32, #tpu.memory_space<hbm>> -> memref<21824xi32, #tpu.memory_space<hbm>>
      %dma_wait3A_277 = arith.constant 0 : i32
      %dma_wait3A_278 = tpu.memref_slice %arg4[%add3A_148, %dma_wait3A_277] : memref<128x21824xi32, #tpu.memory_space<hbm>> -> memref<1x21824xi32, #tpu.memory_space<hbm>>
      %dma_wait3A_279 = tpu.memref_squeeze %dma_wait3A_278 : memref<1x21824xi32, #tpu.memory_space<hbm>> -> memref<21824xi32, #tpu.memory_space<hbm>>
      tpu.wait_dma2 semaphore(%run_scoped3A : memref<!tpu.dma_semaphore, #tpu.memory_space<semaphore_mem>>) src(%dma_wait3A_279 : memref<21824xi32, #tpu.memory_space<hbm>>) dst(%arg10 : memref<21824xi32, #tpu.memory_space<vmem>>)
      tpu.yield
    }) : () -> ()
    %dma_wait3A_149 = arith.constant 0 : i32
    %dma_wait3A_150 = tpu.memref_slice %arg2[%add3A_94, %dma_wait3A_149] : memref<128x21824xf32, #tpu.memory_space<hbm>> -> memref<1x21824xf32, #tpu.memory_space<hbm>>
    %dma_wait3A_151 = tpu.memref_squeeze %dma_wait3A_150 : memref<1x21824xf32, #tpu.memory_space<hbm>> -> memref<21824xf32, #tpu.memory_space<hbm>>
    %dma_wait3A_152 = arith.constant 0 : i32
    %dma_wait3A_153 = tpu.memref_slice %arg2[%add3A_94, %dma_wait3A_152] : memref<128x21824xf32, #tpu.memory_space<hbm>> -> memref<1x21824xf32, #tpu.memory_space<hbm>>
    %dma_wait3A_154 = tpu.memref_squeeze %dma_wait3A_153 : memref<1x21824xf32, #tpu.memory_space<hbm>> -> memref<21824xf32, #tpu.memory_space<hbm>>
    tpu.wait_dma2 semaphore(%arg12 : memref<!tpu.dma_semaphore, #tpu.memory_space<semaphore_mem>>) src(%dma_wait3A_154 : memref<21824xf32, #tpu.memory_space<hbm>>) dst(%arg6 : memref<21824xf32, #tpu.memory_space<vmem>>)
    %dma_wait3A_155 = arith.constant 0 : i32
    %dma_wait3A_156 = tpu.memref_slice %arg3[%add3A_104, %dma_wait3A_155] : memref<128x21824xf32, #tpu.memory_space<hbm>> -> memref<1x21824xf32, #tpu.memory_space<hbm>>
    %dma_wait3A_157 = tpu.memref_squeeze %dma_wait3A_156 : memref<1x21824xf32, #tpu.memory_space<hbm>> -> memref<21824xf32, #tpu.memory_space<hbm>>
    %dma_wait3A_158 = arith.constant 0 : i32
    %dma_wait3A_159 = tpu.memref_slice %arg3[%add3A_104, %dma_wait3A_158] : memref<128x21824xf32, #tpu.memory_space<hbm>> -> memref<1x21824xf32, #tpu.memory_space<hbm>>
    %dma_wait3A_160 = tpu.memref_squeeze %dma_wait3A_159 : memref<1x21824xf32, #tpu.memory_space<hbm>> -> memref<21824xf32, #tpu.memory_space<hbm>>
    tpu.wait_dma2 semaphore(%arg12 : memref<!tpu.dma_semaphore, #tpu.memory_space<semaphore_mem>>) src(%dma_wait3A_160 : memref<21824xf32, #tpu.memory_space<hbm>>) dst(%arg7 : memref<21824xf32, #tpu.memory_space<vmem>>)
    %add3A_161 = arith.constant 2 : i32
    %add3A_162 = arith.addi %mul3A_5, %add3A_161 : i32
    %add3A_163 = arith.constant 1 : i32
    %add3A_164 = arith.addi %add3A_162, %add3A_163 : i32
    %dma_start3A_165 = arith.constant 0 : i32
    %dma_start3A_166 = tpu.memref_slice %arg2[%add3A_164, %dma_start3A_165] : memref<128x21824xf32, #tpu.memory_space<hbm>> -> memref<1x21824xf32, #tpu.memory_space<hbm>>
    %dma_start3A_167 = tpu.memref_squeeze %dma_start3A_166 : memref<1x21824xf32, #tpu.memory_space<hbm>> -> memref<21824xf32, #tpu.memory_space<hbm>>
    %dma_start3A_168 = arith.constant 0 : i32
    %dma_start3A_169 = tpu.memref_slice %arg2[%add3A_164, %dma_start3A_168] : memref<128x21824xf32, #tpu.memory_space<hbm>> -> memref<1x21824xf32, #tpu.memory_space<hbm>>
    %dma_start3A_170 = tpu.memref_squeeze %dma_start3A_169 : memref<1x21824xf32, #tpu.memory_space<hbm>> -> memref<21824xf32, #tpu.memory_space<hbm>>
    tpu.enqueue_dma source(%dma_start3A_170 : memref<21824xf32, #tpu.memory_space<hbm>>) target(%arg8 : memref<21824xf32, #tpu.memory_space<vmem>>) target_semaphore(%arg13 : memref<!tpu.dma_semaphore, #tpu.memory_space<semaphore_mem>>)
    %add3A_171 = arith.constant 2 : i32
    %add3A_172 = arith.addi %mul3A_5, %add3A_171 : i32
    %add3A_173 = arith.constant 1 : i32
    %add3A_174 = arith.addi %add3A_172, %add3A_173 : i32
    %dma_start3A_175 = arith.constant 0 : i32
    %dma_start3A_176 = tpu.memref_slice %arg3[%add3A_174, %dma_start3A_175] : memref<128x21824xf32, #tpu.memory_space<hbm>> -> memref<1x21824xf32, #tpu.memory_space<hbm>>
    %dma_start3A_177 = tpu.memref_squeeze %dma_start3A_176 : memref<1x21824xf32, #tpu.memory_space<hbm>> -> memref<21824xf32, #tpu.memory_space<hbm>>
    %dma_start3A_178 = arith.constant 0 : i32
    %dma_start3A_179 = tpu.memref_slice %arg3[%add3A_174, %dma_start3A_178] : memref<128x21824xf32, #tpu.memory_space<hbm>> -> memref<1x21824xf32, #tpu.memory_space<hbm>>
    %dma_start3A_180 = tpu.memref_squeeze %dma_start3A_179 : memref<1x21824xf32, #tpu.memory_space<hbm>> -> memref<21824xf32, #tpu.memory_space<hbm>>
    tpu.enqueue_dma source(%dma_start3A_180 : memref<21824xf32, #tpu.memory_space<hbm>>) target(%arg9 : memref<21824xf32, #tpu.memory_space<vmem>>) target_semaphore(%arg13 : memref<!tpu.dma_semaphore, #tpu.memory_space<semaphore_mem>>)
    %scan3A_181 = arith.constant 0 : i32
    %scan3A_182 = arith.constant 682 : i32
    %scan3A_183 = arith.addi %scan3A_181, %scan3A_182 : i32
    %scan3A_184 = arith.constant 1 : i32
    %scan3A_185:2 = scf.for %scan3A_268 = %scan3A_181 to %scan3A_183 step %scan3A_184 iter_args(%scan3A_269 = %broadcast_in_dim3A_3, %scan3A_270 = %broadcast_in_dim3A_3) -> (vector<16xf32>, vector<16xf32>)  : i32 {
      %mul3A_271 = arith.constant 32 : i32
      %mul3A_272 = arith.muli %scan3A_268, %mul3A_271 : i32
      %add3A_273 = arith.constant 0 : i32
      %add3A_274 = arith.addi %mul3A_272, %add3A_273 : i32
      %get3A = arith.index_cast %add3A_274 : i32 to index
      %get3A_275 = tpu.vector_load %arg6[%get3A] {strides = array<i32>} : memref<21824xf32, #tpu.memory_space<vmem>>, vector<16xf32>,
      %get3A_276 = arith.index_cast %add3A_274 : i32 to index
      %get3A_277 = tpu.vector_load %arg7[%get3A_276] {strides = array<i32>} : memref<21824xf32, #tpu.memory_space<vmem>>, vector<16xf32>,
      %get3A_278 = arith.index_cast %add3A_274 : i32 to index
      %get3A_279 = tpu.vector_load %arg10[%get3A_278] {strides = array<i32>} : memref<21824xi32, #tpu.memory_space<vmem>>, vector<16xi32>,
      %sub3A_280 = arith.subf %get3A_275, %get3A_277 : vector<16xf32>
      %gt3A = arith.constant 0 : i32
      %gt3A_281 = vector.broadcast %gt3A : i32 to vector<16xi32>
      %gt3A_282 = arith.cmpi sgt, %get3A_279, %gt3A_281 : vector<16xi32>
      %neg3A = arith.constant 0.000000e+00 : f32
      %neg3A_283 = vector.broadcast %neg3A : f32 to vector<16xf32>
      %neg3A_284 = arith.subf %neg3A_283, %sub3A_280 : vector<16xf32>
      %select_n3A_285 = arith.select %gt3A_282, %sub3A_280, %neg3A_284 : vector<16xi1>, vector<16xf32>
      %abs3A = math.absf %sub3A_280 : vector<16xf32>
      %max3A = arith.constant 0.000000e+00 : f32
      %max3A_286 = vector.broadcast %max3A : f32 to vector<16xf32>
      %max3A_287 = arith.maximumf %select_n3A_285, %max3A_286 : vector<16xf32>
      %neg3A_288 = arith.constant 0.000000e+00 : f32
      %neg3A_289 = vector.broadcast %neg3A_288 : f32 to vector<16xf32>
      %neg3A_290 = arith.subf %neg3A_289, %abs3A : vector<16xf32>
      %exp3A = math.exp %neg3A_290 : vector<16xf32>
      %broadcast_in_dim3A_291 = arith.constant -0.0174140781 : f32
      %broadcast_in_dim3A_292 = vector.broadcast %broadcast_in_dim3A_291 : f32 to vector<16xf32>
      %mul3A_293 = arith.mulf %broadcast_in_dim3A_292, %exp3A : vector<16xf32>
      %add3A_294 = arith.constant 0.0826912373 : f32
      %add3A_295 = vector.broadcast %add3A_294 : f32 to vector<16xf32>
      %add3A_296 = arith.addf %mul3A_293, %add3A_295 : vector<16xf32>
      %mul3A_297 = arith.mulf %add3A_296, %exp3A : vector<16xf32>
      %add3A_298 = arith.constant -0.190354332 : f32
      %add3A_299 = vector.broadcast %add3A_298 : f32 to vector<16xf32>
      %add3A_300 = arith.addf %mul3A_297, %add3A_299 : vector<16xf32>
      %mul3A_301 = arith.mulf %add3A_300, %exp3A : vector<16xf32>
      %add3A_302 = arith.constant 0.315747321 : f32
      %add3A_303 = vector.broadcast %add3A_302 : f32 to vector<16xf32>
      %add3A_304 = arith.addf %mul3A_301, %add3A_303 : vector<16xf32>
      %mul3A_305 = arith.mulf %add3A_304, %exp3A : vector<16xf32>
      %add3A_306 = arith.constant -0.497373223 : f32
      %add3A_307 = vector.broadcast %add3A_306 : f32 to vector<16xf32>
      %add3A_308 = arith.addf %mul3A_305, %add3A_307 : vector<16xf32>
      %mul3A_309 = arith.mulf %add3A_308, %exp3A : vector<16xf32>
      %add3A_310 = arith.constant 0.99984771 : f32
      %add3A_311 = vector.broadcast %add3A_310 : f32 to vector<16xf32>
      %add3A_312 = arith.addf %mul3A_309, %add3A_311 : vector<16xf32>
      %mul3A_313 = arith.mulf %add3A_312, %exp3A : vector<16xf32>
      %add3A_314 = arith.constant 1.47206504E-6 : f32
      %add3A_315 = vector.broadcast %add3A_314 : f32 to vector<16xf32>
      %add3A_316 = arith.addf %mul3A_313, %add3A_315 : vector<16xf32>
      %add3A_317 = arith.addf %max3A_287, %add3A_316 : vector<16xf32>
      %add3A_318 = arith.addf %scan3A_270, %add3A_317 : vector<16xf32>
      %gt3A_319 = arith.constant 0 : i32
      %gt3A_320 = vector.broadcast %gt3A_319 : i32 to vector<16xi32>
      %gt3A_321 = arith.cmpi sgt, %get3A_279, %gt3A_320 : vector<16xi32>
      %jit3A = arith.constant 1.000000e+00 : f32
      %jit3A_322 = arith.constant 0.000000e+00 : f32
      %broadcast_in_dim3A_323 = vector.broadcast %jit3A : f32 to vector<16xf32>
      %broadcast_in_dim3A_324 = vector.broadcast %jit3A_322 : f32 to vector<16xf32>
      %select_n3A_325 = arith.select %gt3A_321, %broadcast_in_dim3A_323, %broadcast_in_dim3A_324 : vector<16xi1>, vector<16xf32>
      %add3A_326 = arith.addf %scan3A_269, %select_n3A_325 : vector<16xf32>
      %mul3A_327 = arith.constant 32 : i32
      %mul3A_328 = arith.muli %scan3A_268, %mul3A_327 : i32
      %add3A_329 = arith.constant 16 : i32
      %add3A_330 = arith.addi %mul3A_328, %add3A_329 : i32
      %get3A_331 = arith.index_cast %add3A_330 : i32 to index
      %get3A_332 = tpu.vector_load %arg6[%get3A_331] {strides = array<i32>} : memref<21824xf32, #tpu.memory_space<vmem>>, vector<16xf32>,
      %get3A_333 = arith.index_cast %add3A_330 : i32 to index
      %get3A_334 = tpu.vector_load %arg7[%get3A_333] {strides = array<i32>} : memref<21824xf32, #tpu.memory_space<vmem>>, vector<16xf32>,
      %get3A_335 = arith.index_cast %add3A_330 : i32 to index
      %get3A_336 = tpu.vector_load %arg10[%get3A_335] {strides = array<i32>} : memref<21824xi32, #tpu.memory_space<vmem>>, vector<16xi32>,
      %sub3A_337 = arith.subf %get3A_332, %get3A_334 : vector<16xf32>
      %gt3A_338 = arith.constant 0 : i32
      %gt3A_339 = vector.broadcast %gt3A_338 : i32 to vector<16xi32>
      %gt3A_340 = arith.cmpi sgt, %get3A_336, %gt3A_339 : vector<16xi32>
      %neg3A_341 = arith.constant 0.000000e+00 : f32
      %neg3A_342 = vector.broadcast %neg3A_341 : f32 to vector<16xf32>
      %neg3A_343 = arith.subf %neg3A_342, %sub3A_337 : vector<16xf32>
      %select_n3A_344 = arith.select %gt3A_340, %sub3A_337, %neg3A_343 : vector<16xi1>, vector<16xf32>
      %abs3A_345 = math.absf %sub3A_337 : vector<16xf32>
      %max3A_346 = arith.constant 0.000000e+00 : f32
      %max3A_347 = vector.broadcast %max3A_346 : f32 to vector<16xf32>
      %max3A_348 = arith.maximumf %select_n3A_344, %max3A_347 : vector<16xf32>
      %neg3A_349 = arith.constant 0.000000e+00 : f32
      %neg3A_350 = vector.broadcast %neg3A_349 : f32 to vector<16xf32>
      %neg3A_351 = arith.subf %neg3A_350, %abs3A_345 : vector<16xf32>
      %exp3A_352 = math.exp %neg3A_351 : vector<16xf32>
      %broadcast_in_dim3A_353 = arith.constant -0.0174140781 : f32
      %broadcast_in_dim3A_354 = vector.broadcast %broadcast_in_dim3A_353 : f32 to vector<16xf32>
      %mul3A_355 = arith.mulf %broadcast_in_dim3A_354, %exp3A_352 : vector<16xf32>
      %add3A_356 = arith.constant 0.0826912373 : f32
      %add3A_357 = vector.broadcast %add3A_356 : f32 to vector<16xf32>
      %add3A_358 = arith.addf %mul3A_355, %add3A_357 : vector<16xf32>
      %mul3A_359 = arith.mulf %add3A_358, %exp3A_352 : vector<16xf32>
      %add3A_360 = arith.constant -0.190354332 : f32
      %add3A_361 = vector.broadcast %add3A_360 : f32 to vector<16xf32>
      %add3A_362 = arith.addf %mul3A_359, %add3A_361 : vector<16xf32>
      %mul3A_363 = arith.mulf %add3A_362, %exp3A_352 : vector<16xf32>
      %add3A_364 = arith.constant 0.315747321 : f32
      %add3A_365 = vector.broadcast %add3A_364 : f32 to vector<16xf32>
      %add3A_366 = arith.addf %mul3A_363, %add3A_365 : vector<16xf32>
      %mul3A_367 = arith.mulf %add3A_366, %exp3A_352 : vector<16xf32>
      %add3A_368 = arith.constant -0.497373223 : f32
      %add3A_369 = vector.broadcast %add3A_368 : f32 to vector<16xf32>
      %add3A_370 = arith.addf %mul3A_367, %add3A_369 : vector<16xf32>
      %mul3A_371 = arith.mulf %add3A_370, %exp3A_352 : vector<16xf32>
      %add3A_372 = arith.constant 0.99984771 : f32
      %add3A_373 = vector.broadcast %add3A_372 : f32 to vector<16xf32>
      %add3A_374 = arith.addf %mul3A_371, %add3A_373 : vector<16xf32>
      %mul3A_375 = arith.mulf %add3A_374, %exp3A_352 : vector<16xf32>
      %add3A_376 = arith.constant 1.47206504E-6 : f32
      %add3A_377 = vector.broadcast %add3A_376 : f32 to vector<16xf32>
      %add3A_378 = arith.addf %mul3A_375, %add3A_377 : vector<16xf32>
      %add3A_379 = arith.addf %max3A_348, %add3A_378 : vector<16xf32>
      %add3A_380 = arith.addf %add3A_318, %add3A_379 : vector<16xf32>
      %gt3A_381 = arith.constant 0 : i32
      %gt3A_382 = vector.broadcast %gt3A_381 : i32 to vector<16xi32>
      %gt3A_383 = arith.cmpi sgt, %get3A_336, %gt3A_382 : vector<16xi32>
      %jit3A_384 = arith.constant 1.000000e+00 : f32
      %jit3A_385 = arith.constant 0.000000e+00 : f32
      %broadcast_in_dim3A_386 = vector.broadcast %jit3A_384 : f32 to vector<16xf32>
      %broadcast_in_dim3A_387 = vector.broadcast %jit3A_385 : f32 to vector<16xf32>
      %select_n3A_388 = arith.select %gt3A_383, %broadcast_in_dim3A_386, %broadcast_in_dim3A_387 : vector<16xi1>, vector<16xf32>
      %add3A_389 = arith.addf %add3A_326, %select_n3A_388 : vector<16xf32>
      scf.yield %add3A_389, %add3A_380 : vector<16xf32>, vector<16xf32>
    }
    %scan3A_186 = arith.constant 682 : i32
    %reduce_sum3A_187 = arith.constant true
    %reduce_sum3A_188 = vector.broadcast %reduce_sum3A_187 : i1 to vector<16xi1>
    %reduce_sum3A_189 = tpu.scan <sum>, %scan3A_185#0 masked %reduce_sum3A_188 : vector<16xf32>, vector<16xi1> -> vector<16xf32>
    %reduce_sum3A_190 = vector.extract %reduce_sum3A_189[15] : f32 from vector<16xf32>
    %reduce_sum3A_191 = arith.constant true
    %reduce_sum3A_192 = vector.broadcast %reduce_sum3A_191 : i1 to vector<16xi1>
    %reduce_sum3A_193 = tpu.scan <sum>, %scan3A_185#1 masked %reduce_sum3A_192 : vector<16xf32>, vector<16xi1> -> vector<16xf32>
    %reduce_sum3A_194 = vector.extract %reduce_sum3A_193[15] : f32 from vector<16xf32>
    %mul3A_195 = arith.constant 3.000000e+00 : f32
    %mul3A_196 = arith.mulf %mul3A_195, %reduce_sum3A_190 : f32
    %min3A_197 = arith.constant 2.182300e+04 : f32
    %min3A_198 = arith.minimumf %mul3A_196, %min3A_197 : f32
    %sub3A_199 = arith.constant 2.182400e+04 : f32
    %sub3A_200 = arith.subf %sub3A_199, %min3A_198 : f32
    %le3A_201 = arith.cmpf ole, %sub3A_200, %reduce_sum3A_190 : f32
    %convert_element_type3A_202 = arith.extui %le3A_201 : i1 to i32
    %cond3A_203 = arith.constant 0 : i32
    %cond3A_204 = arith.cmpi ne, %convert_element_type3A_202, %cond3A_203 : i32
    %cond3A_205 = scf.if %cond3A_204 -> (f32) {
      %cond3A_268 = arith.constant 0.000000e+00 : f32
      scf.yield %cond3A_268 : f32
    } else {
      %scan3A_268 = arith.constant 0 : i32
      %scan3A_269 = arith.constant 0 : i32
      %scan3A_270 = arith.constant 682 : i32
      %scan3A_271 = arith.addi %scan3A_269, %scan3A_270 : i32
      %scan3A_272 = arith.constant 1 : i32
      scf.for %scan3A_299 = %scan3A_269 to %scan3A_271 step %scan3A_272  : i32 {
        %mul3A_300 = arith.constant 32 : i32
        %mul3A_301 = arith.muli %scan3A_299, %mul3A_300 : i32
        %add3A_302 = arith.constant 0 : i32
        %add3A_303 = arith.addi %mul3A_301, %add3A_302 : i32
        %get3A = arith.index_cast %add3A_303 : i32 to index
        %get3A_304 = tpu.vector_load %arg6[%get3A] {strides = array<i32>} : memref<21824xf32, #tpu.memory_space<vmem>>, vector<16xf32>,
        %get3A_305 = arith.index_cast %add3A_303 : i32 to index
        %get3A_306 = tpu.vector_load %arg7[%get3A_305] {strides = array<i32>} : memref<21824xf32, #tpu.memory_space<vmem>>, vector<16xf32>,
        %get3A_307 = arith.index_cast %add3A_303 : i32 to index
        %get3A_308 = tpu.vector_load %arg10[%get3A_307] {strides = array<i32>} : memref<21824xi32, #tpu.memory_space<vmem>>, vector<16xi32>,
        %sub3A_309 = arith.subf %get3A_304, %get3A_306 : vector<16xf32>
        %gt3A = arith.constant 0 : i32
        %gt3A_310 = vector.broadcast %gt3A : i32 to vector<16xi32>
        %gt3A_311 = arith.cmpi sgt, %get3A_308, %gt3A_310 : vector<16xi32>
        %neg3A = arith.constant 0.000000e+00 : f32
        %neg3A_312 = vector.broadcast %neg3A : f32 to vector<16xf32>
        %neg3A_313 = arith.subf %neg3A_312, %sub3A_309 : vector<16xf32>
        %select_n3A_314 = arith.select %gt3A_311, %sub3A_309, %neg3A_313 : vector<16xi1>, vector<16xf32>
        %abs3A = math.absf %sub3A_309 : vector<16xf32>
        %max3A = arith.constant 0.000000e+00 : f32
        %max3A_315 = vector.broadcast %max3A : f32 to vector<16xf32>
        %max3A_316 = arith.maximumf %select_n3A_314, %max3A_315 : vector<16xf32>
        %neg3A_317 = arith.constant 0.000000e+00 : f32
        %neg3A_318 = vector.broadcast %neg3A_317 : f32 to vector<16xf32>
        %neg3A_319 = arith.subf %neg3A_318, %abs3A : vector<16xf32>
        %exp3A = math.exp %neg3A_319 : vector<16xf32>
        %broadcast_in_dim3A_320 = arith.constant -0.0174140781 : f32
        %broadcast_in_dim3A_321 = vector.broadcast %broadcast_in_dim3A_320 : f32 to vector<16xf32>
        %mul3A_322 = arith.mulf %broadcast_in_dim3A_321, %exp3A : vector<16xf32>
        %add3A_323 = arith.constant 0.0826912373 : f32
        %add3A_324 = vector.broadcast %add3A_323 : f32 to vector<16xf32>
        %add3A_325 = arith.addf %mul3A_322, %add3A_324 : vector<16xf32>
        %mul3A_326 = arith.mulf %add3A_325, %exp3A : vector<16xf32>
        %add3A_327 = arith.constant -0.190354332 : f32
        %add3A_328 = vector.broadcast %add3A_327 : f32 to vector<16xf32>
        %add3A_329 = arith.addf %mul3A_326, %add3A_328 : vector<16xf32>
        %mul3A_330 = arith.mulf %add3A_329, %exp3A : vector<16xf32>
        %add3A_331 = arith.constant 0.315747321 : f32
        %add3A_332 = vector.broadcast %add3A_331 : f32 to vector<16xf32>
        %add3A_333 = arith.addf %mul3A_330, %add3A_332 : vector<16xf32>
        %mul3A_334 = arith.mulf %add3A_333, %exp3A : vector<16xf32>
        %add3A_335 = arith.constant -0.497373223 : f32
        %add3A_336 = vector.broadcast %add3A_335 : f32 to vector<16xf32>
        %add3A_337 = arith.addf %mul3A_334, %add3A_336 : vector<16xf32>
        %mul3A_338 = arith.mulf %add3A_337, %exp3A : vector<16xf32>
        %add3A_339 = arith.constant 0.99984771 : f32
        %add3A_340 = vector.broadcast %add3A_339 : f32 to vector<16xf32>
        %add3A_341 = arith.addf %mul3A_338, %add3A_340 : vector<16xf32>
        %mul3A_342 = arith.mulf %add3A_341, %exp3A : vector<16xf32>
        %add3A_343 = arith.constant 1.47206504E-6 : f32
        %add3A_344 = vector.broadcast %add3A_343 : f32 to vector<16xf32>
        %add3A_345 = arith.addf %mul3A_342, %add3A_344 : vector<16xf32>
        %add3A_346 = arith.addf %max3A_316, %add3A_345 : vector<16xf32>
        %gt3A_347 = arith.constant 0 : i32
        %gt3A_348 = vector.broadcast %gt3A_347 : i32 to vector<16xi32>
        %gt3A_349 = arith.cmpi sgt, %get3A_308, %gt3A_348 : vector<16xi32>
        %jit3A = arith.constant 0.000000e+00 : f32
        %broadcast_in_dim3A_350 = vector.broadcast %jit3A : f32 to vector<16xf32>
        %select_n3A_351 = arith.select %gt3A_349, %broadcast_in_dim3A_350, %add3A_346 : vector<16xi1>, vector<16xf32>
        %swap3A_352 = arith.index_cast %add3A_303 : i32 to index
        %swap3A_353 = tpu.vector_load %arg6[%swap3A_352] {strides = array<i32>} : memref<21824xf32, #tpu.memory_space<vmem>>, vector<16xf32>,
        tpu.vector_store %arg6[%swap3A_352], %select_n3A_351 {strides = array<i32>} : memref<21824xf32, #tpu.memory_space<vmem>>, vector<16xf32>,
        %mul3A_354 = arith.constant 32 : i32
        %mul3A_355 = arith.muli %scan3A_299, %mul3A_354 : i32
        %add3A_356 = arith.constant 16 : i32
        %add3A_357 = arith.addi %mul3A_355, %add3A_356 : i32
        %get3A_358 = arith.index_cast %add3A_357 : i32 to index
        %get3A_359 = tpu.vector_load %arg6[%get3A_358] {strides = array<i32>} : memref<21824xf32, #tpu.memory_space<vmem>>, vector<16xf32>,
        %get3A_360 = arith.index_cast %add3A_357 : i32 to index
        %get3A_361 = tpu.vector_load %arg7[%get3A_360] {strides = array<i32>} : memref<21824xf32, #tpu.memory_space<vmem>>, vector<16xf32>,
        %get3A_362 = arith.index_cast %add3A_357 : i32 to index
        %get3A_363 = tpu.vector_load %arg10[%get3A_362] {strides = array<i32>} : memref<21824xi32, #tpu.memory_space<vmem>>, vector<16xi32>,
        %sub3A_364 = arith.subf %get3A_359, %get3A_361 : vector<16xf32>
        %gt3A_365 = arith.constant 0 : i32
        %gt3A_366 = vector.broadcast %gt3A_365 : i32 to vector<16xi32>
        %gt3A_367 = arith.cmpi sgt, %get3A_363, %gt3A_366 : vector<16xi32>
        %neg3A_368 = arith.constant 0.000000e+00 : f32
        %neg3A_369 = vector.broadcast %neg3A_368 : f32 to vector<16xf32>
        %neg3A_370 = arith.subf %neg3A_369, %sub3A_364 : vector<16xf32>
        %select_n3A_371 = arith.select %gt3A_367, %sub3A_364, %neg3A_370 : vector<16xi1>, vector<16xf32>
        %abs3A_372 = math.absf %sub3A_364 : vector<16xf32>
        %max3A_373 = arith.constant 0.000000e+00 : f32
        %max3A_374 = vector.broadcast %max3A_373 : f32 to vector<16xf32>
        %max3A_375 = arith.maximumf %select_n3A_371, %max3A_374 : vector<16xf32>
        %neg3A_376 = arith.constant 0.000000e+00 : f32
        %neg3A_377 = vector.broadcast %neg3A_376 : f32 to vector<16xf32>
        %neg3A_378 = arith.subf %neg3A_377, %abs3A_372 : vector<16xf32>
        %exp3A_379 = math.exp %neg3A_378 : vector<16xf32>
        %broadcast_in_dim3A_380 = arith.constant -0.0174140781 : f32
        %broadcast_in_dim3A_381 = vector.broadcast %broadcast_in_dim3A_380 : f32 to vector<16xf32>
        %mul3A_382 = arith.mulf %broadcast_in_dim3A_381, %exp3A_379 : vector<16xf32>
        %add3A_383 = arith.constant 0.0826912373 : f32
        %add3A_384 = vector.broadcast %add3A_383 : f32 to vector<16xf32>
        %add3A_385 = arith.addf %mul3A_382, %add3A_384 : vector<16xf32>
        %mul3A_386 = arith.mulf %add3A_385, %exp3A_379 : vector<16xf32>
        %add3A_387 = arith.constant -0.190354332 : f32
        %add3A_388 = vector.broadcast %add3A_387 : f32 to vector<16xf32>
        %add3A_389 = arith.addf %mul3A_386, %add3A_388 : vector<16xf32>
        %mul3A_390 = arith.mulf %add3A_389, %exp3A_379 : vector<16xf32>
        %add3A_391 = arith.constant 0.315747321 : f32
        %add3A_392 = vector.broadcast %add3A_391 : f32 to vector<16xf32>
        %add3A_393 = arith.addf %mul3A_390, %add3A_392 : vector<16xf32>
        %mul3A_394 = arith.mulf %add3A_393, %exp3A_379 : vector<16xf32>
        %add3A_395 = arith.constant -0.497373223 : f32
        %add3A_396 = vector.broadcast %add3A_395 : f32 to vector<16xf32>
        %add3A_397 = arith.addf %mul3A_394, %add3A_396 : vector<16xf32>
        %mul3A_398 = arith.mulf %add3A_397, %exp3A_379 : vector<16xf32>
        %add3A_399 = arith.constant 0.99984771 : f32
        %add3A_400 = vector.broadcast %add3A_399 : f32 to vector<16xf32>
        %add3A_401 = arith.addf %mul3A_398, %add3A_400 : vector<16xf32>
        %mul3A_402 = arith.mulf %add3A_401, %exp3A_379 : vector<16xf32>
        %add3A_403 = arith.constant 1.47206504E-6 : f32
        %add3A_404 = vector.broadcast %add3A_403 : f32 to vector<16xf32>
        %add3A_405 = arith.addf %mul3A_402, %add3A_404 : vector<16xf32>
        %add3A_406 = arith.addf %max3A_375, %add3A_405 : vector<16xf32>
        %gt3A_407 = arith.constant 0 : i32
        %gt3A_408 = vector.broadcast %gt3A_407 : i32 to vector<16xi32>
        %gt3A_409 = arith.cmpi sgt, %get3A_363, %gt3A_408 : vector<16xi32>
        %jit3A_410 = arith.constant 0.000000e+00 : f32
        %broadcast_in_dim3A_411 = vector.broadcast %jit3A_410 : f32 to vector<16xf32>
        %select_n3A_412 = arith.select %gt3A_409, %broadcast_in_dim3A_411, %add3A_406 : vector<16xi1>, vector<16xf32>
        %swap3A_413 = arith.index_cast %add3A_357 : i32 to index
        %swap3A_414 = tpu.vector_load %arg6[%swap3A_413] {strides = array<i32>} : memref<21824xf32, #tpu.memory_space<vmem>>, vector<16xf32>,
        tpu.vector_store %arg6[%swap3A_413], %select_n3A_412 {strides = array<i32>} : memref<21824xf32, #tpu.memory_space<vmem>>, vector<16xf32>,
      }
      %scan3A_273 = arith.constant 682 : i32
      %scan3A_274 = arith.constant 0 : i32
      %scan3A_275 = arith.constant 2139095041 : i32
      %scan3A_276 = arith.constant 0 : i32
      %scan3A_277 = arith.constant 31 : i32
      %scan3A_278 = arith.addi %scan3A_276, %scan3A_277 : i32
      %scan3A_279 = arith.constant 1 : i32
      %scan3A_280:2 = scf.for %scan3A_299 = %scan3A_276 to %scan3A_278 step %scan3A_279 iter_args(%scan3A_300 = %scan3A_274, %scan3A_301 = %scan3A_275) -> (i32, i32)  : i32 {
        %sub3A_302 = arith.subi %scan3A_301, %scan3A_300 : i32
        %jit3A = arith.constant 2 : i32
        %div3A = arith.divsi %sub3A_302, %jit3A : i32
        %sign3A = arith.constant 0 : i32
        %sign3A_303 = arith.cmpi sgt, %sub3A_302, %sign3A : i32
        %sign3A_304 = arith.extui %sign3A_303 : i1 to i32
        %sign3A_305 = arith.constant 0 : i32
        %sign3A_306 = arith.cmpi slt, %sub3A_302, %sign3A_305 : i32
        %sign3A_307 = arith.extui %sign3A_306 : i1 to i32
        %sign3A_308 = arith.subi %sign3A_304, %sign3A_307 : i32
        %sign3A_309 = arith.constant 0 : i32
        %sign3A_310 = arith.cmpi sgt, %jit3A, %sign3A_309 : i32
        %sign3A_311 = arith.extui %sign3A_310 : i1 to i32
        %sign3A_312 = arith.constant 0 : i32
        %sign3A_313 = arith.cmpi slt, %jit3A, %sign3A_312 : i32
        %sign3A_314 = arith.extui %sign3A_313 : i1 to i32
        %sign3A_315 = arith.subi %sign3A_311, %sign3A_314 : i32
        %ne3A = arith.cmpi ne, %sign3A_308, %sign3A_315 : i32
        %rem3A = arith.remsi %sub3A_302, %jit3A : i32
        %ne3A_316 = arith.constant 0 : i32
        %ne3A_317 = arith.cmpi ne, %rem3A, %ne3A_316 : i32
        %and3A = arith.andi %ne3A, %ne3A_317 : i1
        %sub3A_318 = arith.constant 1 : i32
        %sub3A_319 = arith.subi %div3A, %sub3A_318 : i32
        %select_n3A_320 = arith.select %and3A, %sub3A_319, %div3A : i32
        %add3A_321 = arith.addi %scan3A_300, %select_n3A_320 : i32
        %scan3A_322 = arith.constant 0 : i32
        %scan3A_323 = arith.constant 1364 : i32
        %scan3A_324 = arith.addi %scan3A_322, %scan3A_323 : i32
        %scan3A_325 = arith.constant 1 : i32
        %scan3A_326 = scf.for %scan3A_334 = %scan3A_322 to %scan3A_324 step %scan3A_325 iter_args(%scan3A_335 = %broadcast_in_dim3A_3) -> (vector<16xf32>)  : i32 {
          %mul3A_336 = arith.constant 16 : i32
          %mul3A_337 = arith.muli %scan3A_334, %mul3A_336 : i32
          %get3A = arith.index_cast %mul3A_337 : i32 to index
          %get3A_338 = tpu.vector_load %arg6[%get3A] {strides = array<i32>} : memref<21824xf32, #tpu.memory_space<vmem>>, vector<16xf32>,
          %bitcast3A = vector.bitcast %get3A_338 : vector<16xf32> to vector<16xi32>
          %lt3A_339 = vector.broadcast %add3A_321 : i32 to vector<16xi32>
          %lt3A_340 = arith.cmpi slt, %bitcast3A, %lt3A_339 : vector<16xi32>
          %jit3A_341 = arith.constant 1.000000e+00 : f32
          %jit3A_342 = arith.constant 0.000000e+00 : f32
          %broadcast_in_dim3A_343 = vector.broadcast %jit3A_341 : f32 to vector<16xf32>
          %broadcast_in_dim3A_344 = vector.broadcast %jit3A_342 : f32 to vector<16xf32>
          %select_n3A_345 = arith.select %lt3A_340, %broadcast_in_dim3A_343, %broadcast_in_dim3A_344 : vector<16xi1>, vector<16xf32>
          %add3A_346 = arith.addf %scan3A_335, %select_n3A_345 : vector<16xf32>
          scf.yield %add3A_346 : vector<16xf32>
        }
        %scan3A_327 = arith.constant 1364 : i32
        %reduce_sum3A_328 = arith.constant true
        %reduce_sum3A_329 = vector.broadcast %reduce_sum3A_328 : i1 to vector<16xi1>
        %reduce_sum3A_330 = tpu.scan <sum>, %scan3A_326 masked %reduce_sum3A_329 : vector<16xf32>, vector<16xi1> -> vector<16xf32>
        %reduce_sum3A_331 = vector.extract %reduce_sum3A_330[15] : f32 from vector<16xf32>
        %lt3A = arith.cmpf olt, %reduce_sum3A_331, %sub3A_200 : f32
        %select_n3A_332 = arith.select %lt3A, %add3A_321, %scan3A_300 : i32
        %select_n3A_333 = arith.select %lt3A, %scan3A_301, %add3A_321 : i32
        scf.yield %select_n3A_332, %select_n3A_333 : i32, i32
      }
      %scan3A_281 = arith.constant 31 : i32
      %scan3A_282 = arith.constant 0 : i32
      %scan3A_283 = arith.constant 1364 : i32
      %scan3A_284 = arith.addi %scan3A_282, %scan3A_283 : i32
      %scan3A_285 = arith.constant 1 : i32
      %scan3A_286:2 = scf.for %scan3A_299 = %scan3A_282 to %scan3A_284 step %scan3A_285 iter_args(%scan3A_300 = %broadcast_in_dim3A_3, %scan3A_301 = %broadcast_in_dim3A_3) -> (vector<16xf32>, vector<16xf32>)  : i32 {
        %mul3A_302 = arith.constant 16 : i32
        %mul3A_303 = arith.muli %scan3A_299, %mul3A_302 : i32
        %get3A = arith.index_cast %mul3A_303 : i32 to index
        %get3A_304 = tpu.vector_load %arg6[%get3A] {strides = array<i32>} : memref<21824xf32, #tpu.memory_space<vmem>>, vector<16xf32>,
        %bitcast3A = vector.bitcast %get3A_304 : vector<16xf32> to vector<16xi32>
        %lt3A = vector.broadcast %scan3A_280#0 : i32 to vector<16xi32>
        %lt3A_305 = arith.cmpi slt, %bitcast3A, %lt3A : vector<16xi32>
        %jit3A = arith.constant 0.000000e+00 : f32
        %broadcast_in_dim3A_306 = vector.broadcast %jit3A : f32 to vector<16xf32>
        %select_n3A_307 = arith.select %lt3A_305, %get3A_304, %broadcast_in_dim3A_306 : vector<16xi1>, vector<16xf32>
        %add3A_308 = arith.addf %scan3A_300, %select_n3A_307 : vector<16xf32>
        %jit3A_309 = arith.constant 1.000000e+00 : f32
        %jit3A_310 = arith.constant 0.000000e+00 : f32
        %broadcast_in_dim3A_311 = vector.broadcast %jit3A_309 : f32 to vector<16xf32>
        %broadcast_in_dim3A_312 = vector.broadcast %jit3A_310 : f32 to vector<16xf32>
        %select_n3A_313 = arith.select %lt3A_305, %broadcast_in_dim3A_311, %broadcast_in_dim3A_312 : vector<16xi1>, vector<16xf32>
        %add3A_314 = arith.addf %scan3A_301, %select_n3A_313 : vector<16xf32>
        scf.yield %add3A_308, %add3A_314 : vector<16xf32>, vector<16xf32>
      }
      %scan3A_287 = arith.constant 1364 : i32
      %bitcast_convert_type3A = arith.bitcast %scan3A_280#0 : i32 to f32
      %reduce_sum3A_288 = arith.constant true
      %reduce_sum3A_289 = vector.broadcast %reduce_sum3A_288 : i1 to vector<16xi1>
      %reduce_sum3A_290 = tpu.scan <sum>, %scan3A_286#0 masked %reduce_sum3A_289 : vector<16xf32>, vector<16xi1> -> vector<16xf32>
      %reduce_sum3A_291 = vector.extract %reduce_sum3A_290[15] : f32 from vector<16xf32>
      %reduce_sum3A_292 = arith.constant true
      %reduce_sum3A_293 = vector.broadcast %reduce_sum3A_292 : i1 to vector<16xi1>
      %reduce_sum3A_294 = tpu.scan <sum>, %scan3A_286#1 masked %reduce_sum3A_293 : vector<16xf32>, vector<16xi1> -> vector<16xf32>
      %reduce_sum3A_295 = vector.extract %reduce_sum3A_294[15] : f32 from vector<16xf32>
      %sub3A_296 = arith.subf %sub3A_200, %reduce_sum3A_295 : f32
      %mul3A_297 = arith.mulf %sub3A_296, %bitcast_convert_type3A : f32
      %add3A_298 = arith.addf %reduce_sum3A_291, %mul3A_297 : f32
      scf.yield %add3A_298 : f32
    }
    %sub3A_206 = arith.subf %reduce_sum3A_194, %cond3A_205 : f32
    %eq3A_207 = arith.constant 2 : i32
    %eq3A_208 = vector.broadcast %eq3A_207 : i32 to vector<16xi32>
    %eq3A_209 = arith.cmpi eq, %iota3A, %eq3A_208 : vector<16xi32>
    %broadcast_in_dim3A_210 = vector.broadcast %sub3A_206 : f32 to vector<16xf32>
    %select_n3A_211 = arith.select %eq3A_209, %broadcast_in_dim3A_210, %select_n3A_146 : vector<16xi1>, vector<16xf32>
    %eq3A_212 = arith.constant 6 : i32
    %eq3A_213 = vector.broadcast %eq3A_212 : i32 to vector<16xi32>
    %eq3A_214 = arith.cmpi eq, %iota3A, %eq3A_213 : vector<16xi32>
    %broadcast_in_dim3A_215 = vector.broadcast %reduce_sum3A_190 : f32 to vector<16xf32>
    %select_n3A_216 = arith.select %eq3A_214, %broadcast_in_dim3A_215, %select_n3A_211 : vector<16xi1>, vector<16xf32>
    %add3A_217 = arith.constant 3 : i32
    %add3A_218 = arith.addi %mul3A_5, %add3A_217 : i32
    "tpu.region"() ({
      %run_scoped3A = tpu.sem_alloc : memref<!tpu.dma_semaphore, #tpu.memory_space<semaphore_mem>>
      %dma_start3A_268 = arith.constant 0 : i32
      %dma_start3A_269 = tpu.memref_slice %arg4[%add3A_218, %dma_start3A_268] : memref<128x21824xi32, #tpu.memory_space<hbm>> -> memref<1x21824xi32, #tpu.memory_space<hbm>>
      %dma_start3A_270 = tpu.memref_squeeze %dma_start3A_269 : memref<1x21824xi32, #tpu.memory_space<hbm>> -> memref<21824xi32, #tpu.memory_space<hbm>>
      %dma_start3A_271 = arith.constant 0 : i32
      %dma_start3A_272 = tpu.memref_slice %arg4[%add3A_218, %dma_start3A_271] : memref<128x21824xi32, #tpu.memory_space<hbm>> -> memref<1x21824xi32, #tpu.memory_space<hbm>>
      %dma_start3A_273 = tpu.memref_squeeze %dma_start3A_272 : memref<1x21824xi32, #tpu.memory_space<hbm>> -> memref<21824xi32, #tpu.memory_space<hbm>>
      tpu.enqueue_dma source(%dma_start3A_273 : memref<21824xi32, #tpu.memory_space<hbm>>) target(%arg10 : memref<21824xi32, #tpu.memory_space<vmem>>) target_semaphore(%run_scoped3A : memref<!tpu.dma_semaphore, #tpu.memory_space<semaphore_mem>>)
      %dma_wait3A_274 = arith.constant 0 : i32
      %dma_wait3A_275 = tpu.memref_slice %arg4[%add3A_218, %dma_wait3A_274] : memref<128x21824xi32, #tpu.memory_space<hbm>> -> memref<1x21824xi32, #tpu.memory_space<hbm>>
      %dma_wait3A_276 = tpu.memref_squeeze %dma_wait3A_275 : memref<1x21824xi32, #tpu.memory_space<hbm>> -> memref<21824xi32, #tpu.memory_space<hbm>>
      %dma_wait3A_277 = arith.constant 0 : i32
      %dma_wait3A_278 = tpu.memref_slice %arg4[%add3A_218, %dma_wait3A_277] : memref<128x21824xi32, #tpu.memory_space<hbm>> -> memref<1x21824xi32, #tpu.memory_space<hbm>>
      %dma_wait3A_279 = tpu.memref_squeeze %dma_wait3A_278 : memref<1x21824xi32, #tpu.memory_space<hbm>> -> memref<21824xi32, #tpu.memory_space<hbm>>
      tpu.wait_dma2 semaphore(%run_scoped3A : memref<!tpu.dma_semaphore, #tpu.memory_space<semaphore_mem>>) src(%dma_wait3A_279 : memref<21824xi32, #tpu.memory_space<hbm>>) dst(%arg10 : memref<21824xi32, #tpu.memory_space<vmem>>)
      tpu.yield
    }) : () -> ()
    %dma_wait3A_219 = arith.constant 0 : i32
    %dma_wait3A_220 = tpu.memref_slice %arg2[%add3A_164, %dma_wait3A_219] : memref<128x21824xf32, #tpu.memory_space<hbm>> -> memref<1x21824xf32, #tpu.memory_space<hbm>>
    %dma_wait3A_221 = tpu.memref_squeeze %dma_wait3A_220 : memref<1x21824xf32, #tpu.memory_space<hbm>> -> memref<21824xf32, #tpu.memory_space<hbm>>
    %dma_wait3A_222 = arith.constant 0 : i32
    %dma_wait3A_223 = tpu.memref_slice %arg2[%add3A_164, %dma_wait3A_222] : memref<128x21824xf32, #tpu.memory_space<hbm>> -> memref<1x21824xf32, #tpu.memory_space<hbm>>
    %dma_wait3A_224 = tpu.memref_squeeze %dma_wait3A_223 : memref<1x21824xf32, #tpu.memory_space<hbm>> -> memref<21824xf32, #tpu.memory_space<hbm>>
    tpu.wait_dma2 semaphore(%arg13 : memref<!tpu.dma_semaphore, #tpu.memory_space<semaphore_mem>>) src(%dma_wait3A_224 : memref<21824xf32, #tpu.memory_space<hbm>>) dst(%arg8 : memref<21824xf32, #tpu.memory_space<vmem>>)
    %dma_wait3A_225 = arith.constant 0 : i32
    %dma_wait3A_226 = tpu.memref_slice %arg3[%add3A_174, %dma_wait3A_225] : memref<128x21824xf32, #tpu.memory_space<hbm>> -> memref<1x21824xf32, #tpu.memory_space<hbm>>
    %dma_wait3A_227 = tpu.memref_squeeze %dma_wait3A_226 : memref<1x21824xf32, #tpu.memory_space<hbm>> -> memref<21824xf32, #tpu.memory_space<hbm>>
    %dma_wait3A_228 = arith.constant 0 : i32
    %dma_wait3A_229 = tpu.memref_slice %arg3[%add3A_174, %dma_wait3A_228] : memref<128x21824xf32, #tpu.memory_space<hbm>> -> memref<1x21824xf32, #tpu.memory_space<hbm>>
    %dma_wait3A_230 = tpu.memref_squeeze %dma_wait3A_229 : memref<1x21824xf32, #tpu.memory_space<hbm>> -> memref<21824xf32, #tpu.memory_space<hbm>>
    tpu.wait_dma2 semaphore(%arg13 : memref<!tpu.dma_semaphore, #tpu.memory_space<semaphore_mem>>) src(%dma_wait3A_230 : memref<21824xf32, #tpu.memory_space<hbm>>) dst(%arg9 : memref<21824xf32, #tpu.memory_space<vmem>>)
    %scan3A_231 = arith.constant 0 : i32
    %scan3A_232 = arith.constant 682 : i32
    %scan3A_233 = arith.addi %scan3A_231, %scan3A_232 : i32
    %scan3A_234 = arith.constant 1 : i32
    %scan3A_235:2 = scf.for %scan3A_268 = %scan3A_231 to %scan3A_233 step %scan3A_234 iter_args(%scan3A_269 = %broadcast_in_dim3A_3, %scan3A_270 = %broadcast_in_dim3A_3) -> (vector<16xf32>, vector<16xf32>)  : i32 {
      %mul3A_271 = arith.constant 32 : i32
      %mul3A_272 = arith.muli %scan3A_268, %mul3A_271 : i32
      %add3A_273 = arith.constant 0 : i32
      %add3A_274 = arith.addi %mul3A_272, %add3A_273 : i32
      %get3A = arith.index_cast %add3A_274 : i32 to index
      %get3A_275 = tpu.vector_load %arg8[%get3A] {strides = array<i32>} : memref<21824xf32, #tpu.memory_space<vmem>>, vector<16xf32>,
      %get3A_276 = arith.index_cast %add3A_274 : i32 to index
      %get3A_277 = tpu.vector_load %arg9[%get3A_276] {strides = array<i32>} : memref<21824xf32, #tpu.memory_space<vmem>>, vector<16xf32>,
      %get3A_278 = arith.index_cast %add3A_274 : i32 to index
      %get3A_279 = tpu.vector_load %arg10[%get3A_278] {strides = array<i32>} : memref<21824xi32, #tpu.memory_space<vmem>>, vector<16xi32>,
      %sub3A_280 = arith.subf %get3A_275, %get3A_277 : vector<16xf32>
      %gt3A = arith.constant 0 : i32
      %gt3A_281 = vector.broadcast %gt3A : i32 to vector<16xi32>
      %gt3A_282 = arith.cmpi sgt, %get3A_279, %gt3A_281 : vector<16xi32>
      %neg3A = arith.constant 0.000000e+00 : f32
      %neg3A_283 = vector.broadcast %neg3A : f32 to vector<16xf32>
      %neg3A_284 = arith.subf %neg3A_283, %sub3A_280 : vector<16xf32>
      %select_n3A_285 = arith.select %gt3A_282, %sub3A_280, %neg3A_284 : vector<16xi1>, vector<16xf32>
      %abs3A = math.absf %sub3A_280 : vector<16xf32>
      %max3A = arith.constant 0.000000e+00 : f32
      %max3A_286 = vector.broadcast %max3A : f32 to vector<16xf32>
      %max3A_287 = arith.maximumf %select_n3A_285, %max3A_286 : vector<16xf32>
      %neg3A_288 = arith.constant 0.000000e+00 : f32
      %neg3A_289 = vector.broadcast %neg3A_288 : f32 to vector<16xf32>
      %neg3A_290 = arith.subf %neg3A_289, %abs3A : vector<16xf32>
      %exp3A = math.exp %neg3A_290 : vector<16xf32>
      %broadcast_in_dim3A_291 = arith.constant -0.0174140781 : f32
      %broadcast_in_dim3A_292 = vector.broadcast %broadcast_in_dim3A_291 : f32 to vector<16xf32>
      %mul3A_293 = arith.mulf %broadcast_in_dim3A_292, %exp3A : vector<16xf32>
      %add3A_294 = arith.constant 0.0826912373 : f32
      %add3A_295 = vector.broadcast %add3A_294 : f32 to vector<16xf32>
      %add3A_296 = arith.addf %mul3A_293, %add3A_295 : vector<16xf32>
      %mul3A_297 = arith.mulf %add3A_296, %exp3A : vector<16xf32>
      %add3A_298 = arith.constant -0.190354332 : f32
      %add3A_299 = vector.broadcast %add3A_298 : f32 to vector<16xf32>
      %add3A_300 = arith.addf %mul3A_297, %add3A_299 : vector<16xf32>
      %mul3A_301 = arith.mulf %add3A_300, %exp3A : vector<16xf32>
      %add3A_302 = arith.constant 0.315747321 : f32
      %add3A_303 = vector.broadcast %add3A_302 : f32 to vector<16xf32>
      %add3A_304 = arith.addf %mul3A_301, %add3A_303 : vector<16xf32>
      %mul3A_305 = arith.mulf %add3A_304, %exp3A : vector<16xf32>
      %add3A_306 = arith.constant -0.497373223 : f32
      %add3A_307 = vector.broadcast %add3A_306 : f32 to vector<16xf32>
      %add3A_308 = arith.addf %mul3A_305, %add3A_307 : vector<16xf32>
      %mul3A_309 = arith.mulf %add3A_308, %exp3A : vector<16xf32>
      %add3A_310 = arith.constant 0.99984771 : f32
      %add3A_311 = vector.broadcast %add3A_310 : f32 to vector<16xf32>
      %add3A_312 = arith.addf %mul3A_309, %add3A_311 : vector<16xf32>
      %mul3A_313 = arith.mulf %add3A_312, %exp3A : vector<16xf32>
      %add3A_314 = arith.constant 1.47206504E-6 : f32
      %add3A_315 = vector.broadcast %add3A_314 : f32 to vector<16xf32>
      %add3A_316 = arith.addf %mul3A_313, %add3A_315 : vector<16xf32>
      %add3A_317 = arith.addf %max3A_287, %add3A_316 : vector<16xf32>
      %add3A_318 = arith.addf %scan3A_270, %add3A_317 : vector<16xf32>
      %gt3A_319 = arith.constant 0 : i32
      %gt3A_320 = vector.broadcast %gt3A_319 : i32 to vector<16xi32>
      %gt3A_321 = arith.cmpi sgt, %get3A_279, %gt3A_320 : vector<16xi32>
      %jit3A = arith.constant 1.000000e+00 : f32
      %jit3A_322 = arith.constant 0.000000e+00 : f32
      %broadcast_in_dim3A_323 = vector.broadcast %jit3A : f32 to vector<16xf32>
      %broadcast_in_dim3A_324 = vector.broadcast %jit3A_322 : f32 to vector<16xf32>
      %select_n3A_325 = arith.select %gt3A_321, %broadcast_in_dim3A_323, %broadcast_in_dim3A_324 : vector<16xi1>, vector<16xf32>
      %add3A_326 = arith.addf %scan3A_269, %select_n3A_325 : vector<16xf32>
      %mul3A_327 = arith.constant 32 : i32
      %mul3A_328 = arith.muli %scan3A_268, %mul3A_327 : i32
      %add3A_329 = arith.constant 16 : i32
      %add3A_330 = arith.addi %mul3A_328, %add3A_329 : i32
      %get3A_331 = arith.index_cast %add3A_330 : i32 to index
      %get3A_332 = tpu.vector_load %arg8[%get3A_331] {strides = array<i32>} : memref<21824xf32, #tpu.memory_space<vmem>>, vector<16xf32>,
      %get3A_333 = arith.index_cast %add3A_330 : i32 to index
      %get3A_334 = tpu.vector_load %arg9[%get3A_333] {strides = array<i32>} : memref<21824xf32, #tpu.memory_space<vmem>>, vector<16xf32>,
      %get3A_335 = arith.index_cast %add3A_330 : i32 to index
      %get3A_336 = tpu.vector_load %arg10[%get3A_335] {strides = array<i32>} : memref<21824xi32, #tpu.memory_space<vmem>>, vector<16xi32>,
      %sub3A_337 = arith.subf %get3A_332, %get3A_334 : vector<16xf32>
      %gt3A_338 = arith.constant 0 : i32
      %gt3A_339 = vector.broadcast %gt3A_338 : i32 to vector<16xi32>
      %gt3A_340 = arith.cmpi sgt, %get3A_336, %gt3A_339 : vector<16xi32>
      %neg3A_341 = arith.constant 0.000000e+00 : f32
      %neg3A_342 = vector.broadcast %neg3A_341 : f32 to vector<16xf32>
      %neg3A_343 = arith.subf %neg3A_342, %sub3A_337 : vector<16xf32>
      %select_n3A_344 = arith.select %gt3A_340, %sub3A_337, %neg3A_343 : vector<16xi1>, vector<16xf32>
      %abs3A_345 = math.absf %sub3A_337 : vector<16xf32>
      %max3A_346 = arith.constant 0.000000e+00 : f32
      %max3A_347 = vector.broadcast %max3A_346 : f32 to vector<16xf32>
      %max3A_348 = arith.maximumf %select_n3A_344, %max3A_347 : vector<16xf32>
      %neg3A_349 = arith.constant 0.000000e+00 : f32
      %neg3A_350 = vector.broadcast %neg3A_349 : f32 to vector<16xf32>
      %neg3A_351 = arith.subf %neg3A_350, %abs3A_345 : vector<16xf32>
      %exp3A_352 = math.exp %neg3A_351 : vector<16xf32>
      %broadcast_in_dim3A_353 = arith.constant -0.0174140781 : f32
      %broadcast_in_dim3A_354 = vector.broadcast %broadcast_in_dim3A_353 : f32 to vector<16xf32>
      %mul3A_355 = arith.mulf %broadcast_in_dim3A_354, %exp3A_352 : vector<16xf32>
      %add3A_356 = arith.constant 0.0826912373 : f32
      %add3A_357 = vector.broadcast %add3A_356 : f32 to vector<16xf32>
      %add3A_358 = arith.addf %mul3A_355, %add3A_357 : vector<16xf32>
      %mul3A_359 = arith.mulf %add3A_358, %exp3A_352 : vector<16xf32>
      %add3A_360 = arith.constant -0.190354332 : f32
      %add3A_361 = vector.broadcast %add3A_360 : f32 to vector<16xf32>
      %add3A_362 = arith.addf %mul3A_359, %add3A_361 : vector<16xf32>
      %mul3A_363 = arith.mulf %add3A_362, %exp3A_352 : vector<16xf32>
      %add3A_364 = arith.constant 0.315747321 : f32
      %add3A_365 = vector.broadcast %add3A_364 : f32 to vector<16xf32>
      %add3A_366 = arith.addf %mul3A_363, %add3A_365 : vector<16xf32>
      %mul3A_367 = arith.mulf %add3A_366, %exp3A_352 : vector<16xf32>
      %add3A_368 = arith.constant -0.497373223 : f32
      %add3A_369 = vector.broadcast %add3A_368 : f32 to vector<16xf32>
      %add3A_370 = arith.addf %mul3A_367, %add3A_369 : vector<16xf32>
      %mul3A_371 = arith.mulf %add3A_370, %exp3A_352 : vector<16xf32>
      %add3A_372 = arith.constant 0.99984771 : f32
      %add3A_373 = vector.broadcast %add3A_372 : f32 to vector<16xf32>
      %add3A_374 = arith.addf %mul3A_371, %add3A_373 : vector<16xf32>
      %mul3A_375 = arith.mulf %add3A_374, %exp3A_352 : vector<16xf32>
      %add3A_376 = arith.constant 1.47206504E-6 : f32
      %add3A_377 = vector.broadcast %add3A_376 : f32 to vector<16xf32>
      %add3A_378 = arith.addf %mul3A_375, %add3A_377 : vector<16xf32>
      %add3A_379 = arith.addf %max3A_348, %add3A_378 : vector<16xf32>
      %add3A_380 = arith.addf %add3A_318, %add3A_379 : vector<16xf32>
      %gt3A_381 = arith.constant 0 : i32
      %gt3A_382 = vector.broadcast %gt3A_381 : i32 to vector<16xi32>
      %gt3A_383 = arith.cmpi sgt, %get3A_336, %gt3A_382 : vector<16xi32>
      %jit3A_384 = arith.constant 1.000000e+00 : f32
      %jit3A_385 = arith.constant 0.000000e+00 : f32
      %broadcast_in_dim3A_386 = vector.broadcast %jit3A_384 : f32 to vector<16xf32>
      %broadcast_in_dim3A_387 = vector.broadcast %jit3A_385 : f32 to vector<16xf32>
      %select_n3A_388 = arith.select %gt3A_383, %broadcast_in_dim3A_386, %broadcast_in_dim3A_387 : vector<16xi1>, vector<16xf32>
      %add3A_389 = arith.addf %add3A_326, %select_n3A_388 : vector<16xf32>
      scf.yield %add3A_389, %add3A_380 : vector<16xf32>, vector<16xf32>
    }
    %scan3A_236 = arith.constant 682 : i32
    %reduce_sum3A_237 = arith.constant true
    %reduce_sum3A_238 = vector.broadcast %reduce_sum3A_237 : i1 to vector<16xi1>
    %reduce_sum3A_239 = tpu.scan <sum>, %scan3A_235#0 masked %reduce_sum3A_238 : vector<16xf32>, vector<16xi1> -> vector<16xf32>
    %reduce_sum3A_240 = vector.extract %reduce_sum3A_239[15] : f32 from vector<16xf32>
    %reduce_sum3A_241 = arith.constant true
    %reduce_sum3A_242 = vector.broadcast %reduce_sum3A_241 : i1 to vector<16xi1>
    %reduce_sum3A_243 = tpu.scan <sum>, %scan3A_235#1 masked %reduce_sum3A_242 : vector<16xf32>, vector<16xi1> -> vector<16xf32>
    %reduce_sum3A_244 = vector.extract %reduce_sum3A_243[15] : f32 from vector<16xf32>
    %mul3A_245 = arith.constant 3.000000e+00 : f32
    %mul3A_246 = arith.mulf %mul3A_245, %reduce_sum3A_240 : f32
    %min3A_247 = arith.constant 2.182300e+04 : f32
    %min3A_248 = arith.minimumf %mul3A_246, %min3A_247 : f32
    %sub3A_249 = arith.constant 2.182400e+04 : f32
    %sub3A_250 = arith.subf %sub3A_249, %min3A_248 : f32
    %le3A_251 = arith.cmpf ole, %sub3A_250, %reduce_sum3A_240 : f32
    %convert_element_type3A_252 = arith.extui %le3A_251 : i1 to i32
    %cond3A_253 = arith.constant 0 : i32
    %cond3A_254 = arith.cmpi ne, %convert_element_type3A_252, %cond3A_253 : i32
    %cond3A_255 = scf.if %cond3A_254 -> (f32) {
      %cond3A_268 = arith.constant 0.000000e+00 : f32
      scf.yield %cond3A_268 : f32
    } else {
      %scan3A_268 = arith.constant 0 : i32
      %scan3A_269 = arith.constant 0 : i32
      %scan3A_270 = arith.constant 682 : i32
      %scan3A_271 = arith.addi %scan3A_269, %scan3A_270 : i32
      %scan3A_272 = arith.constant 1 : i32
      scf.for %scan3A_299 = %scan3A_269 to %scan3A_271 step %scan3A_272  : i32 {
        %mul3A_300 = arith.constant 32 : i32
        %mul3A_301 = arith.muli %scan3A_299, %mul3A_300 : i32
        %add3A_302 = arith.constant 0 : i32
        %add3A_303 = arith.addi %mul3A_301, %add3A_302 : i32
        %get3A = arith.index_cast %add3A_303 : i32 to index
        %get3A_304 = tpu.vector_load %arg8[%get3A] {strides = array<i32>} : memref<21824xf32, #tpu.memory_space<vmem>>, vector<16xf32>,
        %get3A_305 = arith.index_cast %add3A_303 : i32 to index
        %get3A_306 = tpu.vector_load %arg9[%get3A_305] {strides = array<i32>} : memref<21824xf32, #tpu.memory_space<vmem>>, vector<16xf32>,
        %get3A_307 = arith.index_cast %add3A_303 : i32 to index
        %get3A_308 = tpu.vector_load %arg10[%get3A_307] {strides = array<i32>} : memref<21824xi32, #tpu.memory_space<vmem>>, vector<16xi32>,
        %sub3A_309 = arith.subf %get3A_304, %get3A_306 : vector<16xf32>
        %gt3A = arith.constant 0 : i32
        %gt3A_310 = vector.broadcast %gt3A : i32 to vector<16xi32>
        %gt3A_311 = arith.cmpi sgt, %get3A_308, %gt3A_310 : vector<16xi32>
        %neg3A = arith.constant 0.000000e+00 : f32
        %neg3A_312 = vector.broadcast %neg3A : f32 to vector<16xf32>
        %neg3A_313 = arith.subf %neg3A_312, %sub3A_309 : vector<16xf32>
        %select_n3A_314 = arith.select %gt3A_311, %sub3A_309, %neg3A_313 : vector<16xi1>, vector<16xf32>
        %abs3A = math.absf %sub3A_309 : vector<16xf32>
        %max3A = arith.constant 0.000000e+00 : f32
        %max3A_315 = vector.broadcast %max3A : f32 to vector<16xf32>
        %max3A_316 = arith.maximumf %select_n3A_314, %max3A_315 : vector<16xf32>
        %neg3A_317 = arith.constant 0.000000e+00 : f32
        %neg3A_318 = vector.broadcast %neg3A_317 : f32 to vector<16xf32>
        %neg3A_319 = arith.subf %neg3A_318, %abs3A : vector<16xf32>
        %exp3A = math.exp %neg3A_319 : vector<16xf32>
        %broadcast_in_dim3A_320 = arith.constant -0.0174140781 : f32
        %broadcast_in_dim3A_321 = vector.broadcast %broadcast_in_dim3A_320 : f32 to vector<16xf32>
        %mul3A_322 = arith.mulf %broadcast_in_dim3A_321, %exp3A : vector<16xf32>
        %add3A_323 = arith.constant 0.0826912373 : f32
        %add3A_324 = vector.broadcast %add3A_323 : f32 to vector<16xf32>
        %add3A_325 = arith.addf %mul3A_322, %add3A_324 : vector<16xf32>
        %mul3A_326 = arith.mulf %add3A_325, %exp3A : vector<16xf32>
        %add3A_327 = arith.constant -0.190354332 : f32
        %add3A_328 = vector.broadcast %add3A_327 : f32 to vector<16xf32>
        %add3A_329 = arith.addf %mul3A_326, %add3A_328 : vector<16xf32>
        %mul3A_330 = arith.mulf %add3A_329, %exp3A : vector<16xf32>
        %add3A_331 = arith.constant 0.315747321 : f32
        %add3A_332 = vector.broadcast %add3A_331 : f32 to vector<16xf32>
        %add3A_333 = arith.addf %mul3A_330, %add3A_332 : vector<16xf32>
        %mul3A_334 = arith.mulf %add3A_333, %exp3A : vector<16xf32>
        %add3A_335 = arith.constant -0.497373223 : f32
        %add3A_336 = vector.broadcast %add3A_335 : f32 to vector<16xf32>
        %add3A_337 = arith.addf %mul3A_334, %add3A_336 : vector<16xf32>
        %mul3A_338 = arith.mulf %add3A_337, %exp3A : vector<16xf32>
        %add3A_339 = arith.constant 0.99984771 : f32
        %add3A_340 = vector.broadcast %add3A_339 : f32 to vector<16xf32>
        %add3A_341 = arith.addf %mul3A_338, %add3A_340 : vector<16xf32>
        %mul3A_342 = arith.mulf %add3A_341, %exp3A : vector<16xf32>
        %add3A_343 = arith.constant 1.47206504E-6 : f32
        %add3A_344 = vector.broadcast %add3A_343 : f32 to vector<16xf32>
        %add3A_345 = arith.addf %mul3A_342, %add3A_344 : vector<16xf32>
        %add3A_346 = arith.addf %max3A_316, %add3A_345 : vector<16xf32>
        %gt3A_347 = arith.constant 0 : i32
        %gt3A_348 = vector.broadcast %gt3A_347 : i32 to vector<16xi32>
        %gt3A_349 = arith.cmpi sgt, %get3A_308, %gt3A_348 : vector<16xi32>
        %jit3A = arith.constant 0.000000e+00 : f32
        %broadcast_in_dim3A_350 = vector.broadcast %jit3A : f32 to vector<16xf32>
        %select_n3A_351 = arith.select %gt3A_349, %broadcast_in_dim3A_350, %add3A_346 : vector<16xi1>, vector<16xf32>
        %swap3A_352 = arith.index_cast %add3A_303 : i32 to index
        %swap3A_353 = tpu.vector_load %arg8[%swap3A_352] {strides = array<i32>} : memref<21824xf32, #tpu.memory_space<vmem>>, vector<16xf32>,
        tpu.vector_store %arg8[%swap3A_352], %select_n3A_351 {strides = array<i32>} : memref<21824xf32, #tpu.memory_space<vmem>>, vector<16xf32>,
        %mul3A_354 = arith.constant 32 : i32
        %mul3A_355 = arith.muli %scan3A_299, %mul3A_354 : i32
        %add3A_356 = arith.constant 16 : i32
        %add3A_357 = arith.addi %mul3A_355, %add3A_356 : i32
        %get3A_358 = arith.index_cast %add3A_357 : i32 to index
        %get3A_359 = tpu.vector_load %arg8[%get3A_358] {strides = array<i32>} : memref<21824xf32, #tpu.memory_space<vmem>>, vector<16xf32>,
        %get3A_360 = arith.index_cast %add3A_357 : i32 to index
        %get3A_361 = tpu.vector_load %arg9[%get3A_360] {strides = array<i32>} : memref<21824xf32, #tpu.memory_space<vmem>>, vector<16xf32>,
        %get3A_362 = arith.index_cast %add3A_357 : i32 to index
        %get3A_363 = tpu.vector_load %arg10[%get3A_362] {strides = array<i32>} : memref<21824xi32, #tpu.memory_space<vmem>>, vector<16xi32>,
        %sub3A_364 = arith.subf %get3A_359, %get3A_361 : vector<16xf32>
        %gt3A_365 = arith.constant 0 : i32
        %gt3A_366 = vector.broadcast %gt3A_365 : i32 to vector<16xi32>
        %gt3A_367 = arith.cmpi sgt, %get3A_363, %gt3A_366 : vector<16xi32>
        %neg3A_368 = arith.constant 0.000000e+00 : f32
        %neg3A_369 = vector.broadcast %neg3A_368 : f32 to vector<16xf32>
        %neg3A_370 = arith.subf %neg3A_369, %sub3A_364 : vector<16xf32>
        %select_n3A_371 = arith.select %gt3A_367, %sub3A_364, %neg3A_370 : vector<16xi1>, vector<16xf32>
        %abs3A_372 = math.absf %sub3A_364 : vector<16xf32>
        %max3A_373 = arith.constant 0.000000e+00 : f32
        %max3A_374 = vector.broadcast %max3A_373 : f32 to vector<16xf32>
        %max3A_375 = arith.maximumf %select_n3A_371, %max3A_374 : vector<16xf32>
        %neg3A_376 = arith.constant 0.000000e+00 : f32
        %neg3A_377 = vector.broadcast %neg3A_376 : f32 to vector<16xf32>
        %neg3A_378 = arith.subf %neg3A_377, %abs3A_372 : vector<16xf32>
        %exp3A_379 = math.exp %neg3A_378 : vector<16xf32>
        %broadcast_in_dim3A_380 = arith.constant -0.0174140781 : f32
        %broadcast_in_dim3A_381 = vector.broadcast %broadcast_in_dim3A_380 : f32 to vector<16xf32>
        %mul3A_382 = arith.mulf %broadcast_in_dim3A_381, %exp3A_379 : vector<16xf32>
        %add3A_383 = arith.constant 0.0826912373 : f32
        %add3A_384 = vector.broadcast %add3A_383 : f32 to vector<16xf32>
        %add3A_385 = arith.addf %mul3A_382, %add3A_384 : vector<16xf32>
        %mul3A_386 = arith.mulf %add3A_385, %exp3A_379 : vector<16xf32>
        %add3A_387 = arith.constant -0.190354332 : f32
        %add3A_388 = vector.broadcast %add3A_387 : f32 to vector<16xf32>
        %add3A_389 = arith.addf %mul3A_386, %add3A_388 : vector<16xf32>
        %mul3A_390 = arith.mulf %add3A_389, %exp3A_379 : vector<16xf32>
        %add3A_391 = arith.constant 0.315747321 : f32
        %add3A_392 = vector.broadcast %add3A_391 : f32 to vector<16xf32>
        %add3A_393 = arith.addf %mul3A_390, %add3A_392 : vector<16xf32>
        %mul3A_394 = arith.mulf %add3A_393, %exp3A_379 : vector<16xf32>
        %add3A_395 = arith.constant -0.497373223 : f32
        %add3A_396 = vector.broadcast %add3A_395 : f32 to vector<16xf32>
        %add3A_397 = arith.addf %mul3A_394, %add3A_396 : vector<16xf32>
        %mul3A_398 = arith.mulf %add3A_397, %exp3A_379 : vector<16xf32>
        %add3A_399 = arith.constant 0.99984771 : f32
        %add3A_400 = vector.broadcast %add3A_399 : f32 to vector<16xf32>
        %add3A_401 = arith.addf %mul3A_398, %add3A_400 : vector<16xf32>
        %mul3A_402 = arith.mulf %add3A_401, %exp3A_379 : vector<16xf32>
        %add3A_403 = arith.constant 1.47206504E-6 : f32
        %add3A_404 = vector.broadcast %add3A_403 : f32 to vector<16xf32>
        %add3A_405 = arith.addf %mul3A_402, %add3A_404 : vector<16xf32>
        %add3A_406 = arith.addf %max3A_375, %add3A_405 : vector<16xf32>
        %gt3A_407 = arith.constant 0 : i32
        %gt3A_408 = vector.broadcast %gt3A_407 : i32 to vector<16xi32>
        %gt3A_409 = arith.cmpi sgt, %get3A_363, %gt3A_408 : vector<16xi32>
        %jit3A_410 = arith.constant 0.000000e+00 : f32
        %broadcast_in_dim3A_411 = vector.broadcast %jit3A_410 : f32 to vector<16xf32>
        %select_n3A_412 = arith.select %gt3A_409, %broadcast_in_dim3A_411, %add3A_406 : vector<16xi1>, vector<16xf32>
        %swap3A_413 = arith.index_cast %add3A_357 : i32 to index
        %swap3A_414 = tpu.vector_load %arg8[%swap3A_413] {strides = array<i32>} : memref<21824xf32, #tpu.memory_space<vmem>>, vector<16xf32>,
        tpu.vector_store %arg8[%swap3A_413], %select_n3A_412 {strides = array<i32>} : memref<21824xf32, #tpu.memory_space<vmem>>, vector<16xf32>,
      }
      %scan3A_273 = arith.constant 682 : i32
      %scan3A_274 = arith.constant 0 : i32
      %scan3A_275 = arith.constant 2139095041 : i32
      %scan3A_276 = arith.constant 0 : i32
      %scan3A_277 = arith.constant 31 : i32
      %scan3A_278 = arith.addi %scan3A_276, %scan3A_277 : i32
      %scan3A_279 = arith.constant 1 : i32
      %scan3A_280:2 = scf.for %scan3A_299 = %scan3A_276 to %scan3A_278 step %scan3A_279 iter_args(%scan3A_300 = %scan3A_274, %scan3A_301 = %scan3A_275) -> (i32, i32)  : i32 {
        %sub3A_302 = arith.subi %scan3A_301, %scan3A_300 : i32
        %jit3A = arith.constant 2 : i32
        %div3A = arith.divsi %sub3A_302, %jit3A : i32
        %sign3A = arith.constant 0 : i32
        %sign3A_303 = arith.cmpi sgt, %sub3A_302, %sign3A : i32
        %sign3A_304 = arith.extui %sign3A_303 : i1 to i32
        %sign3A_305 = arith.constant 0 : i32
        %sign3A_306 = arith.cmpi slt, %sub3A_302, %sign3A_305 : i32
        %sign3A_307 = arith.extui %sign3A_306 : i1 to i32
        %sign3A_308 = arith.subi %sign3A_304, %sign3A_307 : i32
        %sign3A_309 = arith.constant 0 : i32
        %sign3A_310 = arith.cmpi sgt, %jit3A, %sign3A_309 : i32
        %sign3A_311 = arith.extui %sign3A_310 : i1 to i32
        %sign3A_312 = arith.constant 0 : i32
        %sign3A_313 = arith.cmpi slt, %jit3A, %sign3A_312 : i32
        %sign3A_314 = arith.extui %sign3A_313 : i1 to i32
        %sign3A_315 = arith.subi %sign3A_311, %sign3A_314 : i32
        %ne3A = arith.cmpi ne, %sign3A_308, %sign3A_315 : i32
        %rem3A = arith.remsi %sub3A_302, %jit3A : i32
        %ne3A_316 = arith.constant 0 : i32
        %ne3A_317 = arith.cmpi ne, %rem3A, %ne3A_316 : i32
        %and3A = arith.andi %ne3A, %ne3A_317 : i1
        %sub3A_318 = arith.constant 1 : i32
        %sub3A_319 = arith.subi %div3A, %sub3A_318 : i32
        %select_n3A_320 = arith.select %and3A, %sub3A_319, %div3A : i32
        %add3A_321 = arith.addi %scan3A_300, %select_n3A_320 : i32
        %scan3A_322 = arith.constant 0 : i32
        %scan3A_323 = arith.constant 1364 : i32
        %scan3A_324 = arith.addi %scan3A_322, %scan3A_323 : i32
        %scan3A_325 = arith.constant 1 : i32
        %scan3A_326 = scf.for %scan3A_334 = %scan3A_322 to %scan3A_324 step %scan3A_325 iter_args(%scan3A_335 = %broadcast_in_dim3A_3) -> (vector<16xf32>)  : i32 {
          %mul3A_336 = arith.constant 16 : i32
          %mul3A_337 = arith.muli %scan3A_334, %mul3A_336 : i32
          %get3A = arith.index_cast %mul3A_337 : i32 to index
          %get3A_338 = tpu.vector_load %arg8[%get3A] {strides = array<i32>} : memref<21824xf32, #tpu.memory_space<vmem>>, vector<16xf32>,
          %bitcast3A = vector.bitcast %get3A_338 : vector<16xf32> to vector<16xi32>
          %lt3A_339 = vector.broadcast %add3A_321 : i32 to vector<16xi32>
          %lt3A_340 = arith.cmpi slt, %bitcast3A, %lt3A_339 : vector<16xi32>
          %jit3A_341 = arith.constant 1.000000e+00 : f32
          %jit3A_342 = arith.constant 0.000000e+00 : f32
          %broadcast_in_dim3A_343 = vector.broadcast %jit3A_341 : f32 to vector<16xf32>
          %broadcast_in_dim3A_344 = vector.broadcast %jit3A_342 : f32 to vector<16xf32>
          %select_n3A_345 = arith.select %lt3A_340, %broadcast_in_dim3A_343, %broadcast_in_dim3A_344 : vector<16xi1>, vector<16xf32>
          %add3A_346 = arith.addf %scan3A_335, %select_n3A_345 : vector<16xf32>
          scf.yield %add3A_346 : vector<16xf32>
        }
        %scan3A_327 = arith.constant 1364 : i32
        %reduce_sum3A_328 = arith.constant true
        %reduce_sum3A_329 = vector.broadcast %reduce_sum3A_328 : i1 to vector<16xi1>
        %reduce_sum3A_330 = tpu.scan <sum>, %scan3A_326 masked %reduce_sum3A_329 : vector<16xf32>, vector<16xi1> -> vector<16xf32>
        %reduce_sum3A_331 = vector.extract %reduce_sum3A_330[15] : f32 from vector<16xf32>
        %lt3A = arith.cmpf olt, %reduce_sum3A_331, %sub3A_250 : f32
        %select_n3A_332 = arith.select %lt3A, %add3A_321, %scan3A_300 : i32
        %select_n3A_333 = arith.select %lt3A, %scan3A_301, %add3A_321 : i32
        scf.yield %select_n3A_332, %select_n3A_333 : i32, i32
      }
      %scan3A_281 = arith.constant 31 : i32
      %scan3A_282 = arith.constant 0 : i32
      %scan3A_283 = arith.constant 1364 : i32
      %scan3A_284 = arith.addi %scan3A_282, %scan3A_283 : i32
      %scan3A_285 = arith.constant 1 : i32
      %scan3A_286:2 = scf.for %scan3A_299 = %scan3A_282 to %scan3A_284 step %scan3A_285 iter_args(%scan3A_300 = %broadcast_in_dim3A_3, %scan3A_301 = %broadcast_in_dim3A_3) -> (vector<16xf32>, vector<16xf32>)  : i32 {
        %mul3A_302 = arith.constant 16 : i32
        %mul3A_303 = arith.muli %scan3A_299, %mul3A_302 : i32
        %get3A = arith.index_cast %mul3A_303 : i32 to index
        %get3A_304 = tpu.vector_load %arg8[%get3A] {strides = array<i32>} : memref<21824xf32, #tpu.memory_space<vmem>>, vector<16xf32>,
        %bitcast3A = vector.bitcast %get3A_304 : vector<16xf32> to vector<16xi32>
        %lt3A = vector.broadcast %scan3A_280#0 : i32 to vector<16xi32>
        %lt3A_305 = arith.cmpi slt, %bitcast3A, %lt3A : vector<16xi32>
        %jit3A = arith.constant 0.000000e+00 : f32
        %broadcast_in_dim3A_306 = vector.broadcast %jit3A : f32 to vector<16xf32>
        %select_n3A_307 = arith.select %lt3A_305, %get3A_304, %broadcast_in_dim3A_306 : vector<16xi1>, vector<16xf32>
        %add3A_308 = arith.addf %scan3A_300, %select_n3A_307 : vector<16xf32>
        %jit3A_309 = arith.constant 1.000000e+00 : f32
        %jit3A_310 = arith.constant 0.000000e+00 : f32
        %broadcast_in_dim3A_311 = vector.broadcast %jit3A_309 : f32 to vector<16xf32>
        %broadcast_in_dim3A_312 = vector.broadcast %jit3A_310 : f32 to vector<16xf32>
        %select_n3A_313 = arith.select %lt3A_305, %broadcast_in_dim3A_311, %broadcast_in_dim3A_312 : vector<16xi1>, vector<16xf32>
        %add3A_314 = arith.addf %scan3A_301, %select_n3A_313 : vector<16xf32>
        scf.yield %add3A_308, %add3A_314 : vector<16xf32>, vector<16xf32>
      }
      %scan3A_287 = arith.constant 1364 : i32
      %bitcast_convert_type3A = arith.bitcast %scan3A_280#0 : i32 to f32
      %reduce_sum3A_288 = arith.constant true
      %reduce_sum3A_289 = vector.broadcast %reduce_sum3A_288 : i1 to vector<16xi1>
      %reduce_sum3A_290 = tpu.scan <sum>, %scan3A_286#0 masked %reduce_sum3A_289 : vector<16xf32>, vector<16xi1> -> vector<16xf32>
      %reduce_sum3A_291 = vector.extract %reduce_sum3A_290[15] : f32 from vector<16xf32>
      %reduce_sum3A_292 = arith.constant true
      %reduce_sum3A_293 = vector.broadcast %reduce_sum3A_292 : i1 to vector<16xi1>
      %reduce_sum3A_294 = tpu.scan <sum>, %scan3A_286#1 masked %reduce_sum3A_293 : vector<16xf32>, vector<16xi1> -> vector<16xf32>
      %reduce_sum3A_295 = vector.extract %reduce_sum3A_294[15] : f32 from vector<16xf32>
      %sub3A_296 = arith.subf %sub3A_250, %reduce_sum3A_295 : f32
      %mul3A_297 = arith.mulf %sub3A_296, %bitcast_convert_type3A : f32
      %add3A_298 = arith.addf %reduce_sum3A_291, %mul3A_297 : f32
      scf.yield %add3A_298 : f32
    }
    %sub3A_256 = arith.subf %reduce_sum3A_244, %cond3A_255 : f32
    %eq3A_257 = arith.constant 3 : i32
    %eq3A_258 = vector.broadcast %eq3A_257 : i32 to vector<16xi32>
    %eq3A_259 = arith.cmpi eq, %iota3A, %eq3A_258 : vector<16xi32>
    %broadcast_in_dim3A_260 = vector.broadcast %sub3A_256 : f32 to vector<16xf32>
    %select_n3A_261 = arith.select %eq3A_259, %broadcast_in_dim3A_260, %select_n3A_216 : vector<16xi1>, vector<16xf32>
    %eq3A_262 = arith.constant 7 : i32
    %eq3A_263 = vector.broadcast %eq3A_262 : i32 to vector<16xi32>
    %eq3A_264 = arith.cmpi eq, %iota3A, %eq3A_263 : vector<16xi32>
    %broadcast_in_dim3A_265 = vector.broadcast %reduce_sum3A_240 : f32 to vector<16xf32>
    %select_n3A_266 = arith.select %eq3A_264, %broadcast_in_dim3A_265, %select_n3A_261 : vector<16xi1>, vector<16xf32>
    %swap3A = arith.constant 0 : index
    %swap3A_267 = tpu.vector_load %arg11[%swap3A] {strides = array<i32>} : memref<16xf32, #tpu.memory_space<vmem>>, vector<16xf32>,
    tpu.vector_store %arg11[%swap3A], %select_n3A_266 {strides = array<i32>} : memref<16xf32, #tpu.memory_space<vmem>>, vector<16xf32>,
    "tpu.region"() ({
      %run_scoped3A = tpu.sem_alloc : memref<!tpu.dma_semaphore, #tpu.memory_space<semaphore_mem>>
      %dma_start3A_268 = arith.constant 0 : i32
      %dma_start3A_269 = tpu.memref_slice %arg5[%add3A, %dma_start3A_268] : memref<32x16xf32, #tpu.memory_space<hbm>> -> memref<1x16xf32, #tpu.memory_space<hbm>>
      %dma_start3A_270 = tpu.memref_squeeze %dma_start3A_269 : memref<1x16xf32, #tpu.memory_space<hbm>> -> memref<16xf32, #tpu.memory_space<hbm>>
      %dma_start3A_271 = arith.constant 0 : i32
      %dma_start3A_272 = tpu.memref_slice %arg5[%add3A, %dma_start3A_271] : memref<32x16xf32, #tpu.memory_space<hbm>> -> memref<1x16xf32, #tpu.memory_space<hbm>>
      %dma_start3A_273 = tpu.memref_squeeze %dma_start3A_272 : memref<1x16xf32, #tpu.memory_space<hbm>> -> memref<16xf32, #tpu.memory_space<hbm>>
      tpu.enqueue_dma source(%arg11 : memref<16xf32, #tpu.memory_space<vmem>>) target(%dma_start3A_273 : memref<16xf32, #tpu.memory_space<hbm>>) target_semaphore(%run_scoped3A : memref<!tpu.dma_semaphore, #tpu.memory_space<semaphore_mem>>)
      %dma_wait3A_274 = arith.constant 0 : i32
      %dma_wait3A_275 = tpu.memref_slice %arg5[%add3A, %dma_wait3A_274] : memref<32x16xf32, #tpu.memory_space<hbm>> -> memref<1x16xf32, #tpu.memory_space<hbm>>
      %dma_wait3A_276 = tpu.memref_squeeze %dma_wait3A_275 : memref<1x16xf32, #tpu.memory_space<hbm>> -> memref<16xf32, #tpu.memory_space<hbm>>
      %dma_wait3A_277 = arith.constant 0 : i32
      %dma_wait3A_278 = tpu.memref_slice %arg5[%add3A, %dma_wait3A_277] : memref<32x16xf32, #tpu.memory_space<hbm>> -> memref<1x16xf32, #tpu.memory_space<hbm>>
      %dma_wait3A_279 = tpu.memref_squeeze %dma_wait3A_278 : memref<1x16xf32, #tpu.memory_space<hbm>> -> memref<16xf32, #tpu.memory_space<hbm>>
      tpu.wait_dma2 semaphore(%run_scoped3A : memref<!tpu.dma_semaphore, #tpu.memory_space<semaphore_mem>>) src(%arg11 : memref<16xf32, #tpu.memory_space<vmem>>) dst(%dma_wait3A_279 : memref<16xf32, #tpu.memory_space<hbm>>)
      tpu.yield
    }) : () -> ()
    return
  }
}

module attributes {stable_mosaic.version = 14 : i64} {
  func.func @body(%arg0: i32, %arg1: memref<4x16x21824xbf16, #tpu.memory_space<vmem>>, %arg2: memref<10x16x21824xbf16, #tpu.memory_space<vmem>>, %arg3: memref<16x21824xi32, #tpu.memory_space<vmem>>, %arg4: memref<1x8xf32, #tpu.memory_space<smem>>, %arg5: memref<1x8xf32, #tpu.memory_space<smem>>) attributes {dimension_semantics = [#tpu.dimension_semantics<arbitrary>], iteration_bounds = array<i64: 8>, scalar_prefetch = 0 : i64, scratch_operands = 0 : i64, tpu.core_type = #tpu.core_type<tc>, window_params = [{transform_indices = @transform_0, window_bounds = array<i64: 4, 16, 21824>}, {transform_indices = @transform_1, window_bounds = array<i64: 10, 16, 21824>}, {transform_indices = @transform_2, window_bounds = array<i64: 16, 21824>}, {transform_indices = @transform_3, window_bounds = array<i64: 1, 8>}, {transform_indices = @transform_4, window_bounds = array<i64: 1, 8>}]} {
    %get3A = arith.constant 0 : index
    %get3A_0 = arith.constant 0 : index
    %get3A_1 = vector.load %arg3[%get3A, %get3A_0] : memref<16x21824xi32, #tpu.memory_space<vmem>>, vector<16x21824xi32>
    %gt3A = arith.constant 0 : i32
    %gt3A_2 = vector.broadcast %gt3A : i32 to vector<16x21824xi32>
    %gt3A_3 = arith.cmpi sgt, %get3A_1, %gt3A_2 : vector<16x21824xi32>
    %convert_element_type3A = arith.extui %gt3A_3 : vector<16x21824xi1> to vector<16x21824xi32>
    %convert_element_type3A_4 = arith.sitofp %convert_element_type3A : vector<16x21824xi32> to vector<16x21824xf32>
    %broadcast_in_dim3A = arith.constant 0.000000e+00 : f32
    %broadcast_in_dim3A_5 = vector.broadcast %broadcast_in_dim3A : f32 to vector<16x21824xf32>
    %get3A_6 = arith.constant 0 : index
    %get3A_7 = arith.constant 0 : index
    %get3A_8 = arith.constant 0 : index
    %get3A_9 = vector.load %arg1[%get3A_6, %get3A_7, %get3A_8] : memref<4x16x21824xbf16, #tpu.memory_space<vmem>>, vector<1x16x21824xbf16>
    %get3A_10 = vector.shape_cast %get3A_9 : vector<1x16x21824xbf16> to vector<16x21824xbf16>
    %convert_element_type3A_11 = arith.extf %get3A_10 : vector<16x21824xbf16> to vector<16x21824xf32>
    %abs3A = math.absf %convert_element_type3A_11 : vector<16x21824xf32>
    %lt3A = arith.constant 1.000000e+00 : f32
    %lt3A_12 = vector.broadcast %lt3A : f32 to vector<16x21824xf32>
    %lt3A_13 = arith.cmpf olt, %abs3A, %lt3A_12 : vector<16x21824xf32>
    %mul3A = arith.constant 5.000000e-01 : f32
    %mul3A_14 = vector.broadcast %mul3A : f32 to vector<16x21824xf32>
    %mul3A_15 = arith.mulf %mul3A_14, %convert_element_type3A_11 : vector<16x21824xf32>
    %mul3A_16 = arith.mulf %mul3A_15, %convert_element_type3A_11 : vector<16x21824xf32>
    %sub3A = arith.constant 5.000000e-01 : f32
    %sub3A_17 = vector.broadcast %sub3A : f32 to vector<16x21824xf32>
    %sub3A_18 = arith.subf %abs3A, %sub3A_17 : vector<16x21824xf32>
    %select_n3A = arith.select %lt3A_13, %mul3A_16, %sub3A_18 : vector<16x21824xi1>, vector<16x21824xf32>
    %add3A = arith.addf %broadcast_in_dim3A_5, %select_n3A : vector<16x21824xf32>
    %get3A_19 = arith.constant 1 : index
    %get3A_20 = arith.constant 0 : index
    %get3A_21 = arith.constant 0 : index
    %get3A_22 = vector.load %arg1[%get3A_19, %get3A_20, %get3A_21] : memref<4x16x21824xbf16, #tpu.memory_space<vmem>>, vector<1x16x21824xbf16>
    %get3A_23 = vector.shape_cast %get3A_22 : vector<1x16x21824xbf16> to vector<16x21824xbf16>
    %convert_element_type3A_24 = arith.extf %get3A_23 : vector<16x21824xbf16> to vector<16x21824xf32>
    %abs3A_25 = math.absf %convert_element_type3A_24 : vector<16x21824xf32>
    %lt3A_26 = arith.constant 1.000000e+00 : f32
    %lt3A_27 = vector.broadcast %lt3A_26 : f32 to vector<16x21824xf32>
    %lt3A_28 = arith.cmpf olt, %abs3A_25, %lt3A_27 : vector<16x21824xf32>
    %mul3A_29 = arith.constant 5.000000e-01 : f32
    %mul3A_30 = vector.broadcast %mul3A_29 : f32 to vector<16x21824xf32>
    %mul3A_31 = arith.mulf %mul3A_30, %convert_element_type3A_24 : vector<16x21824xf32>
    %mul3A_32 = arith.mulf %mul3A_31, %convert_element_type3A_24 : vector<16x21824xf32>
    %sub3A_33 = arith.constant 5.000000e-01 : f32
    %sub3A_34 = vector.broadcast %sub3A_33 : f32 to vector<16x21824xf32>
    %sub3A_35 = arith.subf %abs3A_25, %sub3A_34 : vector<16x21824xf32>
    %select_n3A_36 = arith.select %lt3A_28, %mul3A_32, %sub3A_35 : vector<16x21824xi1>, vector<16x21824xf32>
    %add3A_37 = arith.addf %add3A, %select_n3A_36 : vector<16x21824xf32>
    %get3A_38 = arith.constant 2 : index
    %get3A_39 = arith.constant 0 : index
    %get3A_40 = arith.constant 0 : index
    %get3A_41 = vector.load %arg1[%get3A_38, %get3A_39, %get3A_40] : memref<4x16x21824xbf16, #tpu.memory_space<vmem>>, vector<1x16x21824xbf16>
    %get3A_42 = vector.shape_cast %get3A_41 : vector<1x16x21824xbf16> to vector<16x21824xbf16>
    %convert_element_type3A_43 = arith.extf %get3A_42 : vector<16x21824xbf16> to vector<16x21824xf32>
    %abs3A_44 = math.absf %convert_element_type3A_43 : vector<16x21824xf32>
    %lt3A_45 = arith.constant 1.000000e+00 : f32
    %lt3A_46 = vector.broadcast %lt3A_45 : f32 to vector<16x21824xf32>
    %lt3A_47 = arith.cmpf olt, %abs3A_44, %lt3A_46 : vector<16x21824xf32>
    %mul3A_48 = arith.constant 5.000000e-01 : f32
    %mul3A_49 = vector.broadcast %mul3A_48 : f32 to vector<16x21824xf32>
    %mul3A_50 = arith.mulf %mul3A_49, %convert_element_type3A_43 : vector<16x21824xf32>
    %mul3A_51 = arith.mulf %mul3A_50, %convert_element_type3A_43 : vector<16x21824xf32>
    %sub3A_52 = arith.constant 5.000000e-01 : f32
    %sub3A_53 = vector.broadcast %sub3A_52 : f32 to vector<16x21824xf32>
    %sub3A_54 = arith.subf %abs3A_44, %sub3A_53 : vector<16x21824xf32>
    %select_n3A_55 = arith.select %lt3A_47, %mul3A_51, %sub3A_54 : vector<16x21824xi1>, vector<16x21824xf32>
    %add3A_56 = arith.addf %add3A_37, %select_n3A_55 : vector<16x21824xf32>
    %get3A_57 = arith.constant 3 : index
    %get3A_58 = arith.constant 0 : index
    %get3A_59 = arith.constant 0 : index
    %get3A_60 = vector.load %arg1[%get3A_57, %get3A_58, %get3A_59] : memref<4x16x21824xbf16, #tpu.memory_space<vmem>>, vector<1x16x21824xbf16>
    %get3A_61 = vector.shape_cast %get3A_60 : vector<1x16x21824xbf16> to vector<16x21824xbf16>
    %convert_element_type3A_62 = arith.extf %get3A_61 : vector<16x21824xbf16> to vector<16x21824xf32>
    %abs3A_63 = math.absf %convert_element_type3A_62 : vector<16x21824xf32>
    %lt3A_64 = arith.constant 1.000000e+00 : f32
    %lt3A_65 = vector.broadcast %lt3A_64 : f32 to vector<16x21824xf32>
    %lt3A_66 = arith.cmpf olt, %abs3A_63, %lt3A_65 : vector<16x21824xf32>
    %mul3A_67 = arith.constant 5.000000e-01 : f32
    %mul3A_68 = vector.broadcast %mul3A_67 : f32 to vector<16x21824xf32>
    %mul3A_69 = arith.mulf %mul3A_68, %convert_element_type3A_62 : vector<16x21824xf32>
    %mul3A_70 = arith.mulf %mul3A_69, %convert_element_type3A_62 : vector<16x21824xf32>
    %sub3A_71 = arith.constant 5.000000e-01 : f32
    %sub3A_72 = vector.broadcast %sub3A_71 : f32 to vector<16x21824xf32>
    %sub3A_73 = arith.subf %abs3A_63, %sub3A_72 : vector<16x21824xf32>
    %select_n3A_74 = arith.select %lt3A_66, %mul3A_70, %sub3A_73 : vector<16x21824xi1>, vector<16x21824xf32>
    %add3A_75 = arith.addf %add3A_56, %select_n3A_74 : vector<16x21824xf32>
    %mul3A_76 = arith.mulf %add3A_75, %convert_element_type3A_4 : vector<16x21824xf32>
    %reduce_sum3A = vector.shape_cast %mul3A_76 : vector<16x21824xf32> to vector<1x16x21824xf32>
    %reduce_sum3A_77 = arith.constant dense<0.000000e+00> : vector<1xf32>
    %reduce_sum3A_78 = vector.multi_reduction <add>, %reduce_sum3A, %reduce_sum3A_77 [1, 2] : vector<1x16x21824xf32> to vector<1xf32>
    %reduce_sum3A_79 = vector.shape_cast %reduce_sum3A_78 : vector<1xf32> to vector<1x1x1xf32>
    %reduce_sum3A_80 = vector.extract %reduce_sum3A_79[0, 0, 0] : f32 from vector<1x1x1xf32>
    %swap3A = arith.constant 0 : index
    %swap3A_81 = arith.index_cast %arg0 : i32 to index
    %swap3A_82 = memref.load %arg4[%swap3A, %swap3A_81] : memref<1x8xf32, #tpu.memory_space<smem>>
    memref.store %reduce_sum3A_80, %arg4[%swap3A, %swap3A_81] : memref<1x8xf32, #tpu.memory_space<smem>>
    %broadcast_in_dim3A_83 = arith.constant 0.000000e+00 : f32
    %broadcast_in_dim3A_84 = vector.broadcast %broadcast_in_dim3A_83 : f32 to vector<16x21824xf32>
    %get3A_85 = arith.constant 0 : index
    %get3A_86 = arith.constant 0 : index
    %get3A_87 = arith.constant 0 : index
    %get3A_88 = vector.load %arg2[%get3A_85, %get3A_86, %get3A_87] : memref<10x16x21824xbf16, #tpu.memory_space<vmem>>, vector<1x16x21824xbf16>
    %get3A_89 = vector.shape_cast %get3A_88 : vector<1x16x21824xbf16> to vector<16x21824xbf16>
    %convert_element_type3A_90 = arith.extf %get3A_89 : vector<16x21824xbf16> to vector<16x21824xf32>
    %abs3A_91 = math.absf %convert_element_type3A_90 : vector<16x21824xf32>
    %lt3A_92 = arith.constant 1.000000e+00 : f32
    %lt3A_93 = vector.broadcast %lt3A_92 : f32 to vector<16x21824xf32>
    %lt3A_94 = arith.cmpf olt, %abs3A_91, %lt3A_93 : vector<16x21824xf32>
    %mul3A_95 = arith.constant 5.000000e-01 : f32
    %mul3A_96 = vector.broadcast %mul3A_95 : f32 to vector<16x21824xf32>
    %mul3A_97 = arith.mulf %mul3A_96, %convert_element_type3A_90 : vector<16x21824xf32>
    %mul3A_98 = arith.mulf %mul3A_97, %convert_element_type3A_90 : vector<16x21824xf32>
    %sub3A_99 = arith.constant 5.000000e-01 : f32
    %sub3A_100 = vector.broadcast %sub3A_99 : f32 to vector<16x21824xf32>
    %sub3A_101 = arith.subf %abs3A_91, %sub3A_100 : vector<16x21824xf32>
    %select_n3A_102 = arith.select %lt3A_94, %mul3A_98, %sub3A_101 : vector<16x21824xi1>, vector<16x21824xf32>
    %add3A_103 = arith.addf %broadcast_in_dim3A_84, %select_n3A_102 : vector<16x21824xf32>
    %get3A_104 = arith.constant 1 : index
    %get3A_105 = arith.constant 0 : index
    %get3A_106 = arith.constant 0 : index
    %get3A_107 = vector.load %arg2[%get3A_104, %get3A_105, %get3A_106] : memref<10x16x21824xbf16, #tpu.memory_space<vmem>>, vector<1x16x21824xbf16>
    %get3A_108 = vector.shape_cast %get3A_107 : vector<1x16x21824xbf16> to vector<16x21824xbf16>
    %convert_element_type3A_109 = arith.extf %get3A_108 : vector<16x21824xbf16> to vector<16x21824xf32>
    %abs3A_110 = math.absf %convert_element_type3A_109 : vector<16x21824xf32>
    %lt3A_111 = arith.constant 1.000000e+00 : f32
    %lt3A_112 = vector.broadcast %lt3A_111 : f32 to vector<16x21824xf32>
    %lt3A_113 = arith.cmpf olt, %abs3A_110, %lt3A_112 : vector<16x21824xf32>
    %mul3A_114 = arith.constant 5.000000e-01 : f32
    %mul3A_115 = vector.broadcast %mul3A_114 : f32 to vector<16x21824xf32>
    %mul3A_116 = arith.mulf %mul3A_115, %convert_element_type3A_109 : vector<16x21824xf32>
    %mul3A_117 = arith.mulf %mul3A_116, %convert_element_type3A_109 : vector<16x21824xf32>
    %sub3A_118 = arith.constant 5.000000e-01 : f32
    %sub3A_119 = vector.broadcast %sub3A_118 : f32 to vector<16x21824xf32>
    %sub3A_120 = arith.subf %abs3A_110, %sub3A_119 : vector<16x21824xf32>
    %select_n3A_121 = arith.select %lt3A_113, %mul3A_117, %sub3A_120 : vector<16x21824xi1>, vector<16x21824xf32>
    %add3A_122 = arith.addf %add3A_103, %select_n3A_121 : vector<16x21824xf32>
    %get3A_123 = arith.constant 2 : index
    %get3A_124 = arith.constant 0 : index
    %get3A_125 = arith.constant 0 : index
    %get3A_126 = vector.load %arg2[%get3A_123, %get3A_124, %get3A_125] : memref<10x16x21824xbf16, #tpu.memory_space<vmem>>, vector<1x16x21824xbf16>
    %get3A_127 = vector.shape_cast %get3A_126 : vector<1x16x21824xbf16> to vector<16x21824xbf16>
    %convert_element_type3A_128 = arith.extf %get3A_127 : vector<16x21824xbf16> to vector<16x21824xf32>
    %abs3A_129 = math.absf %convert_element_type3A_128 : vector<16x21824xf32>
    %lt3A_130 = arith.constant 1.000000e+00 : f32
    %lt3A_131 = vector.broadcast %lt3A_130 : f32 to vector<16x21824xf32>
    %lt3A_132 = arith.cmpf olt, %abs3A_129, %lt3A_131 : vector<16x21824xf32>
    %mul3A_133 = arith.constant 5.000000e-01 : f32
    %mul3A_134 = vector.broadcast %mul3A_133 : f32 to vector<16x21824xf32>
    %mul3A_135 = arith.mulf %mul3A_134, %convert_element_type3A_128 : vector<16x21824xf32>
    %mul3A_136 = arith.mulf %mul3A_135, %convert_element_type3A_128 : vector<16x21824xf32>
    %sub3A_137 = arith.constant 5.000000e-01 : f32
    %sub3A_138 = vector.broadcast %sub3A_137 : f32 to vector<16x21824xf32>
    %sub3A_139 = arith.subf %abs3A_129, %sub3A_138 : vector<16x21824xf32>
    %select_n3A_140 = arith.select %lt3A_132, %mul3A_136, %sub3A_139 : vector<16x21824xi1>, vector<16x21824xf32>
    %add3A_141 = arith.addf %add3A_122, %select_n3A_140 : vector<16x21824xf32>
    %get3A_142 = arith.constant 3 : index
    %get3A_143 = arith.constant 0 : index
    %get3A_144 = arith.constant 0 : index
    %get3A_145 = vector.load %arg2[%get3A_142, %get3A_143, %get3A_144] : memref<10x16x21824xbf16, #tpu.memory_space<vmem>>, vector<1x16x21824xbf16>
    %get3A_146 = vector.shape_cast %get3A_145 : vector<1x16x21824xbf16> to vector<16x21824xbf16>
    %convert_element_type3A_147 = arith.extf %get3A_146 : vector<16x21824xbf16> to vector<16x21824xf32>
    %abs3A_148 = math.absf %convert_element_type3A_147 : vector<16x21824xf32>
    %lt3A_149 = arith.constant 1.000000e+00 : f32
    %lt3A_150 = vector.broadcast %lt3A_149 : f32 to vector<16x21824xf32>
    %lt3A_151 = arith.cmpf olt, %abs3A_148, %lt3A_150 : vector<16x21824xf32>
    %mul3A_152 = arith.constant 5.000000e-01 : f32
    %mul3A_153 = vector.broadcast %mul3A_152 : f32 to vector<16x21824xf32>
    %mul3A_154 = arith.mulf %mul3A_153, %convert_element_type3A_147 : vector<16x21824xf32>
    %mul3A_155 = arith.mulf %mul3A_154, %convert_element_type3A_147 : vector<16x21824xf32>
    %sub3A_156 = arith.constant 5.000000e-01 : f32
    %sub3A_157 = vector.broadcast %sub3A_156 : f32 to vector<16x21824xf32>
    %sub3A_158 = arith.subf %abs3A_148, %sub3A_157 : vector<16x21824xf32>
    %select_n3A_159 = arith.select %lt3A_151, %mul3A_155, %sub3A_158 : vector<16x21824xi1>, vector<16x21824xf32>
    %add3A_160 = arith.addf %add3A_141, %select_n3A_159 : vector<16x21824xf32>
    %get3A_161 = arith.constant 4 : index
    %get3A_162 = arith.constant 0 : index
    %get3A_163 = arith.constant 0 : index
    %get3A_164 = vector.load %arg2[%get3A_161, %get3A_162, %get3A_163] : memref<10x16x21824xbf16, #tpu.memory_space<vmem>>, vector<1x16x21824xbf16>
    %get3A_165 = vector.shape_cast %get3A_164 : vector<1x16x21824xbf16> to vector<16x21824xbf16>
    %convert_element_type3A_166 = arith.extf %get3A_165 : vector<16x21824xbf16> to vector<16x21824xf32>
    %abs3A_167 = math.absf %convert_element_type3A_166 : vector<16x21824xf32>
    %lt3A_168 = arith.constant 1.000000e+00 : f32
    %lt3A_169 = vector.broadcast %lt3A_168 : f32 to vector<16x21824xf32>
    %lt3A_170 = arith.cmpf olt, %abs3A_167, %lt3A_169 : vector<16x21824xf32>
    %mul3A_171 = arith.constant 5.000000e-01 : f32
    %mul3A_172 = vector.broadcast %mul3A_171 : f32 to vector<16x21824xf32>
    %mul3A_173 = arith.mulf %mul3A_172, %convert_element_type3A_166 : vector<16x21824xf32>
    %mul3A_174 = arith.mulf %mul3A_173, %convert_element_type3A_166 : vector<16x21824xf32>
    %sub3A_175 = arith.constant 5.000000e-01 : f32
    %sub3A_176 = vector.broadcast %sub3A_175 : f32 to vector<16x21824xf32>
    %sub3A_177 = arith.subf %abs3A_167, %sub3A_176 : vector<16x21824xf32>
    %select_n3A_178 = arith.select %lt3A_170, %mul3A_174, %sub3A_177 : vector<16x21824xi1>, vector<16x21824xf32>
    %add3A_179 = arith.addf %add3A_160, %select_n3A_178 : vector<16x21824xf32>
    %get3A_180 = arith.constant 5 : index
    %get3A_181 = arith.constant 0 : index
    %get3A_182 = arith.constant 0 : index
    %get3A_183 = vector.load %arg2[%get3A_180, %get3A_181, %get3A_182] : memref<10x16x21824xbf16, #tpu.memory_space<vmem>>, vector<1x16x21824xbf16>
    %get3A_184 = vector.shape_cast %get3A_183 : vector<1x16x21824xbf16> to vector<16x21824xbf16>
    %convert_element_type3A_185 = arith.extf %get3A_184 : vector<16x21824xbf16> to vector<16x21824xf32>
    %abs3A_186 = math.absf %convert_element_type3A_185 : vector<16x21824xf32>
    %lt3A_187 = arith.constant 1.000000e+00 : f32
    %lt3A_188 = vector.broadcast %lt3A_187 : f32 to vector<16x21824xf32>
    %lt3A_189 = arith.cmpf olt, %abs3A_186, %lt3A_188 : vector<16x21824xf32>
    %mul3A_190 = arith.constant 5.000000e-01 : f32
    %mul3A_191 = vector.broadcast %mul3A_190 : f32 to vector<16x21824xf32>
    %mul3A_192 = arith.mulf %mul3A_191, %convert_element_type3A_185 : vector<16x21824xf32>
    %mul3A_193 = arith.mulf %mul3A_192, %convert_element_type3A_185 : vector<16x21824xf32>
    %sub3A_194 = arith.constant 5.000000e-01 : f32
    %sub3A_195 = vector.broadcast %sub3A_194 : f32 to vector<16x21824xf32>
    %sub3A_196 = arith.subf %abs3A_186, %sub3A_195 : vector<16x21824xf32>
    %select_n3A_197 = arith.select %lt3A_189, %mul3A_193, %sub3A_196 : vector<16x21824xi1>, vector<16x21824xf32>
    %add3A_198 = arith.addf %add3A_179, %select_n3A_197 : vector<16x21824xf32>
    %get3A_199 = arith.constant 6 : index
    %get3A_200 = arith.constant 0 : index
    %get3A_201 = arith.constant 0 : index
    %get3A_202 = vector.load %arg2[%get3A_199, %get3A_200, %get3A_201] : memref<10x16x21824xbf16, #tpu.memory_space<vmem>>, vector<1x16x21824xbf16>
    %get3A_203 = vector.shape_cast %get3A_202 : vector<1x16x21824xbf16> to vector<16x21824xbf16>
    %convert_element_type3A_204 = arith.extf %get3A_203 : vector<16x21824xbf16> to vector<16x21824xf32>
    %abs3A_205 = math.absf %convert_element_type3A_204 : vector<16x21824xf32>
    %lt3A_206 = arith.constant 1.000000e+00 : f32
    %lt3A_207 = vector.broadcast %lt3A_206 : f32 to vector<16x21824xf32>
    %lt3A_208 = arith.cmpf olt, %abs3A_205, %lt3A_207 : vector<16x21824xf32>
    %mul3A_209 = arith.constant 5.000000e-01 : f32
    %mul3A_210 = vector.broadcast %mul3A_209 : f32 to vector<16x21824xf32>
    %mul3A_211 = arith.mulf %mul3A_210, %convert_element_type3A_204 : vector<16x21824xf32>
    %mul3A_212 = arith.mulf %mul3A_211, %convert_element_type3A_204 : vector<16x21824xf32>
    %sub3A_213 = arith.constant 5.000000e-01 : f32
    %sub3A_214 = vector.broadcast %sub3A_213 : f32 to vector<16x21824xf32>
    %sub3A_215 = arith.subf %abs3A_205, %sub3A_214 : vector<16x21824xf32>
    %select_n3A_216 = arith.select %lt3A_208, %mul3A_212, %sub3A_215 : vector<16x21824xi1>, vector<16x21824xf32>
    %add3A_217 = arith.addf %add3A_198, %select_n3A_216 : vector<16x21824xf32>
    %get3A_218 = arith.constant 7 : index
    %get3A_219 = arith.constant 0 : index
    %get3A_220 = arith.constant 0 : index
    %get3A_221 = vector.load %arg2[%get3A_218, %get3A_219, %get3A_220] : memref<10x16x21824xbf16, #tpu.memory_space<vmem>>, vector<1x16x21824xbf16>
    %get3A_222 = vector.shape_cast %get3A_221 : vector<1x16x21824xbf16> to vector<16x21824xbf16>
    %convert_element_type3A_223 = arith.extf %get3A_222 : vector<16x21824xbf16> to vector<16x21824xf32>
    %abs3A_224 = math.absf %convert_element_type3A_223 : vector<16x21824xf32>
    %lt3A_225 = arith.constant 1.000000e+00 : f32
    %lt3A_226 = vector.broadcast %lt3A_225 : f32 to vector<16x21824xf32>
    %lt3A_227 = arith.cmpf olt, %abs3A_224, %lt3A_226 : vector<16x21824xf32>
    %mul3A_228 = arith.constant 5.000000e-01 : f32
    %mul3A_229 = vector.broadcast %mul3A_228 : f32 to vector<16x21824xf32>
    %mul3A_230 = arith.mulf %mul3A_229, %convert_element_type3A_223 : vector<16x21824xf32>
    %mul3A_231 = arith.mulf %mul3A_230, %convert_element_type3A_223 : vector<16x21824xf32>
    %sub3A_232 = arith.constant 5.000000e-01 : f32
    %sub3A_233 = vector.broadcast %sub3A_232 : f32 to vector<16x21824xf32>
    %sub3A_234 = arith.subf %abs3A_224, %sub3A_233 : vector<16x21824xf32>
    %select_n3A_235 = arith.select %lt3A_227, %mul3A_231, %sub3A_234 : vector<16x21824xi1>, vector<16x21824xf32>
    %add3A_236 = arith.addf %add3A_217, %select_n3A_235 : vector<16x21824xf32>
    %get3A_237 = arith.constant 8 : index
    %get3A_238 = arith.constant 0 : index
    %get3A_239 = arith.constant 0 : index
    %get3A_240 = vector.load %arg2[%get3A_237, %get3A_238, %get3A_239] : memref<10x16x21824xbf16, #tpu.memory_space<vmem>>, vector<1x16x21824xbf16>
    %get3A_241 = vector.shape_cast %get3A_240 : vector<1x16x21824xbf16> to vector<16x21824xbf16>
    %convert_element_type3A_242 = arith.extf %get3A_241 : vector<16x21824xbf16> to vector<16x21824xf32>
    %abs3A_243 = math.absf %convert_element_type3A_242 : vector<16x21824xf32>
    %lt3A_244 = arith.constant 1.000000e+00 : f32
    %lt3A_245 = vector.broadcast %lt3A_244 : f32 to vector<16x21824xf32>
    %lt3A_246 = arith.cmpf olt, %abs3A_243, %lt3A_245 : vector<16x21824xf32>
    %mul3A_247 = arith.constant 5.000000e-01 : f32
    %mul3A_248 = vector.broadcast %mul3A_247 : f32 to vector<16x21824xf32>
    %mul3A_249 = arith.mulf %mul3A_248, %convert_element_type3A_242 : vector<16x21824xf32>
    %mul3A_250 = arith.mulf %mul3A_249, %convert_element_type3A_242 : vector<16x21824xf32>
    %sub3A_251 = arith.constant 5.000000e-01 : f32
    %sub3A_252 = vector.broadcast %sub3A_251 : f32 to vector<16x21824xf32>
    %sub3A_253 = arith.subf %abs3A_243, %sub3A_252 : vector<16x21824xf32>
    %select_n3A_254 = arith.select %lt3A_246, %mul3A_250, %sub3A_253 : vector<16x21824xi1>, vector<16x21824xf32>
    %add3A_255 = arith.addf %add3A_236, %select_n3A_254 : vector<16x21824xf32>
    %get3A_256 = arith.constant 9 : index
    %get3A_257 = arith.constant 0 : index
    %get3A_258 = arith.constant 0 : index
    %get3A_259 = vector.load %arg2[%get3A_256, %get3A_257, %get3A_258] : memref<10x16x21824xbf16, #tpu.memory_space<vmem>>, vector<1x16x21824xbf16>
    %get3A_260 = vector.shape_cast %get3A_259 : vector<1x16x21824xbf16> to vector<16x21824xbf16>
    %convert_element_type3A_261 = arith.extf %get3A_260 : vector<16x21824xbf16> to vector<16x21824xf32>
    %abs3A_262 = math.absf %convert_element_type3A_261 : vector<16x21824xf32>
    %lt3A_263 = arith.constant 1.000000e+00 : f32
    %lt3A_264 = vector.broadcast %lt3A_263 : f32 to vector<16x21824xf32>
    %lt3A_265 = arith.cmpf olt, %abs3A_262, %lt3A_264 : vector<16x21824xf32>
    %mul3A_266 = arith.constant 5.000000e-01 : f32
    %mul3A_267 = vector.broadcast %mul3A_266 : f32 to vector<16x21824xf32>
    %mul3A_268 = arith.mulf %mul3A_267, %convert_element_type3A_261 : vector<16x21824xf32>
    %mul3A_269 = arith.mulf %mul3A_268, %convert_element_type3A_261 : vector<16x21824xf32>
    %sub3A_270 = arith.constant 5.000000e-01 : f32
    %sub3A_271 = vector.broadcast %sub3A_270 : f32 to vector<16x21824xf32>
    %sub3A_272 = arith.subf %abs3A_262, %sub3A_271 : vector<16x21824xf32>
    %select_n3A_273 = arith.select %lt3A_265, %mul3A_269, %sub3A_272 : vector<16x21824xi1>, vector<16x21824xf32>
    %add3A_274 = arith.addf %add3A_255, %select_n3A_273 : vector<16x21824xf32>
    %mul3A_275 = arith.mulf %add3A_274, %convert_element_type3A_4 : vector<16x21824xf32>
    %reduce_sum3A_276 = vector.shape_cast %mul3A_275 : vector<16x21824xf32> to vector<1x16x21824xf32>
    %reduce_sum3A_277 = arith.constant dense<0.000000e+00> : vector<1xf32>
    %reduce_sum3A_278 = vector.multi_reduction <add>, %reduce_sum3A_276, %reduce_sum3A_277 [1, 2] : vector<1x16x21824xf32> to vector<1xf32>
    %reduce_sum3A_279 = vector.shape_cast %reduce_sum3A_278 : vector<1xf32> to vector<1x1x1xf32>
    %reduce_sum3A_280 = vector.extract %reduce_sum3A_279[0, 0, 0] : f32 from vector<1x1x1xf32>
    %swap3A_281 = arith.constant 0 : index
    %swap3A_282 = arith.index_cast %arg0 : i32 to index
    %swap3A_283 = memref.load %arg5[%swap3A_281, %swap3A_282] : memref<1x8xf32, #tpu.memory_space<smem>>
    memref.store %reduce_sum3A_280, %arg5[%swap3A_281, %swap3A_282] : memref<1x8xf32, #tpu.memory_space<smem>>
    return
  }
  func.func @transform_0(%arg0: i32) -> (i32, i32, i32) {
    %c0_i32 = arith.constant 0 : i32
    %c0_i32_0 = arith.constant 0 : i32
    %c0_i32_1 = arith.constant 0 : i32
    return %c0_i32, %arg0, %c0_i32_0 : i32, i32, i32
  }
  func.func @transform_1(%arg0: i32) -> (i32, i32, i32) {
    %c0_i32 = arith.constant 0 : i32
    %c0_i32_0 = arith.constant 0 : i32
    %c0_i32_1 = arith.constant 0 : i32
    return %c0_i32, %arg0, %c0_i32_0 : i32, i32, i32
  }
  func.func @transform_2(%arg0: i32) -> (i32, i32) {
    %c0_i32 = arith.constant 0 : i32
    %c0_i32_0 = arith.constant 0 : i32
    return %arg0, %c0_i32 : i32, i32
  }
  func.func @transform_3(%arg0: i32) -> (i32, i32) {
    %c0_i32 = arith.constant 0 : i32
    %c0_i32_0 = arith.constant 0 : i32
    %c0_i32_1 = arith.constant 0 : i32
    return %c0_i32, %c0_i32_0 : i32, i32
  }
  func.func @transform_4(%arg0: i32) -> (i32, i32) {
    %c0_i32 = arith.constant 0 : i32
    %c0_i32_0 = arith.constant 0 : i32
    %c0_i32_1 = arith.constant 0 : i32
    return %c0_i32, %c0_i32_0 : i32, i32
  }
}

</mosaic_0001>

<sc_bundles>
// kernel: kernel.4.cloned.1.call-start
scs
__scs_entry_jumppad:
0x0: {  	(pc) =	sbr.rel $0x88, $3  }
0x1: {  	(tag) =	ssettag $0x0;
	lr =	simm.s32 $0x1  }
0x2: {  	[smem:$0x3F9B] =	sst lr;
	_ =	strace $0xD0000000  }
0x3: {  	_ = 	snop  }
0x4: {  	_ = 	snop  }
0x5: {  	_ = 	snop  }
0x6: {  	_ = 	snop  }
0x7: {  	_ = 	snop  }
__scs_overlays_trampoline_lowered:
0x8: {  	[smem:$0x3FAA] =	sst s0  }
0x9: {  	[smem:$0x3FAB] =	sst s1  }
0xa: {  	[smem:$0x3FAC] =	sst s2  }
0xb: {  	[smem:$0x3FAD] =	sst s3  }
0xc: {  	[smem:$0x3FAE] =	sst s4  }
0xd: {  	[smem:$0x3FAF] =	sst s5  }
0xe: {  	[smem:$0x3FB0] =	sst s6  }
0xf: {  	[smem:$0x3FB1] =	sst s7  }
0x10: {  	[smem:$0x3FB2] =	sst s8  }
0x11: {  	[smem:$0x3FB3] =	sst s9;
	s0 =	simm.s32 @!p0 $0x0  }
0x12: {  	s1 =	sld [smem:$0x3F99];
	s0 =	simm.s32 @p0 $0x1  }
0x13: {  	[smem:$0x3FB4] =	sst s0;
	s0 =	simm.s32 @!p1 $0x0  }
0x14: {  	s2 =	sld [smem:$0x3F98];
	s0 =	simm.s32 @p1 $0x1  }
0x15: {  	[smem:$0x3FB5] =	sst s0;
	s0 =	simm.s32 @!p2 $0x0  }
0x16: {  	s3 =	sld [smem:$0x3FDB];
	s0 =	simm.s32 @p2 $0x1  }
0x17: {  	s4 =	simm.s32 $0x1BF5;
	[smem:$0x3FB7] =	sst s0  }
0x18: {  	s0 =	sld [smem:$0x3F9A];
	_ =	swait.ge [sflag:s4], $0x0  }
0x19: {  	s7 =	sld [smem:$0x3F9B]  }
0x1a: {  	s8 =	sadd.s32 $0xFFFFE003, lr  }
0x1b: {  	s9 =	sadd.s32 $0xFFFFFEF7, lr;
	s5 =	simm.s32 $0xFFFFFFFF;
	p2 =	slt.u32 s8, $0xFFFFF086  }
0x1c: {  	p1 =	slt.u32 s9, $0xF7A;
	s5 =	simm.s32 @!p2 $0x0  }
0x1d: {  	s5 =	simm.s32 @p1 $0x1;
	p0 =	seq.s32 s7, s2  }
0x1e: {  	s7 =	smul.u32 @!p0 $0xF7A, s2;
	p2 =	seq.s32 @!p0 s5, $0x0  }
0x1f: {  	s9 =	smul.u32 $0xF7A, s1;
	s8 =	simm.s32 @!p0 $0x1BF5;
	p2 =	por !p2, p0  }
0x20: {  	[sflag:s8] =	ssyncset.s32 @!p0 $0xFFFFF086;
	s6 =	sadd.s32 @!p0 s3, s7;
	s7 =	simm.s32 @!p0 $0x108  }
0x21: {  	s3 =	sadd.s32 s3, s9;
	s6 =	sadd.s32 @!p0 $0x88, s6;
	s7 =	simm.s32 @p2 $0x1082  }
0x22: {  	[simem:s7], [sflag:s8] =	dma.local @!p0 [hbm:s6], $0xF7A  }
0x23: {  	s9 =	sor.u32 $0xD0000000, s2;
	s6 =	simm.s32 $0x108;
	_ =	swait.ge @!p0 [sflag:s8], $0x0  }
0x24: {  	s3 =	sadd.s32 $0x88, s3;
	s6 =	simm.s32 @!p1 $0x1082;
	[sflag:s4] =	ssyncset.s32 $0xFFFFF086  }
0x25: {  	[simem:s6], [sflag:s4] =	dma.local [hbm:s3], $0xF7A  }
0x26: {  	[smem:$0x3F9B] =	sst s1;
	(tag) =	ssettag s2;
	_ =	strace s9  }
0x27: {  	s1 =	sld [smem:$0x3FAB]  }
0x28: {  	s2 =	sld [smem:$0x3FAC]  }
0x29: {  	s4 =	sld [smem:$0x3FAE]  }
0x2a: {  	p0 =	seq.s32 s5, $0x0;
	s5 =	sld [smem:$0x3FAF]  }
0x2b: {  	s6 =	sld [smem:$0x3FB0]  }
0x2c: {  	s7 =	sld [smem:$0x3FB1]  }
0x2d: {  	s3 =	simm.s32 $0x108;
	s8 =	sld [smem:$0x3FB2]  }
0x2e: {  	s3 =	simm.s32 @!p0 $0x1082;
	s9 =	sld [smem:$0x3FB3]  }
0x2f: {  	lr =	sadd.s32 s0, s3;
	s0 =	sld [smem:$0x3FAA]  }
0x30: {  	s3 =	sld [smem:$0x3FAD]  }
0x31: {  	[smem:$0x3FB6] =	sst s10  }
0x32: {  	s10 =	sld [smem:$0x3FB4];
	_ =	sdelay $0x3  }
0x33: {  	p0 =	seq.s32 s10, $0x1;
	s10 =	sld [smem:$0x3FB6];
	_ =	sdelay $0x3  }
0x34: {  	[smem:$0x3FB6] =	sst s10  }
0x35: {  	s10 =	sld [smem:$0x3FB5];
	_ =	sdelay $0x3  }
0x36: {  	p1 =	seq.s32 s10, $0x1;
	s10 =	sld [smem:$0x3FB6];
	_ =	sdelay $0x3  }
0x37: {  	[smem:$0x3FB6] =	sst s10  }
0x38: {  	s10 =	sld [smem:$0x3FB7]  }
0x39: {  	_ = 	snop;
	(pc) =	sbr.ind lr, $3  }
0x3a: {  	_ = 	snop  }
0x3b: {  	_ = 	snop  }
0x3c: {  	p2 =	seq.s32 s10, $0x1;
	s10 =	sld [smem:$0x3FB6]  }
0x3d: {  	_ =	shalt  }
0x3e: {  	_ =	shalt  }
0x3f: {  	_ =	shalt  }
0x40: {  	_ =	shalt  }
0x41: {  	_ =	shalt  }
0x42: {  	_ =	shalt  }
0x43: {  	_ =	shalt  }
0x44: {  	_ =	shalt  }
0x45: {  	_ =	shalt  }
0x46: {  	_ =	shalt  }
0x47: {  	_ =	shalt  }
0x48: {  	_ =	shalt  }
0x49: {  	_ =	shalt  }
0x4a: {  	_ =	shalt  }
0x4b: {  	_ =	shalt  }
0x4c: {  	_ =	shalt  }
0x4d: {  	_ =	shalt  }
0x4e: {  	_ =	shalt  }
0x4f: {  	_ =	shalt  }
0x50: {  	_ =	shalt  }
0x51: {  	_ =	shalt  }
0x52: {  	_ =	shalt  }
0x53: {  	_ =	shalt  }
0x54: {  	_ =	shalt  }
0x55: {  	_ =	shalt  }
0x56: {  	_ =	shalt  }
0x57: {  	_ =	shalt  }
0x58: {  	_ =	shalt  }
0x59: {  	_ =	shalt  }
0x5a: {  	_ =	shalt  }
0x5b: {  	_ =	shalt  }
0x5c: {  	_ =	shalt  }
0x5d: {  	_ =	shalt  }
0x5e: {  	_ =	shalt  }
0x5f: {  	_ =	shalt  }
0x60: {  	_ =	shalt  }
0x61: {  	_ =	shalt  }
0x62: {  	_ =	shalt  }
0x63: {  	_ =	shalt  }
0x64: {  	_ =	shalt  }
0x65: {  	_ =	shalt  }
0x66: {  	_ =	shalt  }
0x67: {  	_ =	shalt  }
0x68: {  	_ =	shalt  }
0x69: {  	_ =	shalt  }
0x6a: {  	_ =	shalt  }
0x6b: {  	_ =	shalt  }
0x6c: {  	_ =	shalt  }
0x6d: {  	_ =	shalt  }
0x6e: {  	_ =	shalt  }
0x6f: {  	_ =	shalt  }
0x70: {  	_ =	shalt  }
0x71: {  	_ =	shalt  }
0x72: {  	_ =	shalt  }
0x73: {  	_ =	shalt  }
0x74: {  	_ =	shalt  }
0x75: {  	_ =	shalt  }
0x76: {  	_ =	shalt  }
0x77: {  	_ =	shalt  }
0x78: {  	_ =	shalt  }
0x79: {  	_ =	shalt  }
0x7a: {  	_ =	shalt  }
0x7b: {  	_ =	shalt  }
0x7c: {  	_ =	shalt  }
0x7d: {  	_ =	shalt  }
0x7e: {  	_ =	shalt  }
0x7f: {  	_ =	shalt  }
0x80: {  	_ =	shalt  }
0x81: {  	_ =	shalt  }
0x82: {  	_ =	shalt  }
0x83: {  	_ =	shalt  }
0x84: {  	_ =	shalt  }
0x85: {  	_ =	shalt  }
0x86: {  	_ =	shalt  }
0x87: {  	_ =	shalt  }
.Lfunc_end0:
.L_simem_size_0:
called_computation.1_lowered:
.L_overlay_start_0:
0x88: {  	s2 =	sld [smem:$0x3FD9]  }
0x89: {  	s3 =	sld [smem:$0x3FFE];
	_ =	sdelay $0x1  }
0x8a: {  	s1 =	srdreg.scid  }
0x8b: {  	s0 =	sand.u32 $0x1, s1  }
0x8c: {  	s17 =	sshll.u32 s0, $0xA;
	s2 =	sadd.s32 s3, s2  }
0x8d: {  	s2 =	sadd.s32 s2, s17  }
0x8e: {  	[smem:$0x3FC2] =	sst s2  }
0x8f: {  	_ = 	snop  }
0x90: {  	(tm) =	ssettm $0x1  }
0x91: {  	s18 =	sld [smem:$0x3FFB];
	_ =	sdelay $0x3  }
0x92: {  	_ =	strace s18  }
0x93: {  	s2 =	sld [smem:$0x3FFC];
	_ =	sdelay $0x3  }
0x94: {  	_ =	strace s2  }
0x95: {  	s2 =	sld [smem:$0x3FFD];
	_ =	sdelay $0x3  }
0x96: {  	_ =	strace s2  }
0x97: {  	_ =	strace $0x8FFFFFFF  }
0x98: {  	s19 =	sld [smem:$0x3FDB];
	_ =	sdelay $0x1  }
0x99: {  	s20 =	simm.s32 $_scs_section_size  }
0x9a: {  	s4 =	simm.s32 $_size__tile_overlayer_lowered;
	s5 =	simm.s32 $_tile_overlayer_lowered  }
0x9b: {  	s6 =	simm.s32 $0x1BFF;
	s21 =	sshll.u32 s5, $0x1;
	s3 =	sadd.s32 s20, s19  }
0x9c: {  	s22 =	simm.s32 $0x0;
	s4 =	sshll.u32 s4, $0x1;
	s5 =	sadd.s32 s21, s3  }
0x9d: {  	[timem:s22], [sflag:s6] =	dma.local [hbm:s5], s4  }
0x9e: {  	_ =	swait.ge [sflag:s6], s4  }
0x9f: {  	s4 =	ssub.s32 $0x0, s4;
	[sflag:s6] =	ssyncset.done $0x0  }
0xa0: {  	[sflag:s6] =	ssyncadd.s32 s4;
	_ =	sdelay $0x1  }
0xa1: {  	s23 =	simm.s32 $0x1B8B  }
0xa2: {  	_ =	swait.ge [sflag:s23], $0x1  }
0xa3: {  	[sflag:s23] =	ssyncset.done $0x0  }
0xa4: {  	[sflag:s23] =	ssyncadd.s32 $0xFFFFFFFF  }
0xa5: {  	s4 =	sld [smem:$0x0]  }
0xa6: {  	s5 =	sand.u32 $0xFFFFFFFE, s1  }
0xa7: {  	p0 =	sne.s32 s1, s5  }
0xa8: {  	s5 =	sshll.u32 @p0 s5, $0xE  }
0xa9: {  	s5 =	sadd.s32 @p0 $0x11B8D, s5;
	s6 =	sshll.u32 @p0 s4, $0x11  }
0xaa: {  	s5 =	sor.u32 @p0 s6, s5  }
0xab: {  	[sflag:s5] =	ssyncadd.remote.s32 @p0 $0x1;
	_ =	sdelay $0x1  }
0xac: {  	s5 =	simm.s32 @p0 $0x1B8D  }
0xad: {  	_ =	swait.eq @p0 [sflag:s5], $0x1  }
0xae: {  	[sflag:s5] =	ssyncadd.s32 @p0 $0xFFFFFFFF  }
0xaf: {  	s6 =	sshll.u32 @!p0 s1, $0xE  }
0xb0: {  	s6 =	sor.u32 @!p0 $0x4000, s6;
	s5 =	simm.s32 @!p0 $0x1B8D  }
0xb1: {  	s4 =	sshll.u32 @!p0 s4, $0x11;
	s6 =	sadd.s32 @!p0 $0x11B8D, s6;
	_ =	swait.eq @!p0 [sflag:s5], $0x1  }
0xb2: {  	s4 =	sor.u32 @!p0 s4, s6;
	[sflag:s5] =	ssyncadd.s32 @!p0 $0xFFFFFFFF  }
0xb3: {  	s25 =	simm.s32 $0x1B8E;
	s24 =	sld [smem:$0x3FFE];
	[sflag:s4] =	ssyncadd.remote.s32 @!p0 $0x1  }
0xb4: {  	s26 =	simm.s32 $execute0_lowered;
	[smem:$0x3FD2] =	sst s25  }
0xb5: {  	s5 =	sshll.u32 s26, $0x1;
	_ =	strace $0x80000049;
	[dreg:$0x1] =	wrdreg $0xFFFFFFFF  }
0xb6: {  	s28 =	simm.s32 $_size_execute0_lowered;
	s3 =	sadd.s32 s3, s5;
	[dreg:$0x0] =	wrdreg $0x0  }
0xb7: {  	s5 =	sshll.u32 s28, $0x1;
	[dreg:$0x2] =	wrdreg s3  }
0xb8: {  	[dreg:$0x3] =	wrdreg s5  }
0xb9: {  	[dreg:$0x4] =	wrdreg $0xC0  }
0xba: {  	_ =	task [dreg:s22], $0x5FFFF  }
0xbb: {  	[dreg:$0x1] =	wrdreg $0xFFFFFFFF  }
0xbc: {  	[dreg:$0x0] =	wrdreg $0x60  }
0xbd: {  	[dreg:$0x2] =	wrdreg s24  }
0xbe: {  	[dreg:$0x3] =	wrdreg $0xA  }
0xbf: {  	_ =	task.clear_ibuf [dreg:s22], $0x4FFFF;
	_ =	strace $0x90000049  }
0xc0: {  	s29 =	simm.s32 $0xA;
	_ =	strace $0x8000004B  }
0xc1: {  	_ =	swait.ge [sflag:s29], $0x1  }
0xc2: {  	[sflag:s29] =	ssyncadd.s32 $0xFFFFFFFF  }
0xc3: {  	_ =	strace $0x9000004B  }
0xc4: {  	_ =	sfence  }
0xc5: {  	s30 =	sld [smem:$0x0];
	_ =	sdelay $0x2  }
0xc6: {  	s31 =	sshll.u32 s1, $0xD;
	s1 =	sshrl.u32 s1, $0x2  }
0xc7: {  	s4 =	sand.u32 $0x4000, s31;
	s1 =	sadd.s32 s1, s30  }
0xc8: {  	s0 =	sor.u32 s4, s0;
	s1 =	sshll.u32 s1, $0x11  }
0xc9: {  	s0 =	sor.u32 s1, s0  }
0xca: {  	s0 =	sadd.s32 $0x8F2B, s0  }
0xcb: {  	[sflag:s0] =	ssyncadd.remote.s32 $0x1  }
0xcc: {  	_ =	sfence.sel $0xFFFF  }
0xcd: {  	[dreg:$0x0] =	wrdreg $0xFFFFFFFF;
	(pc) =	sbr.abs _section_cstart, $3  }
0xce: {  	[dreg:$0x1] =	wrdreg $0xFFFFFFFF  }
0xcf: {  	_ =	task.clear_ibuf [dreg:s22], $0x2FFFF;
	_ =	strace $0x9FFFFFFF  }
0xd0: {  	(tm) =	ssettm $0x7FFFFFFF  }
0xd1: {  	_ =	shalt  }
tec
execute0_lowered:
.L_overlay_start_1:
0x0: {  	(tag) =	ssettag $0x1  }
0x1: {  	s0 =	rddreg [dreg:$0x0];
	s19 =	simm.s32 $0x0  }
0x2: {  	s2 =	srdreg.scid;
	s16 =	stileid.u32;
	s17 =	simm.s32 $0x80  }
0x3: {  	s18 =	simm.s32 $0x400;
	s20 =	simm.s32 $0x15600;
	s21 =	simm.s32 $0x3  }
0x4: {  	s22 =	simm.s32 $0x1;
	s25 =	simm.s32 $0x2;
	[smem:$0x7FF] =	sst s19  }
0x5: {  	s28 =	simm.s32 $0x0;
	s1 =	sadd.s32 $0x3ABA00, s0;
	s13 =	sadd.s32 $0x401200, s0  }
0x6: {  	s2 =	sand.u32 $0x1, s2;
	s3 =	smul.u32 $0x2AC00, s16;
	s14 =	sadd.s32 $0x356200, s0  }
0x7: {  	s16 =	sshll.u32 s16, $0x5;
	_ =	strace $0x8000004A;
	s5 =	sshll.u32 s2, $0x9  }
0x8: {  	s4 =	ssub.s32 $0x2, s2;
	s2 =	sshll.u32 s2, $0x4;
	s3 =	sor.u32 s5, s3  }
0x9: {  	s6 =	sshrl.u32 s4, $0x1;
	s0 =	sadd.s32 s2, s0;
	s11 =	sshrl.u32 s3, $0x3  }
0xa: {  	s31 =	ssub.s32 s4, s6;
	s0 =	sadd.s32 s16, s0;
	s3 =	sadd.s32 s1, s11  }
0xb: {  	s4 =	sadd.s32 s13, s11;
	s8 =	sor.u32 $0x10, s11;
	s5 =	sadd.s32 s14, s11  }
.Ltmp0:
0xc: {  	s12 =	sor.u32 $0x20, s11;
	s15 =	sor.u32 $0x30, s11;
	(pc) =	sbr.rel .LBB2_1-.Ltmp0, $4  }
0xd: {  	s16 =	smax.u32 s31, $0x1;
	[dreg:$0x2] =	wrdreg s3;
	s6 =	sadd.s32 s1, s8  }
0xe: {  	v0 =	vimm.f32 $0.0e+00;
	s7 =	sadd.s32 s13, s8;
	s8 =	sadd.s32 s14, s8;
	s9 =	sadd.s32 s1, s12  }
0xf: {  	vm0 =	vcmask $0x300;
	vm1 =	vcmask $0x1310;
	v1 =	vlaneseq.u32;
	s10 =	sadd.s32 s13, s12;
	s11 =	sadd.s32 s14, s12;
	s12 =	sadd.s32 s1, s15  }
0x10: {  	vm2 =	vcmask $0x1714;
	vm3 =	vcmask $0x1B18;
	vm4 =	vcmask $0x1F1C;
	s13 =	sadd.s32 s13, s15;
	s14 =	sadd.s32 s14, s15;
	s15 =	sadd.s32 $0x456A00, s0  }
.LBB2_49:
0x11: {  	s0 =	ssub.f32 s30, s0  }
0x12: {  	vm5 =	veq.s32 v1, $0x2;
	v3 =	vbroadcast v3, $0xF  }
0x13: {  	s30 =	ssub.f32 s29, s1;
	v2 =	vsel vm5, s0, v2  }
0x14: {  	vm5 =	veq.s32 v1, $0x3;
	v2 =	vsel vm3, v3, v2;
	v3 =	vbroadcast v4, $0xF  }
0x15: {  	s28 =	sadd.s32 $0x1, s28;
	v2 =	vsel vm5, s30, v2  }
0x16: {  	p0 =	sne.s32 s28, s16;
	v2 =	vsel vm4, v3, v2  }
.Ltmp1:
0x17: {  	s19 =	simm.s32 $0x0;
	s31 =	simm.s32 $0x1AB80;
	[tilespmem:$0x1AB80] =	vst v2;
	(pc) =	sbr.rel @!p0 .LBB2_50-.Ltmp1, $4  }
0x18: {  	[hbm4b:s15+s19] =	stream.linear.scatter [tilespmem:s31], [sflag:$0x3], $0x80, $0x38;
	[tilespmem:$0x1AC00] =	vst v63  }
0x19: {  	_ =	swait.ge [sflag:s21], $0x80  }
0x1a: {  	[sflag:s21] =	ssyncset.done $0x0  }
0x1b: {  	[sflag:s21] =	ssyncadd.s32 $0xFFFFFF80  }
.LBB2_1:
0x1c: {  	s0 =	rddreg [dreg:$0x2]  }
0x1d: {  	[tilespmem:s19], [sflag:$0x1] =	stream.strided.gather [hbm4b:s0+s17], $0x5580, s18, s17, $0x38;
	[tilespmem:$0x1AC00] =	vst v63  }
0x1e: {  	s29 =	simm.s32 $0x5580  }
0x1f: {  	[tilespmem:s29], [sflag:$0x1] =	stream.strided.gather [hbm4b:s4+s17], $0x5580, s18, s17, $0x38;
	[tilespmem:$0x1AC00] =	vst v63  }
0x20: {  	_ = 	snop  }
0x21: {  	[tilespmem:s20], [sflag:$0x3] =	stream.strided.gather [hbm4b:s5+s17], $0x5580, s18, s17, $0x38;
	[tilespmem:$0x1AC00] =	vst v63  }
0x22: {  	_ =	swait.ge [sflag:s21], $0x5580  }
0x23: {  	[sflag:s21] =	ssyncset.done $0x0  }
0x24: {  	[sflag:s21] =	ssyncadd.s32 $0xFFFFAA80  }
0x25: {  	_ =	swait.ge [sflag:s22], $0x5580  }
0x26: {  	[sflag:s22] =	ssyncset.done $0x0  }
0x27: {  	[sflag:s22] =	ssyncadd.s32 $0xFFFFAA80  }
0x28: {  	_ =	swait.ge [sflag:s22], $0x5580  }
0x29: {  	[sflag:s22] =	ssyncset.done $0x0  }
0x2a: {  	s30 =	simm.s32 $0xAB00;
	[sflag:s22] =	ssyncadd.s32 $0xFFFFAA80  }
0x2b: {  	[tilespmem:s30], [sflag:$0x2] =	stream.strided.gather [hbm4b:s6+s17], $0x5580, s18, s17, $0x38;
	[tilespmem:$0x1AC00] =	vst v63  }
0x2c: {  	s31 =	simm.s32 $0x10080;
	s1 =	simm.s32 $0x0  }
0x2d: {  	[tilespmem:s31], [sflag:$0x2] =	stream.strided.gather [hbm4b:s7+s17], $0x5580, s18, s17, $0x38;
	[tilespmem:$0x1AC00] =	vst v63  }
0x2e: {  	v2 =	vld [tilespmem:s1+$0x10]  }
0x2f: {  	v3 =	vld [tilespmem:s1+$0x5590]  }
0x30: {  	v4 =	vld [tilespmem:s1+$0x0]  }
0x31: {  	v6 =	vld [tilespmem:s1+$0x5580];
	_ =	sdelay $0x3  }
0x32: {  	v5 =	vsub.f32 v2, v3  }
0x33: {  	v4 =	vsub.f32 v4, v6  }
0x34: {  	v2 =	vand.u32 $0x7FFFFFFF, v5  }
0x35: {  	v3 =	vand.u32 $0x7FFFFFFF, v4;
	v2 =	vsub.f32 $0.0e+00, v2  }
0x36: {  	v3 =	vsub.f32 $0.0e+00, v3  }
0x37: {  	v2 =	vmul.f32 $1.442695020e+00, v2  }
0x38: {  	v3 =	vmul.f32 $1.442695020e+00, v3  }
0x39: {  	(erf) = vpow2.f32 v2  }
0x3a: {  	(erf) = vpow2.f32 v3;
	_ =	sdelay $0x1  }
0x3b: {  	s2 =	simm.s32 $0x20  }
0x3c: {  	v8 =	vld [tilespmem:s2+$0x0]  }
0x3d: {  	v2 =	vld [tilespmem:s2+$0x10]  }
0x3e: {  	v3 =	vld [tilespmem:s2+$0x5590]  }
0x3f: {  	v9 =	vld [tilespmem:s2+$0x5580];
	_ =	sdelay $0x1  }
0x40: {  	v6 =	vpop (erf)  }
0x41: {  	v7 =	vpop (erf)  }
0x42: {  	v2 =	vsub.f32 v2, v3;
	v11 =	vmul.f32 $1.741407810e-02, v7  }
0x43: {  	v3 =	vsub.f32 v8, v9;
	v10 =	vmul.f32 $1.741407810e-02, v6  }
0x44: {  	v9 =	vsub.f32 $8.269123730e-02, v11;
	v11 =	vand.u32 $0x7FFFFFFF, v2  }
0x45: {  	v8 =	vsub.f32 $8.269123730e-02, v10;
	v10 =	vand.u32 $0x7FFFFFFF, v3;
	v11 =	vsub.f32 $0.0e+00, v11  }
0x46: {  	s0 =	simm.s32 $0x40;
	v17 =	vld [tilespmem:s1+$0x15610];
	v12 =	vsub.f32 $0.0e+00, v10  }
0x47: {  	v15 =	vld [tilespmem:s0+$0x5580];
	v9 =	vmul.f32 v9, v7;
	v13 =	vmul.f32 $1.442695020e+00, v11  }
0x48: {  	v10 =	vld [tilespmem:s1+$0x15600];
	v8 =	vmul.f32 v8, v6;
	v14 =	vmul.f32 $1.442695020e+00, v12  }
0x49: {  	v12 =	vld [tilespmem:s0+$0x5590];
	v9 =	vadd.f32 $-1.903543320e-01, v9;
	(erf) = vpow2.f32 v13  }
0x4a: {  	v8 =	vadd.f32 $-1.903543320e-01, v8;
	v11 =	vld [tilespmem:s0+$0x10];
	(erf) = vpow2.f32 v14  }
0x4b: {  	v13 =	vld [tilespmem:s0+$0x0];
	v9 =	vmul.f32 v9, v7  }
0x4c: {  	v8 =	vmul.f32 v8, v6  }
0x4d: {  	vm5 =	vgt.s32 v17, $0x0;
	v16 =	vadd.f32 $3.157473210e-01, v9  }
0x4e: {  	s1 =	simm.s32 $0x180;
	v14 =	vadd.f32 $3.157473210e-01, v8;
	v8 =	vimm.f32 $0.0e+00;
	v9 =	vimm.f32 $0.0e+00  }
.LBB2_2:
0x4f: {  	p0 =	sne.s32 s1, $0x15480;
	v11 =	vsub.f32 v11, v12;
	vm6 =	vgt.s32 v10, $0x0;
	v10 =	vmul.f32 v16, v7  }
0x50: {  	v14 =	vmul.f32 v14, v6;
	v12 =	vsub.f32 v13, v15;
	v13 =	vsub.f32 $0.0e+00, v5  }
0x51: {  	v15 =	vsub.f32 $0.0e+00, v4;
	v16 =	vsel vm6, $0x3F800000, v0;
	v10 =	vadd.f32 $-4.973732230e-01, v10  }
0x52: {  	v18 =	vand.u32 $0x7FFFFFFF, v11;
	v14 =	vadd.f32 $-4.973732230e-01, v14;
	v17 =	vand.u32 $0x7FFFFFFF, v12;
	v19 =	vpop (erf)  }
0x53: {  	v18 =	vsub.f32 $0.0e+00, v18;
	v20 =	vmul.f32 $1.741407810e-02, v19;
	v21 =	vpop (erf);
	v10 =	vmul.f32 v10, v7  }
0x54: {  	v17 =	vsub.f32 $0.0e+00, v17;
	v14 =	vmul.f32 v14, v6;
	v22 =	vmul.f32 $1.741407810e-02, v21  }
0x55: {  	v25 =	vsel vm5, v5, v13;
	v5 =	vmovc v2;
	v2 =	vmovc v11;
	v23 =	vld [tilespmem:s2+$0x15610];
	v20 =	vsub.f32 $8.269123730e-02, v20;
	v24 =	vadd.f32 $9.998477100e-01, v10  }
0x56: {  	v13 =	vmul.f32 $1.442695020e+00, v18;
	v14 =	vadd.f32 $9.998477100e-01, v14;
	v18 =	vsub.f32 $8.269123730e-02, v22  }
0x57: {  	v15 =	vsel vm6, v4, v15;
	v4 =	vmovc v3;
	v10 =	vld [tilespmem:s2+$0x15600];
	v20 =	vmul.f32 v20, v19;
	v22 =	vmul.f32 v24, v7;
	s2 =	smov.u32 s0;
	s0 =	sshra.s32 s1, $0x2  }
0x58: {  	v3 =	vmovc v12;
	v15 =	vmax.f32 v15, $0.0e+00;
	v14 =	vmul.f32 v14, v6;
	v6 =	vmovc v19;
	v11 =	vld [tilespmem:s0+$0x10];
	v18 =	vmul.f32 v18, v21  }
0x59: {  	v17 =	vmul.f32 $1.442695020e+00, v17;
	v7 =	vmovc v21;
	v19 =	vadd.f32 $-1.903543320e-01, v20;
	v20 =	vadd.f32 $1.472065040e-06, v22  }
0x5a: {  	v14 =	vadd.f32 $1.472065040e-06, v14;
	v12 =	vld [tilespmem:s0+$0x5590];
	(erf) = vpow2.f32 v13;
	v18 =	vadd.f32 $-1.903543320e-01, v18  }
.Ltmp2:
0x5b: {  	v13 =	vld [tilespmem:s0+$0x0];
	(erf) = vpow2.f32 v17;
	v17 =	vadd.f32 v20, v15;
	v20 =	vmax.f32 v25, $0.0e+00;
	(pc) =	sbr.rel @p0 .LBB2_2-.Ltmp2, $4  }
0x5c: {  	v19 =	vmul.f32 v19, v6;
	v15 =	vld [tilespmem:s0+$0x5580];
	v18 =	vmul.f32 v18, v7;
	v20 =	vadd.f32 v14, v20  }
0x5d: {  	v8 =	vadd.f32 v16, v8;
	v9 =	vadd.f32 v17, v9  }
0x5e: {  	v14 =	vadd.f32 $3.157473210e-01, v19;
	v17 =	vsel vm5, $0x3F800000, v0;
	v16 =	vadd.f32 $3.157473210e-01, v18  }
0x5f: {  	s1 =	sadd.s32 $0x80, s1;
	vm5 =	vgt.s32 v23, $0x0;
	v8 =	vadd.f32 v17, v8;
	v9 =	vadd.f32 v20, v9  }
0x60: {  	v11 =	vsub.f32 v11, v12  }
0x61: {  	v31 =	vsub.f32 v13, v15  }
0x62: {  	v32 =	vand.u32 $0x7FFFFFFF, v11  }
0x63: {  	v15 =	vand.u32 $0x7FFFFFFF, v31;
	v13 =	vsub.f32 $0.0e+00, v32  }
0x64: {  	v15 =	vsub.f32 $0.0e+00, v15  }
0x65: {  	v16 =	vmul.f32 v16, v7;
	v13 =	vmul.f32 $1.442695020e+00, v13  }
0x66: {  	v14 =	vmul.f32 v14, v6;
	v17 =	vpop (erf);
	v15 =	vmul.f32 $1.442695020e+00, v15  }
0x67: {  	vm6 =	vgt.s32 v10, $0x0;
	v38 =	vsub.f32 $0.0e+00, v5;
	v18 =	vpop (erf);
	(erf) = vpow2.f32 v13  }
0x68: {  	v19 =	vsub.f32 $0.0e+00, v4;
	v16 =	vadd.f32 $-4.973732230e-01, v16;
	(erf) = vpow2.f32 v15  }
0x69: {  	v50 =	vsel vm5, $0x3F800000, v0;
	v54 =	vsub.f32 $0.0e+00, v2;
	v34 =	vmul.f32 $1.741407810e-02, v18  }
0x6a: {  	v55 =	vsub.f32 $0.0e+00, v3;
	v48 =	vsel vm6, $0x3F800000, v0;
	v16 =	vmul.f32 v16, v7  }
0x6b: {  	v33 =	vadd.f32 $-4.973732230e-01, v14;
	v5 =	vsel vm5, v5, v38;
	v14 =	vsub.f32 $8.269123730e-02, v34  }
0x6c: {  	v45 =	vld [tilespmem:s2+$0x15610];
	v4 =	vsel vm6, v4, v19;
	v35 =	vmul.f32 $1.741407810e-02, v17;
	v37 =	vadd.f32 $9.998477100e-01, v16  }
0x6d: {  	v8 =	vadd.f32 v48, v8;
	v13 =	vmul.f32 v33, v6;
	v14 =	vmul.f32 v14, v18  }
0x6e: {  	v51 =	vld [tilespmem:s2+$0x15600];
	v4 =	vmax.f32 v4, $0.0e+00;
	v36 =	vsub.f32 $8.269123730e-02, v35;
	v39 =	vmul.f32 v37, v7  }
0x6f: {  	v5 =	vmax.f32 v5, $0.0e+00;
	v13 =	vadd.f32 $9.998477100e-01, v13;
	v41 =	vadd.f32 $-1.903543320e-01, v14  }
0x70: {  	v8 =	vadd.f32 v50, v8;
	v10 =	vmul.f32 v36, v17;
	v7 =	vadd.f32 $1.472065040e-06, v39;
	v42 =	vpop (erf)  }
0x71: {  	vm5 =	vgt.s32 v45, $0x0;
	v40 =	vmul.f32 v13, v6;
	v13 =	vmul.f32 v41, v18;
	v44 =	vpop (erf)  }
0x72: {  	v10 =	vadd.f32 $-1.903543320e-01, v10;
	v4 =	vadd.f32 v7, v4;
	v47 =	vmul.f32 $1.741407810e-02, v44  }
0x73: {  	vm6 =	vgt.s32 v51, $0x0;
	v6 =	vadd.f32 $1.472065040e-06, v40;
	v46 =	vadd.f32 $3.157473210e-01, v13  }
0x74: {  	v43 =	vmul.f32 v10, v17;
	v49 =	vmul.f32 $1.741407810e-02, v42;
	v13 =	vsub.f32 $8.269123730e-02, v47  }
0x75: {  	v4 =	vadd.f32 v4, v9;
	v5 =	vadd.f32 v6, v5;
	v6 =	vmul.f32 v46, v18  }
0x76: {  	v57 =	vld [tilespmem:s0+$0x15600];
	v7 =	vadd.f32 $3.157473210e-01, v43;
	v9 =	vsub.f32 $8.269123730e-02, v49;
	v13 =	vmul.f32 v13, v44  }
0x77: {  	v56 =	vsel vm6, $0x3F800000, v0;
	v3 =	vsel vm6, v3, v55;
	v6 =	vadd.f32 $-4.973732230e-01, v6  }
0x78: {  	v58 =	vld [tilespmem:s0+$0x15610];
	v7 =	vmul.f32 v7, v17;
	v52 =	vmul.f32 v9, v42;
	v53 =	vadd.f32 $-1.903543320e-01, v13  }
0x79: {  	v59 =	vsel vm5, $0x3F800000, v0;
	v4 =	vadd.f32 v5, v4;
	v6 =	vmul.f32 v6, v18  }
0x7a: {  	v5 =	vadd.f32 $-4.973732230e-01, v7;
	v7 =	vadd.f32 $-1.903543320e-01, v52;
	v9 =	vmul.f32 v53, v44  }
0x7b: {  	v2 =	vsel vm5, v2, v54;
	vm5 =	vgt.s32 v57, $0x0;
	v6 =	vadd.f32 $9.998477100e-01, v6  }
0x7c: {  	v8 =	vadd.f32 v56, v8;
	v7 =	vmul.f32 v7, v42;
	v9 =	vadd.f32 $3.157473210e-01, v9  }
0x7d: {  	vm6 =	vgt.s32 v58, $0x0;
	v5 =	vmul.f32 v5, v17;
	v6 =	vmul.f32 v6, v18  }
0x7e: {  	v60 =	vadd.f32 v59, v8;
	v7 =	vadd.f32 $3.157473210e-01, v7;
	v9 =	vmul.f32 v9, v44  }
0x7f: {  	v3 =	vmax.f32 v3, $0.0e+00;
	v5 =	vadd.f32 $9.998477100e-01, v5;
	v6 =	vadd.f32 $1.472065040e-06, v6  }
0x80: {  	v62 =	vsel vm5, $0x3F800000, v0;
	v7 =	vmul.f32 v7, v42;
	v9 =	vadd.f32 $-4.973732230e-01, v9  }
0x81: {  	v5 =	vmul.f32 v5, v17;
	v3 =	vadd.f32 v6, v3;
	v6 =	vadd.f32 v62, v60  }
0x82: {  	v63 =	vsel vm6, $0x3F800000, v0;
	v7 =	vadd.f32 $-4.973732230e-01, v7;
	v61 =	vmul.f32 v9, v44  }
0x83: {  	v5 =	vadd.f32 $1.472065040e-06, v5;
	v6 =	vadd.f32 v63, v6  }
0x84: {  	v2 =	vmax.f32 v2, $0.0e+00;
	v7 =	vmul.f32 v7, v42;
	v8 =	vadd.f32 $9.998477100e-01, v61  }
0x85: {  	v2 =	vadd.f32 v5, v2;
	v5 =	vsub.f32 $0.0e+00, v31;
	(xrf2) =	vadd.scan.msk.f32 $0xffff, v6  }
0x86: {  	v7 =	vadd.f32 $9.998477100e-01, v7;
	v8 =	vmul.f32 v8, v44  }
0x87: {  	v5 =	vsel vm5, v31, v5;
	v3 =	vadd.f32 v3, v4  }
0x88: {  	v4 =	vsub.f32 $0.0e+00, v11;
	v7 =	vmul.f32 v7, v42;
	v8 =	vadd.f32 $1.472065040e-06, v8  }
0x89: {  	v2 =	vadd.f32 v2, v3;
	v3 =	vmax.f32 v5, $0.0e+00  }
0x8a: {  	v4 =	vsel vm6, v11, v4;
	v5 =	vadd.f32 $1.472065040e-06, v7;
	v3 =	vadd.f32 v8, v3  }
0x8b: {  	v4 =	vmax.f32 v4, $0.0e+00  }
0x8c: {  	v4 =	vadd.f32 v5, v4;
	v2 =	vadd.f32 v3, v2;
	_ =	sdelay $0x1  }
0x8d: {  	v2 =	vadd.f32 v4, v2  }
0x8e: {  	v3, _, _ =	vpop (xrf2)  }
0x8f: {  	(v2sf) =	vpush v3, $0xF;
	(xrf2) =	vadd.scan.msk.f32 $0xffff, v2;
	_ =	sdelay $0x9  }
0x90: {  	v2, _, _ =	vpop (xrf2)  }
0x91: {  	(v2sf) =	vpush v2, $0xF;
	_ =	sdelay $0x3  }
0x92: {  	s31 =	spop (v2sf)  }
0x93: {  	s1 =	smul.f32 $3.000000000e+00, s31;
	_ =	sdelay $0x1  }
0x94: {  	s1 =	smin.f32 s1, $2.182300000e+04  }
0x95: {  	s29 =	ssub.f32 $2.182400000e+04, s1;
	_ =	sdelay $0x1  }
0x96: {  	p0 =	sle.f32 s29, s31  }
.Ltmp3:
0x97: {  	_ = 	snop;
	(pc) =	sbr.rel @p0 .LBB2_13-.Ltmp3, $2  }
0x98: {  	_ =	sdelay $0x2  }
0x99: {  	s0 =	simm.f32 $0.0e+00;
	s2 =	simm.s32 $0x0;
	s30 =	spop (v2sf)  }
0x9a: {  	p0 =	por $0x0, $0x0  }
.Ltmp4:
0x9b: {  	_ = 	snop;
	(pc) =	sbr.rel @p0 .LBB2_6-.Ltmp4, $4  }
0x9c: {  	s0 =	simm.s32 $0x0  }
0x9d: {  	v2 =	vld [tilespmem:s0+$0x5580]  }
0x9e: {  	v4 =	vld [tilespmem:s0+$0x5590]  }
0x9f: {  	s26 =	simm.s32 $0x80;
	v5 =	vld [tilespmem:s0+$0x0]  }
.LBB2_5:
0xa0: {  	p0 =	seq.s32 s26, $0x15480;
	v6 =	vld [tilespmem:s0+$0x10];
	_ =	sdelay $0x3  }
0xa1: {  	v2 =	vsub.f32 v5, v2  }
0xa2: {  	v4 =	vsub.f32 v6, v4  }
0xa3: {  	v5 =	vand.u32 $0x7FFFFFFF, v2  }
0xa4: {  	v5 =	vsub.f32 $0.0e+00, v5;
	v6 =	vand.u32 $0x7FFFFFFF, v4  }
0xa5: {  	v6 =	vsub.f32 $0.0e+00, v6  }
0xa6: {  	v5 =	vmul.f32 $1.442695020e+00, v5  }
0xa7: {  	v6 =	vmul.f32 $1.442695020e+00, v6  }
0xa8: {  	(erf) = vpow2.f32 v5  }
0xa9: {  	(erf) = vpow2.f32 v6;
	_ =	sdelay $0x7  }
0xaa: {  	v5 =	vpop (erf)  }
0xab: {  	v6 =	vmul.f32 $1.741407810e-02, v5;
	v7 =	vpop (erf)  }
0xac: {  	v8 =	vmul.f32 $1.741407810e-02, v7  }
0xad: {  	v6 =	vsub.f32 $8.269123730e-02, v6  }
0xae: {  	v8 =	vsub.f32 $8.269123730e-02, v8  }
0xaf: {  	v6 =	vmul.f32 v6, v5  }
0xb0: {  	v8 =	vmul.f32 v8, v7  }
0xb1: {  	v6 =	vadd.f32 $-1.903543320e-01, v6  }
0xb2: {  	v8 =	vadd.f32 $-1.903543320e-01, v8  }
0xb3: {  	v6 =	vmul.f32 v6, v5  }
0xb4: {  	v8 =	vmul.f32 v8, v7  }
0xb5: {  	v6 =	vadd.f32 $3.157473210e-01, v6  }
0xb6: {  	v8 =	vadd.f32 $3.157473210e-01, v8  }
0xb7: {  	v6 =	vmul.f32 v6, v5  }
0xb8: {  	v8 =	vmul.f32 v8, v7  }
0xb9: {  	v6 =	vadd.f32 $-4.973732230e-01, v6  }
0xba: {  	v8 =	vadd.f32 $-4.973732230e-01, v8  }
0xbb: {  	v9 =	vld [tilespmem:s0+$0x15600];
	v6 =	vmul.f32 v6, v5  }
0xbc: {  	v10 =	vld [tilespmem:s0+$0x15610];
	v8 =	vmul.f32 v8, v7  }
0xbd: {  	v6 =	vadd.f32 $9.998477100e-01, v6  }
0xbe: {  	v8 =	vadd.f32 $9.998477100e-01, v8  }
0xbf: {  	v11 =	vsub.f32 $0.0e+00, v2;
	v5 =	vmul.f32 v6, v5  }
0xc0: {  	v6 =	vsub.f32 $0.0e+00, v4;
	vm5 =	vgt.s32 v9, $0x0;
	v7 =	vmul.f32 v8, v7  }
0xc1: {  	v2 =	vsel vm5, v2, v11;
	v5 =	vadd.f32 $1.472065040e-06, v5;
	vm6 =	vgt.s32 v10, $0x0  }
0xc2: {  	v2 =	vmax.f32 v2, $0.0e+00;
	v4 =	vsel vm6, v4, v6;
	v6 =	vadd.f32 $1.472065040e-06, v7  }
.Ltmp5:
0xc3: {  	v5 =	vadd.f32 v5, v2;
	v2 =	vmax.f32 v4, $0.0e+00;
	(pc) =	sbr.rel @!p0 .LBB2_5-.Ltmp5, $4  }
0xc4: {  	s1 =	sshra.s32 s26, $0x2;
	v6 =	vadd.f32 v6, v2  }
0xc5: {  	v2 =	vld [tilespmem:s1+$0x5580];
	v5 =	vsel vm5, $0x0, v5  }
0xc6: {  	v4 =	vld [tilespmem:s1+$0x5590];
	[tilespmem:s0+$0x0] =	vst v5;
	v6 =	vsel vm6, $0x0, v6  }
0xc7: {  	s26 =	sadd.s32 $0x80, s26;
	v5 =	vld [tilespmem:s1+$0x0];
	[tilespmem:s0+$0x10] =	vst v6;
	s0 =	smov.u32 s1  }
.LBB2_6:
0xc8: {  	v6 =	vld [tilespmem:s0+$0x10];
	_ =	sdelay $0x3  }
0xc9: {  	v2 =	vsub.f32 v5, v2  }
0xca: {  	v4 =	vsub.f32 v6, v4  }
0xcb: {  	v5 =	vand.u32 $0x7FFFFFFF, v2  }
0xcc: {  	v5 =	vsub.f32 $0.0e+00, v5;
	v6 =	vand.u32 $0x7FFFFFFF, v4  }
0xcd: {  	v6 =	vsub.f32 $0.0e+00, v6  }
0xce: {  	v5 =	vmul.f32 $1.442695020e+00, v5  }
0xcf: {  	v6 =	vmul.f32 $1.442695020e+00, v6  }
0xd0: {  	(erf) = vpow2.f32 v5  }
0xd1: {  	(erf) = vpow2.f32 v6;
	_ =	sdelay $0x7  }
0xd2: {  	v5 =	vpop (erf)  }
0xd3: {  	v61 =	vmul.f32 $1.741407810e-02, v5;
	v7 =	vpop (erf)  }
0xd4: {  	v8 =	vmul.f32 $1.741407810e-02, v7  }
0xd5: {  	v6 =	vsub.f32 $8.269123730e-02, v61  }
0xd6: {  	v8 =	vsub.f32 $8.269123730e-02, v8  }
0xd7: {  	v6 =	vmul.f32 v6, v5  }
0xd8: {  	v8 =	vmul.f32 v8, v7  }
0xd9: {  	v6 =	vadd.f32 $-1.903543320e-01, v6  }
0xda: {  	v8 =	vadd.f32 $-1.903543320e-01, v8  }
0xdb: {  	v6 =	vmul.f32 v6, v5  }
0xdc: {  	v8 =	vmul.f32 v8, v7  }
0xdd: {  	v6 =	vadd.f32 $3.157473210e-01, v6  }
0xde: {  	v8 =	vadd.f32 $3.157473210e-01, v8  }
0xdf: {  	v6 =	vmul.f32 v6, v5  }
0xe0: {  	v8 =	vmul.f32 v8, v7  }
0xe1: {  	v6 =	vadd.f32 $-4.973732230e-01, v6  }
0xe2: {  	v8 =	vadd.f32 $-4.973732230e-01, v8  }
0xe3: {  	v9 =	vld [tilespmem:s0+$0x15600];
	v6 =	vmul.f32 v6, v5  }
0xe4: {  	v10 =	vld [tilespmem:s0+$0x15610];
	v8 =	vmul.f32 v8, v7  }
0xe5: {  	v6 =	vadd.f32 $9.998477100e-01, v6  }
0xe6: {  	v8 =	vadd.f32 $9.998477100e-01, v8  }
0xe7: {  	v11 =	vsub.f32 $0.0e+00, v2;
	v5 =	vmul.f32 v6, v5  }
0xe8: {  	vm5 =	vgt.s32 v9, $0x0;
	v62 =	vsub.f32 $0.0e+00, v4;
	v7 =	vmul.f32 v8, v7  }
0xe9: {  	vm6 =	vgt.s32 v10, $0x0;
	v2 =	vsel vm5, v2, v11;
	v5 =	vadd.f32 $1.472065040e-06, v5  }
0xea: {  	v2 =	vmax.f32 v2, $0.0e+00;
	v4 =	vsel vm6, v4, v62;
	v63 =	vadd.f32 $1.472065040e-06, v7  }
0xeb: {  	v4 =	vmax.f32 v4, $0.0e+00;
	v2 =	vadd.f32 v5, v2  }
0xec: {  	v4 =	vadd.f32 v63, v4  }
0xed: {  	v2 =	vsel vm5, $0x0, v2  }
0xee: {  	[tilespmem:s0+$0x0] =	vst v2;
	v2 =	vsel vm6, $0x0, v4  }
0xef: {  	s1 =	simm.s32 $0x7F800001;
	[tilespmem:s0+$0x10] =	vst v2;
	s0 =	simm.s32 $0x0  }
.LBB2_7:
0xf0: {  	s19 =	ssub.s32 s1, s2;
	p0 =	sne.s32 s1, s2;
	s23 =	simm.s32 $0x1  }
0xf1: {  	s26 =	sshra.s32 s19, $0x1F;
	s23 =	simm.s32 @!p0 $0x0  }
0xf2: {  	s24 =	sand.u32 $0x1, s19;
	s23 =	sor.u32 s23, s26  }
0xf3: {  	s31 =	sshrl.u32 s19, $0x1F;
	p1 =	seq.s32 s24, $0x1;
	p6 =	sne.s32 s23, $0x1  }
0xf4: {  	s19 =	sadd.s32 s31, s19;
	p0 =	por !p6, !p1  }
0xf5: {  	s19 =	sshra.s32 s19, $0x1;
	s23 =	simm.s32 $0x1;
	p0 =	por !p0, !p0  }
0xf6: {  	s31 =	simm.s32 $0x0;
	s19 =	sadd.s32 s2, s19;
	s23 =	simm.s32 @!p0 $0x0  }
0xf7: {  	v5 =	vld [tilespmem:s31+$0x0];
	s26 =	ssub.s32 s19, s23  }
0xf8: {  	v2 =	vimm.f32 $0.0e+00;
	s19 =	simm.s32 $0x40;
	v4 =	vmov s26  }
.LBB2_8:
0xf9: {  	p0 =	sne.s32 s19, $0x154C0  }
.Ltmp6:
0xfa: {  	_ = 	snop;
	(pc) =	sbr.rel @p0 .LBB2_8-.Ltmp6, $4  }
0xfb: {  	_ = 	snop  }
0xfc: {  	s23 =	sshra.s32 s19, $0x2;
	s19 =	sadd.s32 $0x40, s19;
	vm5 =	vlt.s32 v5, v4  }
0xfd: {  	v5 =	vld [tilespmem:s23+$0x0];
	v6 =	vsel vm5, $0x3F800000, v0  }
0xfe: {  	v2 =	vadd.f32 v6, v2  }
0xff: {  	_ =	sdelay $0x2  }
0x100: {  	vm5 =	vlt.s32 v5, v4  }
0x101: {  	v4 =	vsel vm5, $0x3F800000, v0  }
0x102: {  	v2 =	vadd.f32 v4, v2;
	_ =	sdelay $0x1  }
0x103: {  	(xrf2) =	vadd.scan.msk.f32 $0xffff, v2;
	_ =	sdelay $0x9  }
0x104: {  	v2, _, _ =	vpop (xrf2)  }
0x105: {  	(v2sf) =	vpush v2, $0xF;
	_ =	sdelay $0xe  }
0x106: {  	s19 =	spop (v2sf)  }
0x107: {  	p0 =	slt.f32 s19, s29  }
0x108: {  	s0 =	sadd.s32 $0x1, s0  }
0x109: {  	s2 =	smov.u32 @p0 s26;
	s26 =	smov.u32 @p0 s1;
	p0 =	seq.s32 s0, $0x1F  }
.Ltmp7:
0x10a: {  	_ = 	snop;
	(pc) =	sbr.rel @!p0 .LBB2_7-.Ltmp7, $2  }
0x10b: {  	_ =	sdelay $0x2  }
0x10c: {  	s1 =	smov.u32 s26  }
0x10d: {  	s1 =	simm.s32 $0x0  }
0x10e: {  	v6 =	vld [tilespmem:s1+$0x0]  }
0x10f: {  	v4 =	vmov s2;
	v2 =	vimm.f32 $0.0e+00;
	s0 =	simm.s32 $0x40;
	v5 =	vimm.f32 $0.0e+00  }
.LBB2_11:
0x110: {  	p0 =	sne.s32 s0, $0x154C0  }
.Ltmp8:
0x111: {  	_ = 	snop;
	(pc) =	sbr.rel @p0 .LBB2_11-.Ltmp8, $4  }
0x112: {  	_ = 	snop  }
0x113: {  	s1 =	sshra.s32 s0, $0x2;
	s0 =	sadd.s32 $0x40, s0;
	vm5 =	vgt.s32 v4, v6  }
0x114: {  	v7 =	vnsel vm5, $0x0, v6;
	v6 =	vld [tilespmem:s1+$0x0];
	v8 =	vsel vm5, $0x3F800000, v0  }
0x115: {  	v2 =	vadd.f32 v7, v2;
	v5 =	vadd.f32 v8, v5  }
0x116: {  	_ =	sdelay $0x2  }
0x117: {  	vm5 =	vgt.s32 v4, v6  }
0x118: {  	v4 =	vnsel vm5, $0x0, v6  }
0x119: {  	v63 =	vsel vm5, $0x3F800000, v0;
	v2 =	vadd.f32 v4, v2  }
0x11a: {  	v4 =	vadd.f32 v63, v5  }
0x11b: {  	(xrf2) =	vadd.scan.msk.f32 $0xffff, v2  }
0x11c: {  	(xrf2) =	vadd.scan.msk.f32 $0xffff, v4;
	_ =	sdelay $0x8  }
0x11d: {  	v2, _, _ =	vpop (xrf2)  }
0x11e: {  	(v2sf) =	vpush v2, $0xF;
	v2, _, _ =	vpop (xrf2)  }
0x11f: {  	(v2sf) =	vpush v2, $0xF;
	_ =	sdelay $0xd  }
0x120: {  	s0 =	spop (v2sf)  }
0x121: {  	s1 =	spop (v2sf)  }
0x122: {  	s1 =	ssub.f32 s29, s1;
	_ =	sdelay $0x1  }
0x123: {  	s1 =	smul.f32 s2, s1;
	_ =	sdelay $0x1  }
0x124: {  	s0 =	sadd.f32 s1, s0  }
.LBB2_13:
0x125: {  	[tilespmem:s20], [sflag:$0x3] =	stream.strided.gather [hbm4b:s8+s17], $0x5580, s18, s17, $0x38;
	[tilespmem:$0x1AC00] =	vst v63  }
0x126: {  	_ =	swait.ge [sflag:s21], $0x5580  }
0x127: {  	[sflag:s21] =	ssyncset.done $0x0  }
0x128: {  	[sflag:s21] =	ssyncadd.s32 $0xFFFFAA80  }
0x129: {  	_ =	swait.ge [sflag:s25], $0x5580  }
0x12a: {  	[sflag:s25] =	ssyncset.done $0x0  }
0x12b: {  	[sflag:s25] =	ssyncadd.s32 $0xFFFFAA80  }
0x12c: {  	_ =	swait.ge [sflag:s25], $0x5580  }
0x12d: {  	[sflag:s25] =	ssyncset.done $0x0  }
0x12e: {  	s1 =	simm.s32 $0x0;
	[sflag:s25] =	ssyncadd.s32 $0xFFFFAA80  }
0x12f: {  	[tilespmem:s1], [sflag:$0x1] =	stream.strided.gather [hbm4b:s9+s17], $0x5580, s18, s17, $0x38;
	[tilespmem:$0x1AC00] =	vst v63  }
0x130: {  	s29 =	simm.s32 $0x5580;
	s31 =	simm.s32 $0x0  }
0x131: {  	[tilespmem:s29], [sflag:$0x1] =	stream.strided.gather [hbm4b:s10+s17], $0x5580, s18, s17, $0x38;
	[tilespmem:$0x1AC00] =	vst v63  }
0x132: {  	v2 =	vld [tilespmem:s31+$0xAB10]  }
0x133: {  	v4 =	vld [tilespmem:s31+$0x10090]  }
0x134: {  	v5 =	vld [tilespmem:s31+$0xAB00]  }
0x135: {  	v7 =	vld [tilespmem:s31+$0x10080];
	_ =	sdelay $0x3  }
0x136: {  	v6 =	vsub.f32 v2, v4  }
0x137: {  	v5 =	vsub.f32 v5, v7  }
0x138: {  	v2 =	vand.u32 $0x7FFFFFFF, v6  }
0x139: {  	v4 =	vand.u32 $0x7FFFFFFF, v5;
	v2 =	vsub.f32 $0.0e+00, v2  }
0x13a: {  	v4 =	vsub.f32 $0.0e+00, v4  }
0x13b: {  	v2 =	vmul.f32 $1.442695020e+00, v2  }
0x13c: {  	v4 =	vmul.f32 $1.442695020e+00, v4  }
0x13d: {  	(erf) = vpow2.f32 v2  }
0x13e: {  	s26 =	simm.s32 $0x20;
	(erf) = vpow2.f32 v4  }
0x13f: {  	v8 =	vld [tilespmem:s26+$0xAB00]  }
0x140: {  	v2 =	vld [tilespmem:s26+$0xAB10]  }
0x141: {  	v4 =	vld [tilespmem:s26+$0x10090]  }
0x142: {  	v10 =	vld [tilespmem:s26+$0x10080];
	_ =	sdelay $0x3  }
0x143: {  	v2 =	vsub.f32 v2, v4;
	v7 =	vpop (erf)  }
0x144: {  	v4 =	vsub.f32 v8, v10;
	v9 =	vpop (erf)  }
0x145: {  	v10 =	vand.u32 $0x7FFFFFFF, v2;
	v12 =	vmul.f32 $1.741407810e-02, v7;
	v11 =	vmul.f32 $1.741407810e-02, v9  }
0x146: {  	v10 =	vsub.f32 $0.0e+00, v10  }
0x147: {  	v8 =	vsub.f32 $8.269123730e-02, v12;
	v12 =	vand.u32 $0x7FFFFFFF, v4;
	v11 =	vsub.f32 $8.269123730e-02, v11  }
0x148: {  	s2 =	simm.s32 $0x40;
	v18 =	vld [tilespmem:s31+$0x15610];
	v13 =	vsub.f32 $0.0e+00, v12  }
0x149: {  	v10 =	vmul.f32 $1.442695020e+00, v10;
	v12 =	vld [tilespmem:s2+$0xAB10];
	v11 =	vmul.f32 v11, v9  }
0x14a: {  	v8 =	vmul.f32 v8, v7;
	v15 =	vmul.f32 $1.442695020e+00, v13;
	v13 =	vld [tilespmem:s2+$0x10090]  }
0x14b: {  	(erf) = vpow2.f32 v10;
	v14 =	vadd.f32 $-1.903543320e-01, v11;
	v11 =	vld [tilespmem:s31+$0x15600]  }
0x14c: {  	v8 =	vadd.f32 $-1.903543320e-01, v8;
	(erf) = vpow2.f32 v15;
	v15 =	vld [tilespmem:s2+$0x10080]  }
0x14d: {  	v16 =	vmul.f32 v14, v9;
	v14 =	vld [tilespmem:s2+$0xAB00]  }
0x14e: {  	v10 =	vmul.f32 v8, v7  }
0x14f: {  	vm5 =	vgt.s32 v18, $0x0;
	v17 =	vadd.f32 $3.157473210e-01, v16  }
0x150: {  	s1 =	simm.s32 $0x180;
	v8 =	vimm.f32 $0.0e+00;
	v16 =	vadd.f32 $3.157473210e-01, v10;
	v10 =	vimm.f32 $0.0e+00  }
.LBB2_14:
0x151: {  	p0 =	sne.s32 s1, $0x15480;
	v12 =	vsub.f32 v12, v13;
	vm6 =	vgt.s32 v11, $0x0;
	v11 =	vmul.f32 v17, v9  }
0x152: {  	v13 =	vsub.f32 v14, v15;
	v14 =	vsub.f32 $0.0e+00, v6;
	v15 =	vmul.f32 v16, v7  }
0x153: {  	v16 =	vsub.f32 $0.0e+00, v5;
	v17 =	vsel vm6, $0x3F800000, v0;
	v11 =	vadd.f32 $-4.973732230e-01, v11  }
0x154: {  	v19 =	vand.u32 $0x7FFFFFFF, v12;
	v18 =	vand.u32 $0x7FFFFFFF, v13;
	v20 =	vpop (erf);
	v15 =	vadd.f32 $-4.973732230e-01, v15  }
0x155: {  	v19 =	vsub.f32 $0.0e+00, v19;
	v21 =	vmul.f32 $1.741407810e-02, v20;
	v22 =	vpop (erf);
	v11 =	vmul.f32 v11, v9  }
0x156: {  	v18 =	vsub.f32 $0.0e+00, v18;
	v23 =	vmul.f32 $1.741407810e-02, v22;
	v15 =	vmul.f32 v15, v7  }
0x157: {  	v26 =	vsel vm5, v6, v14;
	v6 =	vmovc v2;
	v2 =	vmovc v12;
	v24 =	vld [tilespmem:s26+$0x15610];
	v21 =	vsub.f32 $8.269123730e-02, v21;
	v25 =	vadd.f32 $9.998477100e-01, v11  }
0x158: {  	v14 =	vmul.f32 $1.442695020e+00, v19;
	v19 =	vsub.f32 $8.269123730e-02, v23;
	v15 =	vadd.f32 $9.998477100e-01, v15  }
0x159: {  	v16 =	vsel vm6, v5, v16;
	v5 =	vmovc v4;
	v11 =	vld [tilespmem:s26+$0x15600];
	v21 =	vmul.f32 v21, v20;
	v23 =	vmul.f32 v25, v9;
	s26 =	smov.u32 s2;
	s2 =	sshra.s32 s1, $0x2  }
0x15a: {  	v4 =	vmovc v13;
	v16 =	vmax.f32 v16, $0.0e+00;
	v12 =	vld [tilespmem:s2+$0xAB10];
	v19 =	vmul.f32 v19, v22;
	v15 =	vmul.f32 v15, v7;
	v7 =	vmovc v20  }
0x15b: {  	v18 =	vmul.f32 $1.442695020e+00, v18;
	v9 =	vmovc v22;
	v20 =	vadd.f32 $-1.903543320e-01, v21;
	v21 =	vadd.f32 $1.472065040e-06, v23  }
0x15c: {  	v13 =	vld [tilespmem:s2+$0x10090];
	(erf) = vpow2.f32 v14;
	v19 =	vadd.f32 $-1.903543320e-01, v19;
	v22 =	vadd.f32 $1.472065040e-06, v15  }
.Ltmp9:
0x15d: {  	v14 =	vld [tilespmem:s2+$0xAB00];
	(erf) = vpow2.f32 v18;
	v16 =	vadd.f32 v21, v16;
	v18 =	vmax.f32 v26, $0.0e+00;
	(pc) =	sbr.rel @p0 .LBB2_14-.Ltmp9, $4  }
0x15e: {  	v20 =	vmul.f32 v20, v7;
	v15 =	vld [tilespmem:s2+$0x10080];
	v19 =	vmul.f32 v19, v9;
	v18 =	vadd.f32 v22, v18  }
0x15f: {  	v10 =	vadd.f32 v17, v10;
	v8 =	vadd.f32 v16, v8  }
0x160: {  	v16 =	vadd.f32 $3.157473210e-01, v20;
	v17 =	vadd.f32 $3.157473210e-01, v19;
	v19 =	vsel vm5, $0x3F800000, v0  }
0x161: {  	s1 =	sadd.s32 $0x80, s1;
	vm5 =	vgt.s32 v24, $0x0;
	v8 =	vadd.f32 v18, v8;
	v10 =	vadd.f32 v19, v10  }
0x162: {  	v12 =	vsub.f32 v12, v13  }
0x163: {  	v28 =	vsub.f32 v14, v15  }
0x164: {  	v29 =	vand.u32 $0x7FFFFFFF, v12  }
0x165: {  	v15 =	vand.u32 $0x7FFFFFFF, v28;
	v14 =	vsub.f32 $0.0e+00, v29  }
0x166: {  	v15 =	vsub.f32 $0.0e+00, v15  }
0x167: {  	v14 =	vmul.f32 $1.442695020e+00, v14  }
0x168: {  	v15 =	vmul.f32 $1.442695020e+00, v15  }
0x169: {  	v17 =	vmul.f32 v17, v9;
	v18 =	vpop (erf);
	(erf) = vpow2.f32 v14  }
0x16a: {  	v16 =	vmul.f32 v16, v7;
	v19 =	vpop (erf);
	(erf) = vpow2.f32 v15  }
0x16b: {  	vm6 =	vgt.s32 v11, $0x0;
	v35 =	vsub.f32 $0.0e+00, v6;
	v20 =	vsub.f32 $0.0e+00, v5  }
0x16c: {  	v48 =	vsel vm5, $0x3F800000, v0;
	v53 =	vsub.f32 $0.0e+00, v2;
	v31 =	vmul.f32 $1.741407810e-02, v19  }
0x16d: {  	v17 =	vadd.f32 $-4.973732230e-01, v17;
	v30 =	vadd.f32 $-4.973732230e-01, v16;
	v32 =	vmul.f32 $1.741407810e-02, v18  }
0x16e: {  	v54 =	vsub.f32 $0.0e+00, v4;
	v45 =	vsel vm6, $0x3F800000, v0;
	v16 =	vsub.f32 $8.269123730e-02, v31  }
0x16f: {  	v17 =	vmul.f32 v17, v9;
	v33 =	vsub.f32 $8.269123730e-02, v32;
	v14 =	vmul.f32 v30, v7  }
0x170: {  	v6 =	vsel vm5, v6, v35;
	v5 =	vsel vm6, v5, v20;
	v16 =	vmul.f32 v16, v19  }
0x171: {  	v34 =	vadd.f32 $9.998477100e-01, v17;
	v11 =	vmul.f32 v33, v18;
	v14 =	vadd.f32 $9.998477100e-01, v14  }
0x172: {  	v10 =	vadd.f32 v45, v10;
	v5 =	vmax.f32 v5, $0.0e+00;
	v38 =	vadd.f32 $-1.903543320e-01, v16;
	v39 =	vpop (erf)  }
0x173: {  	v36 =	vmul.f32 v34, v9;
	v11 =	vadd.f32 $-1.903543320e-01, v11;
	v37 =	vmul.f32 v14, v7;
	v41 =	vpop (erf)  }
0x174: {  	v42 =	vld [tilespmem:s26+$0x15610];
	v61 =	vsub.f32 $0.0e+00, v28;
	v14 =	vmul.f32 v38, v19;
	v44 =	vmul.f32 $1.741407810e-02, v41  }
0x175: {  	v49 =	vld [tilespmem:s26+$0x15600];
	v10 =	vadd.f32 v48, v10;
	v9 =	vadd.f32 $1.472065040e-06, v36;
	v40 =	vmul.f32 v11, v18  }
0x176: {  	v43 =	vadd.f32 $3.157473210e-01, v14;
	v47 =	vmul.f32 $1.741407810e-02, v39;
	v14 =	vsub.f32 $8.269123730e-02, v44  }
0x177: {  	v6 =	vmax.f32 v6, $0.0e+00;
	v5 =	vadd.f32 v9, v5;
	v7 =	vadd.f32 $1.472065040e-06, v37  }
0x178: {  	v46 =	vadd.f32 $3.157473210e-01, v40;
	v9 =	vsub.f32 $8.269123730e-02, v47;
	v14 =	vmul.f32 v14, v41  }
0x179: {  	v5 =	vadd.f32 v5, v8;
	v6 =	vadd.f32 v7, v6;
	v7 =	vmul.f32 v43, v19  }
0x17a: {  	v56 =	vld [tilespmem:s2+$0x15600];
	v8 =	vmul.f32 v46, v18;
	v51 =	vmul.f32 v9, v39;
	v52 =	vadd.f32 $-1.903543320e-01, v14  }
0x17b: {  	v57 =	vld [tilespmem:s2+$0x15610];
	vm5 =	vgt.s32 v42, $0x0;
	vm6 =	vgt.s32 v49, $0x0;
	v7 =	vadd.f32 $-4.973732230e-01, v7  }
0x17c: {  	v50 =	vadd.f32 $-4.973732230e-01, v8;
	v8 =	vadd.f32 $-1.903543320e-01, v51;
	v9 =	vmul.f32 v52, v41  }
0x17d: {  	v55 =	vsel vm6, $0x3F800000, v0;
	v4 =	vsel vm6, v4, v54;
	v7 =	vmul.f32 v7, v19  }
0x17e: {  	v58 =	vsel vm5, $0x3F800000, v0;
	v8 =	vmul.f32 v8, v39;
	v9 =	vadd.f32 $3.157473210e-01, v9  }
0x17f: {  	v2 =	vsel vm5, v2, v53;
	vm5 =	vgt.s32 v56, $0x0;
	v7 =	vadd.f32 $9.998477100e-01, v7  }
0x180: {  	vm6 =	vgt.s32 v57, $0x0;
	v8 =	vadd.f32 $3.157473210e-01, v8;
	v9 =	vmul.f32 v9, v41  }
0x181: {  	v5 =	vadd.f32 v6, v5;
	v6 =	vmul.f32 v50, v18;
	v7 =	vmul.f32 v7, v19  }
0x182: {  	v10 =	vadd.f32 v55, v10;
	v8 =	vmul.f32 v8, v39;
	v9 =	vadd.f32 $-4.973732230e-01, v9  }
0x183: {  	v4 =	vmax.f32 v4, $0.0e+00;
	v6 =	vadd.f32 $9.998477100e-01, v6;
	v7 =	vadd.f32 $1.472065040e-06, v7  }
0x184: {  	v59 =	vadd.f32 v58, v10;
	v8 =	vadd.f32 $-4.973732230e-01, v8;
	v9 =	vmul.f32 v9, v41  }
0x185: {  	v60 =	vsel vm5, $0x3F800000, v0;
	v6 =	vmul.f32 v6, v18;
	v4 =	vadd.f32 v7, v4  }
0x186: {  	v7 =	vadd.f32 v60, v59;
	v8 =	vmul.f32 v8, v39;
	v9 =	vadd.f32 $9.998477100e-01, v9  }
0x187: {  	v2 =	vmax.f32 v2, $0.0e+00;
	v62 =	vsel vm6, $0x3F800000, v0;
	v6 =	vadd.f32 $1.472065040e-06, v6  }
0x188: {  	v7 =	vadd.f32 v62, v7;
	v8 =	vadd.f32 $9.998477100e-01, v8;
	v9 =	vmul.f32 v9, v41  }
0x189: {  	v2 =	vadd.f32 v6, v2;
	v6 =	vsel vm5, v28, v61;
	v4 =	vadd.f32 v4, v5  }
0x18a: {  	v5 =	vsub.f32 $0.0e+00, v12;
	(xrf2) =	vadd.scan.msk.f32 $0xffff, v7;
	v8 =	vmul.f32 v8, v39;
	v9 =	vadd.f32 $1.472065040e-06, v9  }
0x18b: {  	v2 =	vadd.f32 v2, v4;
	v4 =	vmax.f32 v6, $0.0e+00  }
0x18c: {  	v5 =	vsel vm6, v12, v5;
	v63 =	vadd.f32 $1.472065040e-06, v8;
	v4 =	vadd.f32 v9, v4  }
0x18d: {  	v5 =	vmax.f32 v5, $0.0e+00  }
0x18e: {  	v5 =	vadd.f32 v63, v5;
	v2 =	vadd.f32 v4, v2;
	_ =	sdelay $0x1  }
0x18f: {  	v2 =	vadd.f32 v5, v2;
	_ =	sdelay $0x3  }
0x190: {  	(xrf2) =	vadd.scan.msk.f32 $0xffff, v2;
	v2, _, _ =	vpop (xrf2)  }
0x191: {  	(v2sf) =	vpush v2, $0xF;
	_ =	sdelay $0x9  }
0x192: {  	v4, _, _ =	vpop (xrf2)  }
0x193: {  	(v2sf) =	vpush v4, $0xF;
	_ =	sdelay $0x3  }
0x194: {  	s1 =	spop (v2sf)  }
0x195: {  	s26 =	smul.f32 $3.000000000e+00, s1;
	_ =	sdelay $0x1  }
0x196: {  	s2 =	smin.f32 s26, $2.182300000e+04  }
0x197: {  	s2 =	ssub.f32 $2.182400000e+04, s2;
	_ =	sdelay $0x1  }
0x198: {  	p0 =	sle.f32 s2, s1  }
.Ltmp10:
0x199: {  	_ = 	snop;
	(pc) =	sbr.rel @p0 .LBB2_25-.Ltmp10, $2  }
0x19a: {  	_ =	sdelay $0x2  }
0x19b: {  	s31 =	simm.f32 $0.0e+00;
	s26 =	simm.s32 $0x0;
	s29 =	spop (v2sf)  }
0x19c: {  	p0 =	por $0x0, $0x0  }
.Ltmp11:
0x19d: {  	_ = 	snop;
	(pc) =	sbr.rel @p0 .LBB2_18-.Ltmp11, $4  }
0x19e: {  	s31 =	simm.s32 $0x0  }
0x19f: {  	v4 =	vld [tilespmem:s31+$0x10080]  }
0x1a0: {  	v5 =	vld [tilespmem:s31+$0x10090]  }
0x1a1: {  	s1 =	simm.s32 $0x80;
	v6 =	vld [tilespmem:s31+$0xAB00]  }
.LBB2_17:
0x1a2: {  	p0 =	seq.s32 s1, $0x15480;
	v7 =	vld [tilespmem:s31+$0xAB10];
	_ =	sdelay $0x3  }
0x1a3: {  	v4 =	vsub.f32 v6, v4  }
0x1a4: {  	v5 =	vsub.f32 v7, v5  }
0x1a5: {  	v6 =	vand.u32 $0x7FFFFFFF, v4  }
0x1a6: {  	v6 =	vsub.f32 $0.0e+00, v6;
	v7 =	vand.u32 $0x7FFFFFFF, v5  }
0x1a7: {  	v7 =	vsub.f32 $0.0e+00, v7  }
0x1a8: {  	v6 =	vmul.f32 $1.442695020e+00, v6  }
0x1a9: {  	v7 =	vmul.f32 $1.442695020e+00, v7  }
0x1aa: {  	(erf) = vpow2.f32 v6  }
0x1ab: {  	(erf) = vpow2.f32 v7;
	_ =	sdelay $0x7  }
0x1ac: {  	v6 =	vpop (erf)  }
0x1ad: {  	v7 =	vmul.f32 $1.741407810e-02, v6;
	v8 =	vpop (erf)  }
0x1ae: {  	v9 =	vmul.f32 $1.741407810e-02, v8  }
0x1af: {  	v7 =	vsub.f32 $8.269123730e-02, v7  }
0x1b0: {  	v9 =	vsub.f32 $8.269123730e-02, v9  }
0x1b1: {  	v7 =	vmul.f32 v7, v6  }
0x1b2: {  	v9 =	vmul.f32 v9, v8  }
0x1b3: {  	v7 =	vadd.f32 $-1.903543320e-01, v7  }
0x1b4: {  	v9 =	vadd.f32 $-1.903543320e-01, v9  }
0x1b5: {  	v7 =	vmul.f32 v7, v6  }
0x1b6: {  	v9 =	vmul.f32 v9, v8  }
0x1b7: {  	v7 =	vadd.f32 $3.157473210e-01, v7  }
0x1b8: {  	v9 =	vadd.f32 $3.157473210e-01, v9  }
0x1b9: {  	v7 =	vmul.f32 v7, v6  }
0x1ba: {  	v9 =	vmul.f32 v9, v8  }
0x1bb: {  	v7 =	vadd.f32 $-4.973732230e-01, v7  }
0x1bc: {  	v9 =	vadd.f32 $-4.973732230e-01, v9  }
0x1bd: {  	v10 =	vld [tilespmem:s31+$0x15600];
	v7 =	vmul.f32 v7, v6  }
0x1be: {  	v11 =	vld [tilespmem:s31+$0x15610];
	v9 =	vmul.f32 v9, v8  }
0x1bf: {  	v7 =	vadd.f32 $9.998477100e-01, v7  }
0x1c0: {  	v9 =	vadd.f32 $9.998477100e-01, v9  }
0x1c1: {  	v12 =	vsub.f32 $0.0e+00, v4;
	v6 =	vmul.f32 v7, v6  }
0x1c2: {  	v7 =	vsub.f32 $0.0e+00, v5;
	vm5 =	vgt.s32 v10, $0x0;
	v8 =	vmul.f32 v9, v8  }
0x1c3: {  	v4 =	vsel vm5, v4, v12;
	v6 =	vadd.f32 $1.472065040e-06, v6;
	vm6 =	vgt.s32 v11, $0x0  }
0x1c4: {  	v4 =	vmax.f32 v4, $0.0e+00;
	v5 =	vsel vm6, v5, v7;
	v7 =	vadd.f32 $1.472065040e-06, v8  }
.Ltmp12:
0x1c5: {  	v6 =	vadd.f32 v6, v4;
	v4 =	vmax.f32 v5, $0.0e+00;
	(pc) =	sbr.rel @!p0 .LBB2_17-.Ltmp12, $4  }
0x1c6: {  	s19 =	sshra.s32 s1, $0x2;
	v7 =	vadd.f32 v7, v4  }
0x1c7: {  	v4 =	vld [tilespmem:s19+$0x10080];
	v6 =	vsel vm5, $0x0, v6  }
0x1c8: {  	v5 =	vld [tilespmem:s19+$0x10090];
	[tilespmem:s31+$0xAB00] =	vst v6;
	v7 =	vsel vm6, $0x0, v7  }
0x1c9: {  	s1 =	sadd.s32 $0x80, s1;
	v6 =	vld [tilespmem:s19+$0xAB00];
	[tilespmem:s31+$0xAB10] =	vst v7;
	s31 =	smov.u32 s19  }
.LBB2_18:
0x1ca: {  	v7 =	vld [tilespmem:s31+$0xAB10];
	_ =	sdelay $0x3  }
0x1cb: {  	v4 =	vsub.f32 v6, v4  }
0x1cc: {  	v5 =	vsub.f32 v7, v5  }
0x1cd: {  	v6 =	vand.u32 $0x7FFFFFFF, v4  }
0x1ce: {  	v6 =	vsub.f32 $0.0e+00, v6;
	v7 =	vand.u32 $0x7FFFFFFF, v5  }
0x1cf: {  	v7 =	vsub.f32 $0.0e+00, v7  }
0x1d0: {  	v6 =	vmul.f32 $1.442695020e+00, v6  }
0x1d1: {  	v7 =	vmul.f32 $1.442695020e+00, v7  }
0x1d2: {  	(erf) = vpow2.f32 v6  }
0x1d3: {  	(erf) = vpow2.f32 v7;
	_ =	sdelay $0x7  }
0x1d4: {  	v6 =	vpop (erf)  }
0x1d5: {  	v61 =	vmul.f32 $1.741407810e-02, v6;
	v8 =	vpop (erf)  }
0x1d6: {  	v9 =	vmul.f32 $1.741407810e-02, v8  }
0x1d7: {  	v7 =	vsub.f32 $8.269123730e-02, v61  }
0x1d8: {  	v9 =	vsub.f32 $8.269123730e-02, v9  }
0x1d9: {  	v7 =	vmul.f32 v7, v6  }
0x1da: {  	v9 =	vmul.f32 v9, v8  }
0x1db: {  	v7 =	vadd.f32 $-1.903543320e-01, v7  }
0x1dc: {  	v9 =	vadd.f32 $-1.903543320e-01, v9  }
0x1dd: {  	v7 =	vmul.f32 v7, v6  }
0x1de: {  	v9 =	vmul.f32 v9, v8  }
0x1df: {  	v7 =	vadd.f32 $3.157473210e-01, v7  }
0x1e0: {  	v9 =	vadd.f32 $3.157473210e-01, v9  }
0x1e1: {  	v7 =	vmul.f32 v7, v6  }
0x1e2: {  	v9 =	vmul.f32 v9, v8  }
0x1e3: {  	v7 =	vadd.f32 $-4.973732230e-01, v7  }
0x1e4: {  	v9 =	vadd.f32 $-4.973732230e-01, v9  }
0x1e5: {  	v10 =	vld [tilespmem:s31+$0x15600];
	v7 =	vmul.f32 v7, v6  }
0x1e6: {  	v11 =	vld [tilespmem:s31+$0x15610];
	v9 =	vmul.f32 v9, v8  }
0x1e7: {  	v7 =	vadd.f32 $9.998477100e-01, v7  }
0x1e8: {  	v9 =	vadd.f32 $9.998477100e-01, v9  }
0x1e9: {  	v12 =	vsub.f32 $0.0e+00, v4;
	v6 =	vmul.f32 v7, v6  }
0x1ea: {  	vm5 =	vgt.s32 v10, $0x0;
	v62 =	vsub.f32 $0.0e+00, v5;
	v8 =	vmul.f32 v9, v8  }
0x1eb: {  	vm6 =	vgt.s32 v11, $0x0;
	v4 =	vsel vm5, v4, v12;
	v6 =	vadd.f32 $1.472065040e-06, v6  }
0x1ec: {  	v4 =	vmax.f32 v4, $0.0e+00;
	v5 =	vsel vm6, v5, v62;
	v63 =	vadd.f32 $1.472065040e-06, v8  }
0x1ed: {  	v5 =	vmax.f32 v5, $0.0e+00;
	v4 =	vadd.f32 v6, v4  }
0x1ee: {  	v5 =	vadd.f32 v63, v5  }
0x1ef: {  	v4 =	vsel vm5, $0x0, v4  }
0x1f0: {  	[tilespmem:s31+$0xAB00] =	vst v4;
	v4 =	vsel vm6, $0x0, v5  }
0x1f1: {  	s19 =	simm.s32 $0x7F800001;
	s1 =	simm.s32 $0x0;
	[tilespmem:s31+$0xAB10] =	vst v4  }
.LBB2_19:
0x1f2: {  	s23 =	ssub.s32 s19, s26;
	p0 =	sne.s32 s19, s26;
	s31 =	simm.s32 $0x1  }
0x1f3: {  	s24 =	sshra.s32 s23, $0x1F;
	s31 =	simm.s32 @!p0 $0x0  }
0x1f4: {  	s24 =	sor.u32 s31, s24;
	s31 =	sand.u32 $0x1, s23  }
0x1f5: {  	s3 =	sshrl.u32 s23, $0x1F;
	p6 =	sne.s32 s24, $0x1;
	p1 =	seq.s32 s31, $0x1  }
0x1f6: {  	s3 =	sadd.s32 s3, s23;
	p0 =	por !p6, !p1  }
0x1f7: {  	s23 =	simm.s32 $0x1;
	s3 =	sshra.s32 s3, $0x1;
	p0 =	por !p0, !p0  }
0x1f8: {  	s24 =	simm.s32 $0x0;
	s3 =	sadd.s32 s26, s3;
	s23 =	simm.s32 @!p0 $0x0  }
0x1f9: {  	v6 =	vld [tilespmem:s24+$0xAB00];
	s31 =	ssub.s32 s3, s23  }
0x1fa: {  	v4 =	vimm.f32 $0.0e+00;
	s23 =	simm.s32 $0x40;
	v5 =	vmov s31  }
.LBB2_20:
0x1fb: {  	p0 =	sne.s32 s23, $0x154C0  }
.Ltmp13:
0x1fc: {  	_ = 	snop;
	(pc) =	sbr.rel @p0 .LBB2_20-.Ltmp13, $4  }
0x1fd: {  	_ = 	snop  }
0x1fe: {  	s3 =	sshra.s32 s23, $0x2;
	s23 =	sadd.s32 $0x40, s23;
	vm5 =	vlt.s32 v6, v5  }
0x1ff: {  	v6 =	vld [tilespmem:s3+$0xAB00];
	v7 =	vsel vm5, $0x3F800000, v0  }
0x200: {  	v4 =	vadd.f32 v7, v4  }
0x201: {  	_ =	sdelay $0x2  }
0x202: {  	vm5 =	vlt.s32 v6, v5  }
0x203: {  	v5 =	vsel vm5, $0x3F800000, v0  }
0x204: {  	v4 =	vadd.f32 v5, v4;
	_ =	sdelay $0x1  }
0x205: {  	(xrf2) =	vadd.scan.msk.f32 $0xffff, v4;
	_ =	sdelay $0x9  }
0x206: {  	v4, _, _ =	vpop (xrf2)  }
0x207: {  	(v2sf) =	vpush v4, $0xF;
	_ =	sdelay $0xe  }
0x208: {  	s3 =	spop (v2sf)  }
0x209: {  	p0 =	slt.f32 s3, s2  }
0x20a: {  	s1 =	sadd.s32 $0x1, s1  }
0x20b: {  	s26 =	smov.u32 @p0 s31;
	s31 =	smov.u32 @p0 s19;
	p0 =	seq.s32 s1, $0x1F  }
.Ltmp14:
0x20c: {  	_ = 	snop;
	(pc) =	sbr.rel @!p0 .LBB2_19-.Ltmp14, $2  }
0x20d: {  	_ =	sdelay $0x2  }
0x20e: {  	s19 =	smov.u32 s31  }
0x20f: {  	s3 =	simm.s32 $0x0  }
0x210: {  	v7 =	vld [tilespmem:s3+$0xAB00]  }
0x211: {  	v5 =	vmov s26;
	v4 =	vimm.f32 $0.0e+00;
	s1 =	simm.s32 $0x40;
	v6 =	vimm.f32 $0.0e+00  }
.LBB2_23:
0x212: {  	p0 =	sne.s32 s1, $0x154C0  }
.Ltmp15:
0x213: {  	_ = 	snop;
	(pc) =	sbr.rel @p0 .LBB2_23-.Ltmp15, $4  }
0x214: {  	_ = 	snop  }
0x215: {  	s3 =	sshra.s32 s1, $0x2;
	s1 =	sadd.s32 $0x40, s1;
	vm5 =	vgt.s32 v5, v7  }
0x216: {  	v8 =	vnsel vm5, $0x0, v7;
	v7 =	vld [tilespmem:s3+$0xAB00];
	v9 =	vsel vm5, $0x3F800000, v0  }
0x217: {  	v4 =	vadd.f32 v8, v4;
	v6 =	vadd.f32 v9, v6  }
0x218: {  	_ =	sdelay $0x2  }
0x219: {  	vm5 =	vgt.s32 v5, v7  }
0x21a: {  	v5 =	vnsel vm5, $0x0, v7  }
0x21b: {  	v63 =	vsel vm5, $0x3F800000, v0;
	v4 =	vadd.f32 v5, v4  }
0x21c: {  	v5 =	vadd.f32 v63, v6  }
0x21d: {  	(xrf2) =	vadd.scan.msk.f32 $0xffff, v4  }
0x21e: {  	(xrf2) =	vadd.scan.msk.f32 $0xffff, v5;
	_ =	sdelay $0x8  }
0x21f: {  	v4, _, _ =	vpop (xrf2)  }
0x220: {  	(v2sf) =	vpush v4, $0xF;
	v4, _, _ =	vpop (xrf2)  }
0x221: {  	(v2sf) =	vpush v4, $0xF;
	_ =	sdelay $0xd  }
0x222: {  	s1 =	spop (v2sf)  }
0x223: {  	s3 =	spop (v2sf)  }
0x224: {  	s2 =	ssub.f32 s2, s3;
	_ =	sdelay $0x1  }
0x225: {  	s2 =	smul.f32 s26, s2;
	_ =	sdelay $0x1  }
0x226: {  	s31 =	sadd.f32 s2, s1  }
.LBB2_25:
0x227: {  	[tilespmem:s20], [sflag:$0x3] =	stream.strided.gather [hbm4b:s11+s17], $0x5580, s18, s17, $0x38;
	[tilespmem:$0x1AC00] =	vst v63  }
0x228: {  	_ =	swait.ge [sflag:s21], $0x5580  }
0x229: {  	[sflag:s21] =	ssyncset.done $0x0  }
0x22a: {  	[sflag:s21] =	ssyncadd.s32 $0xFFFFAA80  }
0x22b: {  	_ =	swait.ge [sflag:s22], $0x5580  }
0x22c: {  	[sflag:s22] =	ssyncset.done $0x0  }
0x22d: {  	[sflag:s22] =	ssyncadd.s32 $0xFFFFAA80  }
0x22e: {  	_ =	swait.ge [sflag:s22], $0x5580  }
0x22f: {  	[sflag:s22] =	ssyncset.done $0x0  }
0x230: {  	s1 =	simm.s32 $0xAB00;
	[sflag:s22] =	ssyncadd.s32 $0xFFFFAA80  }
0x231: {  	[tilespmem:s1], [sflag:$0x2] =	stream.strided.gather [hbm4b:s12+s17], $0x5580, s18, s17, $0x38;
	[tilespmem:$0x1AC00] =	vst v63  }
0x232: {  	s24 =	simm.s32 $0x10080;
	s26 =	simm.s32 $0x0  }
0x233: {  	[tilespmem:s24], [sflag:$0x2] =	stream.strided.gather [hbm4b:s13+s17], $0x5580, s18, s17, $0x38;
	[tilespmem:$0x1AC00] =	vst v63  }
0x234: {  	v4 =	vld [tilespmem:s26+$0x10]  }
0x235: {  	v5 =	vld [tilespmem:s26+$0x5590]  }
0x236: {  	v6 =	vld [tilespmem:s26+$0x0]  }
0x237: {  	v7 =	vld [tilespmem:s26+$0x5580];
	_ =	sdelay $0x3  }
0x238: {  	v8 =	vsub.f32 v4, v5  }
0x239: {  	v7 =	vsub.f32 v6, v7  }
0x23a: {  	v4 =	vand.u32 $0x7FFFFFFF, v8  }
0x23b: {  	v5 =	vand.u32 $0x7FFFFFFF, v7;
	v4 =	vsub.f32 $0.0e+00, v4  }
0x23c: {  	v5 =	vsub.f32 $0.0e+00, v5  }
0x23d: {  	v4 =	vmul.f32 $1.442695020e+00, v4  }
0x23e: {  	v5 =	vmul.f32 $1.442695020e+00, v5  }
0x23f: {  	(erf) = vpow2.f32 v4  }
0x240: {  	(erf) = vpow2.f32 v5;
	_ =	sdelay $0x1  }
0x241: {  	s2 =	simm.s32 $0x20  }
0x242: {  	v11 =	vld [tilespmem:s2+$0x5580]  }
0x243: {  	v4 =	vld [tilespmem:s2+$0x10]  }
0x244: {  	v5 =	vld [tilespmem:s2+$0x5590]  }
0x245: {  	v6 =	vld [tilespmem:s2+$0x0];
	_ =	sdelay $0x1  }
0x246: {  	v9 =	vpop (erf)  }
0x247: {  	v10 =	vpop (erf)  }
0x248: {  	v5 =	vsub.f32 v4, v5;
	v12 =	vmul.f32 $1.741407810e-02, v10  }
0x249: {  	v6 =	vsub.f32 v6, v11;
	v13 =	vmul.f32 $1.741407810e-02, v9  }
0x24a: {  	s0 =	ssub.f32 s30, s0;
	v4 =	vsub.f32 $8.269123730e-02, v12;
	v12 =	vand.u32 $0x7FFFFFFF, v5  }
0x24b: {  	v11 =	vsub.f32 $8.269123730e-02, v13;
	v13 =	vand.u32 $0x7FFFFFFF, v6;
	v12 =	vsub.f32 $0.0e+00, v12  }
0x24c: {  	v14 =	vmov s0;
	s0 =	simm.s32 $0x40;
	v19 =	vld [tilespmem:s26+$0x15610];
	v15 =	vsub.f32 $0.0e+00, v13;
	v4 =	vmul.f32 v4, v10  }
0x24d: {  	v13 =	vld [tilespmem:s0+$0x10];
	v11 =	vmul.f32 v11, v9;
	v16 =	vmul.f32 $1.442695020e+00, v12  }
0x24e: {  	v3 =	vbroadcast v3, $0xF;
	v17 =	vmul.f32 $1.442695020e+00, v15;
	v15 =	vld [tilespmem:s0+$0x0];
	v4 =	vadd.f32 $-1.903543320e-01, v4  }
0x24f: {  	v14 =	vnsel vm0, $0x0, v14;
	v12 =	vld [tilespmem:s26+$0x15600];
	v11 =	vadd.f32 $-1.903543320e-01, v11;
	(erf) = vpow2.f32 v16  }
0x250: {  	v18 =	vmul.f32 v4, v10;
	v4 =	vsel vm1, v3, v14;
	v14 =	vld [tilespmem:s0+$0x5590];
	(erf) = vpow2.f32 v17  }
0x251: {  	v16 =	vld [tilespmem:s0+$0x5580]  }
0x252: {  	v11 =	vmul.f32 v11, v9  }
0x253: {  	vm5 =	vgt.s32 v19, $0x0;
	v18 =	vadd.f32 $3.157473210e-01, v18  }
0x254: {  	s1 =	simm.s32 $0x180;
	v3 =	vimm.f32 $0.0e+00;
	v17 =	vadd.f32 $3.157473210e-01, v11;
	v11 =	vimm.f32 $0.0e+00  }
.LBB2_26:
0x255: {  	p0 =	sne.s32 s1, $0x15480;
	v13 =	vsub.f32 v13, v14;
	vm6 =	vgt.s32 v12, $0x0;
	v12 =	vmul.f32 v18, v10  }
0x256: {  	v14 =	vsub.f32 v15, v16;
	v15 =	vsub.f32 $0.0e+00, v8;
	v16 =	vmul.f32 v17, v9  }
0x257: {  	v17 =	vsub.f32 $0.0e+00, v7;
	v18 =	vsel vm6, $0x3F800000, v0;
	v12 =	vadd.f32 $-4.973732230e-01, v12  }
0x258: {  	v20 =	vand.u32 $0x7FFFFFFF, v13;
	v19 =	vand.u32 $0x7FFFFFFF, v14;
	v21 =	vpop (erf);
	v16 =	vadd.f32 $-4.973732230e-01, v16  }
0x259: {  	v20 =	vsub.f32 $0.0e+00, v20;
	v22 =	vmul.f32 $1.741407810e-02, v21;
	v23 =	vpop (erf);
	v12 =	vmul.f32 v12, v10  }
0x25a: {  	v19 =	vsub.f32 $0.0e+00, v19;
	v24 =	vmul.f32 $1.741407810e-02, v23;
	v16 =	vmul.f32 v16, v9  }
0x25b: {  	v27 =	vsel vm5, v8, v15;
	v8 =	vmovc v5;
	v5 =	vmovc v13;
	v25 =	vld [tilespmem:s2+$0x15610];
	v22 =	vsub.f32 $8.269123730e-02, v22;
	v26 =	vadd.f32 $9.998477100e-01, v12  }
0x25c: {  	v15 =	vmul.f32 $1.442695020e+00, v20;
	v20 =	vsub.f32 $8.269123730e-02, v24;
	v16 =	vadd.f32 $9.998477100e-01, v16  }
0x25d: {  	v17 =	vsel vm6, v7, v17;
	v7 =	vmovc v6;
	v12 =	vld [tilespmem:s2+$0x15600];
	v22 =	vmul.f32 v22, v21;
	v24 =	vmul.f32 v26, v10;
	s2 =	smov.u32 s0;
	s0 =	sshra.s32 s1, $0x2  }
0x25e: {  	v6 =	vmovc v14;
	v17 =	vmax.f32 v17, $0.0e+00;
	v13 =	vld [tilespmem:s0+$0x10];
	v20 =	vmul.f32 v20, v23;
	v16 =	vmul.f32 v16, v9;
	v9 =	vmovc v21  }
0x25f: {  	v19 =	vmul.f32 $1.442695020e+00, v19;
	v10 =	vmovc v23;
	v21 =	vadd.f32 $-1.903543320e-01, v22;
	v22 =	vadd.f32 $1.472065040e-06, v24  }
0x260: {  	v14 =	vld [tilespmem:s0+$0x5590];
	(erf) = vpow2.f32 v15;
	v20 =	vadd.f32 $-1.903543320e-01, v20;
	v23 =	vadd.f32 $1.472065040e-06, v16  }
.Ltmp16:
0x261: {  	v15 =	vld [tilespmem:s0+$0x0];
	(erf) = vpow2.f32 v19;
	v17 =	vadd.f32 v22, v17;
	v19 =	vmax.f32 v27, $0.0e+00;
	(pc) =	sbr.rel @p0 .LBB2_26-.Ltmp16, $4  }
0x262: {  	v21 =	vmul.f32 v21, v9;
	v16 =	vld [tilespmem:s0+$0x5580];
	v20 =	vmul.f32 v20, v10;
	v19 =	vadd.f32 v23, v19  }
0x263: {  	v11 =	vadd.f32 v18, v11;
	v3 =	vadd.f32 v17, v3  }
0x264: {  	v17 =	vadd.f32 $3.157473210e-01, v21;
	v18 =	vadd.f32 $3.157473210e-01, v20;
	v20 =	vsel vm5, $0x3F800000, v0  }
0x265: {  	s1 =	sadd.s32 $0x80, s1;
	vm5 =	vgt.s32 v25, $0x0;
	v3 =	vadd.f32 v19, v3;
	v11 =	vadd.f32 v20, v11  }
0x266: {  	v13 =	vsub.f32 v13, v14  }
0x267: {  	v31 =	vsub.f32 v15, v16  }
0x268: {  	v32 =	vand.u32 $0x7FFFFFFF, v13  }
0x269: {  	v16 =	vand.u32 $0x7FFFFFFF, v31;
	v15 =	vsub.f32 $0.0e+00, v32  }
0x26a: {  	v16 =	vsub.f32 $0.0e+00, v16  }
0x26b: {  	v15 =	vmul.f32 $1.442695020e+00, v15  }
0x26c: {  	v16 =	vmul.f32 $1.442695020e+00, v16  }
0x26d: {  	v18 =	vmul.f32 v18, v10;
	v19 =	vpop (erf);
	(erf) = vpow2.f32 v15  }
0x26e: {  	v17 =	vmul.f32 v17, v9;
	vm6 =	vgt.s32 v12, $0x0;
	v20 =	vpop (erf);
	(erf) = vpow2.f32 v16  }
0x26f: {  	v38 =	vsub.f32 $0.0e+00, v8;
	v21 =	vsub.f32 $0.0e+00, v7;
	v50 =	vsel vm5, $0x3F800000, v0  }
0x270: {  	v55 =	vsub.f32 $0.0e+00, v5;
	v56 =	vsub.f32 $0.0e+00, v6;
	v34 =	vmul.f32 $1.741407810e-02, v20  }
0x271: {  	v48 =	vsel vm6, $0x3F800000, v0;
	v18 =	vadd.f32 $-4.973732230e-01, v18;
	v33 =	vadd.f32 $-4.973732230e-01, v17  }
0x272: {  	v8 =	vsel vm5, v8, v38;
	v35 =	vmul.f32 $1.741407810e-02, v19;
	v17 =	vsub.f32 $8.269123730e-02, v34  }
0x273: {  	v7 =	vsel vm6, v7, v21;
	v18 =	vmul.f32 v18, v10;
	v15 =	vmul.f32 v33, v9  }
0x274: {  	v45 =	vld [tilespmem:s2+$0x15610];
	v11 =	vadd.f32 v48, v11;
	v36 =	vsub.f32 $8.269123730e-02, v35;
	v17 =	vmul.f32 v17, v20  }
0x275: {  	v7 =	vmax.f32 v7, $0.0e+00;
	v37 =	vadd.f32 $9.998477100e-01, v18;
	v15 =	vadd.f32 $9.998477100e-01, v15  }
0x276: {  	v8 =	vmax.f32 v8, $0.0e+00;
	v12 =	vmul.f32 v36, v19;
	v41 =	vadd.f32 $-1.903543320e-01, v17;
	v42 =	vpop (erf)  }
0x277: {  	v11 =	vadd.f32 v50, v11;
	v39 =	vmul.f32 v37, v10;
	v40 =	vmul.f32 v15, v9;
	v44 =	vpop (erf)  }
0x278: {  	v51 =	vld [tilespmem:s2+$0x15600];
	v12 =	vadd.f32 $-1.903543320e-01, v12;
	v15 =	vmul.f32 v41, v20;
	v47 =	vmul.f32 $1.741407810e-02, v44  }
0x279: {  	vm5 =	vgt.s32 v45, $0x0;
	v10 =	vadd.f32 $1.472065040e-06, v39;
	v9 =	vadd.f32 $1.472065040e-06, v40  }
0x27a: {  	v46 =	vadd.f32 $3.157473210e-01, v15;
	v49 =	vmul.f32 $1.741407810e-02, v42;
	v15 =	vsub.f32 $8.269123730e-02, v47  }
0x27b: {  	v7 =	vadd.f32 v10, v7;
	v43 =	vmul.f32 v12, v19;
	v8 =	vadd.f32 v9, v8  }
0x27c: {  	v9 =	vmul.f32 v46, v20;
	v10 =	vsub.f32 $8.269123730e-02, v49;
	v15 =	vmul.f32 v15, v44  }
0x27d: {  	v58 =	vld [tilespmem:s0+$0x15600];
	vm6 =	vgt.s32 v51, $0x0;
	v3 =	vadd.f32 v7, v3;
	v7 =	vadd.f32 $3.157473210e-01, v43  }
0x27e: {  	v9 =	vadd.f32 $-4.973732230e-01, v9;
	v53 =	vmul.f32 v10, v42;
	v54 =	vadd.f32 $-1.903543320e-01, v15  }
0x27f: {  	v59 =	vld [tilespmem:s0+$0x15610];
	v57 =	vsel vm6, $0x3F800000, v0;
	v6 =	vsel vm6, v6, v56;
	v7 =	vmul.f32 v7, v19  }
0x280: {  	v52 =	vmul.f32 v9, v20;
	v9 =	vadd.f32 $-1.903543320e-01, v53;
	v10 =	vmul.f32 v54, v44  }
0x281: {  	v60 =	vsel vm5, $0x3F800000, v0;
	v5 =	vsel vm5, v5, v55;
	v7 =	vadd.f32 $-4.973732230e-01, v7  }
0x282: {  	vm5 =	vgt.s32 v58, $0x0;
	v9 =	vmul.f32 v9, v42;
	v10 =	vadd.f32 $3.157473210e-01, v10  }
0x283: {  	v3 =	vadd.f32 v8, v3;
	v7 =	vmul.f32 v7, v19;
	v8 =	vadd.f32 $9.998477100e-01, v52  }
0x284: {  	vm6 =	vgt.s32 v59, $0x0;
	v9 =	vadd.f32 $3.157473210e-01, v9;
	v10 =	vmul.f32 v10, v44  }
0x285: {  	v6 =	vmax.f32 v6, $0.0e+00;
	v7 =	vadd.f32 $9.998477100e-01, v7;
	v8 =	vmul.f32 v8, v20  }
0x286: {  	v11 =	vadd.f32 v57, v11;
	v9 =	vmul.f32 v9, v42;
	v10 =	vadd.f32 $-4.973732230e-01, v10  }
0x287: {  	v5 =	vmax.f32 v5, $0.0e+00;
	v7 =	vmul.f32 v7, v19;
	v8 =	vadd.f32 $1.472065040e-06, v8  }
0x288: {  	v61 =	vadd.f32 v60, v11;
	v9 =	vadd.f32 $-4.973732230e-01, v9;
	v10 =	vmul.f32 v10, v44  }
0x289: {  	v62 =	vsel vm5, $0x3F800000, v0;
	v7 =	vadd.f32 $1.472065040e-06, v7;
	v6 =	vadd.f32 v8, v6  }
0x28a: {  	v8 =	vadd.f32 v62, v61;
	v9 =	vmul.f32 v9, v42;
	v10 =	vadd.f32 $9.998477100e-01, v10  }
0x28b: {  	v63 =	vsel vm6, $0x3F800000, v0;
	v5 =	vadd.f32 v7, v5;
	v7 =	vsub.f32 $0.0e+00, v31  }
0x28c: {  	v8 =	vadd.f32 v63, v8;
	v9 =	vadd.f32 $9.998477100e-01, v9;
	v10 =	vmul.f32 v10, v44  }
0x28d: {  	v7 =	vsel vm5, v31, v7;
	v3 =	vadd.f32 v6, v3  }
0x28e: {  	v6 =	vsub.f32 $0.0e+00, v13;
	(xrf2) =	vadd.scan.msk.f32 $0xffff, v8;
	v9 =	vmul.f32 v9, v42;
	v10 =	vadd.f32 $1.472065040e-06, v10  }
0x28f: {  	v3 =	vadd.f32 v5, v3;
	v5 =	vmax.f32 v7, $0.0e+00  }
0x290: {  	v6 =	vsel vm6, v13, v6;
	v7 =	vadd.f32 $1.472065040e-06, v9;
	v5 =	vadd.f32 v10, v5  }
0x291: {  	v6 =	vmax.f32 v6, $0.0e+00  }
0x292: {  	v6 =	vadd.f32 v7, v6;
	v3 =	vadd.f32 v5, v3;
	_ =	sdelay $0x1  }
0x293: {  	v3 =	vadd.f32 v6, v3;
	_ =	sdelay $0x3  }
0x294: {  	(xrf2) =	vadd.scan.msk.f32 $0xffff, v3;
	v3, _, _ =	vpop (xrf2)  }
0x295: {  	(v2sf) =	vpush v3, $0xF;
	_ =	sdelay $0x9  }
0x296: {  	v5, _, _ =	vpop (xrf2)  }
0x297: {  	(v2sf) =	vpush v5, $0xF;
	_ =	sdelay $0x3  }
0x298: {  	s26 =	spop (v2sf)  }
0x299: {  	s1 =	smul.f32 $3.000000000e+00, s26;
	_ =	sdelay $0x1  }
0x29a: {  	s1 =	smin.f32 s1, $2.182300000e+04  }
0x29b: {  	s2 =	ssub.f32 $2.182400000e+04, s1;
	_ =	sdelay $0x1  }
0x29c: {  	p0 =	sle.f32 s2, s26  }
.Ltmp17:
0x29d: {  	_ = 	snop;
	(pc) =	sbr.rel @p0 .LBB2_37-.Ltmp17, $2  }
0x29e: {  	_ =	sdelay $0x2  }
0x29f: {  	s0 =	simm.f32 $0.0e+00;
	s26 =	simm.s32 $0x0;
	s30 =	spop (v2sf)  }
0x2a0: {  	p0 =	por $0x0, $0x0  }
.Ltmp18:
0x2a1: {  	_ = 	snop;
	(pc) =	sbr.rel @p0 .LBB2_30-.Ltmp18, $4  }
0x2a2: {  	s0 =	simm.s32 $0x0  }
0x2a3: {  	v5 =	vld [tilespmem:s0+$0x5580]  }
0x2a4: {  	v6 =	vld [tilespmem:s0+$0x5590]  }
0x2a5: {  	s1 =	simm.s32 $0x80;
	v7 =	vld [tilespmem:s0+$0x0]  }
.LBB2_29:
0x2a6: {  	p0 =	seq.s32 s1, $0x15480;
	v8 =	vld [tilespmem:s0+$0x10];
	_ =	sdelay $0x3  }
0x2a7: {  	v5 =	vsub.f32 v7, v5  }
0x2a8: {  	v6 =	vsub.f32 v8, v6  }
0x2a9: {  	v7 =	vand.u32 $0x7FFFFFFF, v5  }
0x2aa: {  	v7 =	vsub.f32 $0.0e+00, v7;
	v8 =	vand.u32 $0x7FFFFFFF, v6  }
0x2ab: {  	v8 =	vsub.f32 $0.0e+00, v8  }
0x2ac: {  	v7 =	vmul.f32 $1.442695020e+00, v7  }
0x2ad: {  	v8 =	vmul.f32 $1.442695020e+00, v8  }
0x2ae: {  	(erf) = vpow2.f32 v7  }
0x2af: {  	(erf) = vpow2.f32 v8;
	_ =	sdelay $0x7  }
0x2b0: {  	v7 =	vpop (erf)  }
0x2b1: {  	v8 =	vmul.f32 $1.741407810e-02, v7;
	v9 =	vpop (erf)  }
0x2b2: {  	v10 =	vmul.f32 $1.741407810e-02, v9  }
0x2b3: {  	v8 =	vsub.f32 $8.269123730e-02, v8  }
0x2b4: {  	v10 =	vsub.f32 $8.269123730e-02, v10  }
0x2b5: {  	v8 =	vmul.f32 v8, v7  }
0x2b6: {  	v10 =	vmul.f32 v10, v9  }
0x2b7: {  	v8 =	vadd.f32 $-1.903543320e-01, v8  }
0x2b8: {  	v10 =	vadd.f32 $-1.903543320e-01, v10  }
0x2b9: {  	v8 =	vmul.f32 v8, v7  }
0x2ba: {  	v10 =	vmul.f32 v10, v9  }
0x2bb: {  	v8 =	vadd.f32 $3.157473210e-01, v8  }
0x2bc: {  	v10 =	vadd.f32 $3.157473210e-01, v10  }
0x2bd: {  	v8 =	vmul.f32 v8, v7  }
0x2be: {  	v10 =	vmul.f32 v10, v9  }
0x2bf: {  	v8 =	vadd.f32 $-4.973732230e-01, v8  }
0x2c0: {  	v10 =	vadd.f32 $-4.973732230e-01, v10  }
0x2c1: {  	v11 =	vld [tilespmem:s0+$0x15600];
	v8 =	vmul.f32 v8, v7  }
0x2c2: {  	v12 =	vld [tilespmem:s0+$0x15610];
	v10 =	vmul.f32 v10, v9  }
0x2c3: {  	v8 =	vadd.f32 $9.998477100e-01, v8  }
0x2c4: {  	v10 =	vadd.f32 $9.998477100e-01, v10  }
0x2c5: {  	v13 =	vsub.f32 $0.0e+00, v5;
	v7 =	vmul.f32 v8, v7  }
0x2c6: {  	v8 =	vsub.f32 $0.0e+00, v6;
	vm5 =	vgt.s32 v11, $0x0;
	v9 =	vmul.f32 v10, v9  }
0x2c7: {  	v5 =	vsel vm5, v5, v13;
	v7 =	vadd.f32 $1.472065040e-06, v7;
	vm6 =	vgt.s32 v12, $0x0  }
0x2c8: {  	v5 =	vmax.f32 v5, $0.0e+00;
	v6 =	vsel vm6, v6, v8;
	v8 =	vadd.f32 $1.472065040e-06, v9  }
.Ltmp19:
0x2c9: {  	v7 =	vadd.f32 v7, v5;
	v5 =	vmax.f32 v6, $0.0e+00;
	(pc) =	sbr.rel @!p0 .LBB2_29-.Ltmp19, $4  }
0x2ca: {  	s3 =	sshra.s32 s1, $0x2;
	v8 =	vadd.f32 v8, v5  }
0x2cb: {  	v5 =	vld [tilespmem:s3+$0x5580];
	v7 =	vsel vm5, $0x0, v7  }
0x2cc: {  	v6 =	vld [tilespmem:s3+$0x5590];
	[tilespmem:s0+$0x0] =	vst v7;
	v8 =	vsel vm6, $0x0, v8  }
0x2cd: {  	s1 =	sadd.s32 $0x80, s1;
	v7 =	vld [tilespmem:s3+$0x0];
	[tilespmem:s0+$0x10] =	vst v8;
	s0 =	smov.u32 s3  }
.LBB2_30:
0x2ce: {  	v8 =	vld [tilespmem:s0+$0x10];
	_ =	sdelay $0x3  }
0x2cf: {  	v5 =	vsub.f32 v7, v5  }
0x2d0: {  	v6 =	vsub.f32 v8, v6  }
0x2d1: {  	v7 =	vand.u32 $0x7FFFFFFF, v5  }
0x2d2: {  	v7 =	vsub.f32 $0.0e+00, v7;
	v8 =	vand.u32 $0x7FFFFFFF, v6  }
0x2d3: {  	v8 =	vsub.f32 $0.0e+00, v8  }
0x2d4: {  	v7 =	vmul.f32 $1.442695020e+00, v7  }
0x2d5: {  	v8 =	vmul.f32 $1.442695020e+00, v8  }
0x2d6: {  	(erf) = vpow2.f32 v7  }
0x2d7: {  	(erf) = vpow2.f32 v8;
	_ =	sdelay $0x7  }
0x2d8: {  	v7 =	vpop (erf)  }
0x2d9: {  	v61 =	vmul.f32 $1.741407810e-02, v7;
	v9 =	vpop (erf)  }
0x2da: {  	v10 =	vmul.f32 $1.741407810e-02, v9  }
0x2db: {  	v8 =	vsub.f32 $8.269123730e-02, v61  }
0x2dc: {  	v10 =	vsub.f32 $8.269123730e-02, v10  }
0x2dd: {  	v8 =	vmul.f32 v8, v7  }
0x2de: {  	v10 =	vmul.f32 v10, v9  }
0x2df: {  	v8 =	vadd.f32 $-1.903543320e-01, v8  }
0x2e0: {  	v10 =	vadd.f32 $-1.903543320e-01, v10  }
0x2e1: {  	v8 =	vmul.f32 v8, v7  }
0x2e2: {  	v10 =	vmul.f32 v10, v9  }
0x2e3: {  	v8 =	vadd.f32 $3.157473210e-01, v8  }
0x2e4: {  	v10 =	vadd.f32 $3.157473210e-01, v10  }
0x2e5: {  	v8 =	vmul.f32 v8, v7  }
0x2e6: {  	v10 =	vmul.f32 v10, v9  }
0x2e7: {  	v8 =	vadd.f32 $-4.973732230e-01, v8  }
0x2e8: {  	v10 =	vadd.f32 $-4.973732230e-01, v10  }
0x2e9: {  	v11 =	vld [tilespmem:s0+$0x15600];
	v8 =	vmul.f32 v8, v7  }
0x2ea: {  	v12 =	vld [tilespmem:s0+$0x15610];
	v10 =	vmul.f32 v10, v9  }
0x2eb: {  	v8 =	vadd.f32 $9.998477100e-01, v8  }
0x2ec: {  	v10 =	vadd.f32 $9.998477100e-01, v10  }
0x2ed: {  	v13 =	vsub.f32 $0.0e+00, v5;
	v7 =	vmul.f32 v8, v7  }
0x2ee: {  	vm5 =	vgt.s32 v11, $0x0;
	v62 =	vsub.f32 $0.0e+00, v6;
	v9 =	vmul.f32 v10, v9  }
0x2ef: {  	vm6 =	vgt.s32 v12, $0x0;
	v5 =	vsel vm5, v5, v13;
	v7 =	vadd.f32 $1.472065040e-06, v7  }
0x2f0: {  	v5 =	vmax.f32 v5, $0.0e+00;
	v6 =	vsel vm6, v6, v62;
	v63 =	vadd.f32 $1.472065040e-06, v9  }
0x2f1: {  	v6 =	vmax.f32 v6, $0.0e+00;
	v5 =	vadd.f32 v7, v5  }
0x2f2: {  	v6 =	vadd.f32 v63, v6  }
0x2f3: {  	v5 =	vsel vm5, $0x0, v5  }
0x2f4: {  	[tilespmem:s0+$0x0] =	vst v5;
	v5 =	vsel vm6, $0x0, v6  }
0x2f5: {  	s1 =	simm.s32 $0x7F800001;
	[tilespmem:s0+$0x10] =	vst v5;
	s0 =	simm.s32 $0x0  }
.LBB2_31:
0x2f6: {  	s3 =	ssub.s32 s1, s26;
	p0 =	sne.s32 s1, s26;
	s19 =	simm.s32 $0x1  }
0x2f7: {  	s23 =	sshra.s32 s3, $0x1F;
	s19 =	simm.s32 @!p0 $0x0  }
0x2f8: {  	s19 =	sor.u32 s19, s23;
	s23 =	sand.u32 $0x1, s3  }
0x2f9: {  	s24 =	sshrl.u32 s3, $0x1F;
	p6 =	sne.s32 s19, $0x1;
	p1 =	seq.s32 s23, $0x1  }
0x2fa: {  	s3 =	sadd.s32 s24, s3;
	p0 =	por !p6, !p1  }
0x2fb: {  	s3 =	sshra.s32 s3, $0x1;
	s19 =	simm.s32 $0x1;
	p0 =	por !p0, !p0  }
0x2fc: {  	s24 =	simm.s32 $0x0;
	s3 =	sadd.s32 s26, s3;
	s19 =	simm.s32 @!p0 $0x0  }
0x2fd: {  	v7 =	vld [tilespmem:s24+$0x0];
	s19 =	ssub.s32 s3, s19  }
0x2fe: {  	v5 =	vimm.f32 $0.0e+00;
	s23 =	simm.s32 $0x40;
	v6 =	vmov s19  }
.LBB2_32:
0x2ff: {  	p0 =	sne.s32 s23, $0x154C0  }
.Ltmp20:
0x300: {  	_ = 	snop;
	(pc) =	sbr.rel @p0 .LBB2_32-.Ltmp20, $4  }
0x301: {  	_ = 	snop  }
0x302: {  	s3 =	sshra.s32 s23, $0x2;
	s23 =	sadd.s32 $0x40, s23;
	vm5 =	vlt.s32 v7, v6  }
0x303: {  	v7 =	vld [tilespmem:s3+$0x0];
	v8 =	vsel vm5, $0x3F800000, v0  }
0x304: {  	v5 =	vadd.f32 v8, v5  }
0x305: {  	_ =	sdelay $0x2  }
0x306: {  	vm5 =	vlt.s32 v7, v6  }
0x307: {  	v6 =	vsel vm5, $0x3F800000, v0  }
0x308: {  	v5 =	vadd.f32 v6, v5;
	_ =	sdelay $0x1  }
0x309: {  	(xrf2) =	vadd.scan.msk.f32 $0xffff, v5;
	_ =	sdelay $0x9  }
0x30a: {  	v5, _, _ =	vpop (xrf2)  }
0x30b: {  	(v2sf) =	vpush v5, $0xF;
	_ =	sdelay $0xe  }
0x30c: {  	s3 =	spop (v2sf)  }
0x30d: {  	p0 =	slt.f32 s3, s2  }
0x30e: {  	s0 =	sadd.s32 $0x1, s0  }
0x30f: {  	s26 =	smov.u32 @p0 s19;
	s19 =	smov.u32 @p0 s1;
	p0 =	seq.s32 s0, $0x1F  }
.Ltmp21:
0x310: {  	_ = 	snop;
	(pc) =	sbr.rel @!p0 .LBB2_31-.Ltmp21, $2  }
0x311: {  	_ =	sdelay $0x2  }
0x312: {  	s1 =	smov.u32 s19  }
0x313: {  	s1 =	simm.s32 $0x0  }
0x314: {  	v8 =	vld [tilespmem:s1+$0x0]  }
0x315: {  	v6 =	vmov s26;
	v5 =	vimm.f32 $0.0e+00;
	s0 =	simm.s32 $0x40;
	v7 =	vimm.f32 $0.0e+00  }
.LBB2_35:
0x316: {  	p0 =	sne.s32 s0, $0x154C0  }
.Ltmp22:
0x317: {  	_ = 	snop;
	(pc) =	sbr.rel @p0 .LBB2_35-.Ltmp22, $4  }
0x318: {  	_ = 	snop  }
0x319: {  	s1 =	sshra.s32 s0, $0x2;
	s0 =	sadd.s32 $0x40, s0;
	vm5 =	vgt.s32 v6, v8  }
0x31a: {  	v9 =	vnsel vm5, $0x0, v8;
	v8 =	vld [tilespmem:s1+$0x0];
	v10 =	vsel vm5, $0x3F800000, v0  }
0x31b: {  	v5 =	vadd.f32 v9, v5;
	v7 =	vadd.f32 v10, v7  }
0x31c: {  	_ =	sdelay $0x2  }
0x31d: {  	vm5 =	vgt.s32 v6, v8  }
0x31e: {  	v6 =	vnsel vm5, $0x0, v8  }
0x31f: {  	v63 =	vsel vm5, $0x3F800000, v0;
	v5 =	vadd.f32 v6, v5  }
0x320: {  	v6 =	vadd.f32 v63, v7  }
0x321: {  	(xrf2) =	vadd.scan.msk.f32 $0xffff, v5  }
0x322: {  	(xrf2) =	vadd.scan.msk.f32 $0xffff, v6;
	_ =	sdelay $0x8  }
0x323: {  	v5, _, _ =	vpop (xrf2)  }
0x324: {  	(v2sf) =	vpush v5, $0xF;
	v5, _, _ =	vpop (xrf2)  }
0x325: {  	(v2sf) =	vpush v5, $0xF;
	_ =	sdelay $0xd  }
0x326: {  	s0 =	spop (v2sf)  }
0x327: {  	s1 =	spop (v2sf)  }
0x328: {  	s1 =	ssub.f32 s2, s1;
	_ =	sdelay $0x1  }
0x329: {  	s1 =	smul.f32 s26, s1;
	_ =	sdelay $0x1  }
0x32a: {  	s0 =	sadd.f32 s1, s0  }
.LBB2_37:
0x32b: {  	[tilespmem:s20], [sflag:$0x3] =	stream.strided.gather [hbm4b:s14+s17], $0x5580, s18, s17, $0x38;
	[tilespmem:$0x1AC00] =	vst v63  }
0x32c: {  	_ =	swait.ge [sflag:s21], $0x5580  }
0x32d: {  	[sflag:s21] =	ssyncset.done $0x0  }
0x32e: {  	[sflag:s21] =	ssyncadd.s32 $0xFFFFAA80  }
0x32f: {  	_ =	swait.ge [sflag:s25], $0x5580  }
0x330: {  	[sflag:s25] =	ssyncset.done $0x0  }
0x331: {  	[sflag:s25] =	ssyncadd.s32 $0xFFFFAA80  }
0x332: {  	_ =	swait.ge [sflag:s25], $0x5580  }
0x333: {  	[sflag:s25] =	ssyncset.done $0x0  }
0x334: {  	s1 =	simm.s32 $0x0;
	[sflag:s25] =	ssyncadd.s32 $0xFFFFAA80  }
0x335: {  	v5 =	vld [tilespmem:s1+$0xAB10]  }
0x336: {  	v6 =	vld [tilespmem:s1+$0x10090]  }
0x337: {  	v7 =	vld [tilespmem:s1+$0xAB00]  }
0x338: {  	v9 =	vld [tilespmem:s1+$0x10080];
	_ =	sdelay $0x3  }
0x339: {  	v8 =	vsub.f32 v5, v6  }
0x33a: {  	v7 =	vsub.f32 v7, v9  }
0x33b: {  	v5 =	vand.u32 $0x7FFFFFFF, v8  }
0x33c: {  	v6 =	vand.u32 $0x7FFFFFFF, v7;
	v5 =	vsub.f32 $0.0e+00, v5  }
0x33d: {  	v6 =	vsub.f32 $0.0e+00, v6  }
0x33e: {  	v5 =	vmul.f32 $1.442695020e+00, v5  }
0x33f: {  	v6 =	vmul.f32 $1.442695020e+00, v6  }
0x340: {  	s26 =	simm.s32 $0x20;
	(erf) = vpow2.f32 v5  }
0x341: {  	v5 =	vld [tilespmem:s26+$0xAB10];
	(erf) = vpow2.f32 v6  }
0x342: {  	v6 =	vld [tilespmem:s26+$0x10090]  }
0x343: {  	v11 =	vld [tilespmem:s26+$0xAB00]  }
0x344: {  	v12 =	vld [tilespmem:s26+$0x10080];
	_ =	sdelay $0x2  }
0x345: {  	v5 =	vsub.f32 v5, v6;
	_ =	sdelay $0x1  }
0x346: {  	v6 =	vsub.f32 v11, v12;
	v12 =	vand.u32 $0x7FFFFFFF, v5;
	v9 =	vpop (erf)  }
0x347: {  	v12 =	vsub.f32 $0.0e+00, v12;
	v10 =	vpop (erf)  }
0x348: {  	v14 =	vmul.f32 $1.741407810e-02, v9;
	v13 =	vmul.f32 $1.741407810e-02, v10  }
0x349: {  	v16 =	vmul.f32 $1.442695020e+00, v12  }
0x34a: {  	v11 =	vsub.f32 $8.269123730e-02, v14;
	v14 =	vand.u32 $0x7FFFFFFF, v6;
	v13 =	vsub.f32 $8.269123730e-02, v13  }
0x34b: {  	v19 =	vld [tilespmem:s1+$0x15610];
	v14 =	vsub.f32 $0.0e+00, v14  }
0x34c: {  	s2 =	simm.s32 $0x40;
	v12 =	vld [tilespmem:s1+$0x15600];
	(erf) = vpow2.f32 v16;
	v13 =	vmul.f32 v13, v10  }
0x34d: {  	v16 =	vld [tilespmem:s2+$0x10080];
	v11 =	vmul.f32 v11, v9;
	v17 =	vmul.f32 $1.442695020e+00, v14  }
0x34e: {  	v14 =	vld [tilespmem:s2+$0x10090];
	v15 =	vadd.f32 $-1.903543320e-01, v13  }
0x34f: {  	s3 =	ssub.f32 s29, s31;
	v11 =	vadd.f32 $-1.903543320e-01, v11;
	v13 =	vld [tilespmem:s2+$0xAB10];
	(erf) = vpow2.f32 v17  }
0x350: {  	vm5 =	veq.s32 v1, $0x1;
	v2 =	vbroadcast v2, $0xF;
	v18 =	vmul.f32 v15, v10;
	v15 =	vld [tilespmem:s2+$0xAB00]  }
0x351: {  	v4 =	vsel vm5, s3, v4;
	v11 =	vmul.f32 v11, v9  }
0x352: {  	v2 =	vsel vm2, v2, v4;
	v4 =	vimm.f32 $0.0e+00;
	v18 =	vadd.f32 $3.157473210e-01, v18  }
0x353: {  	vm5 =	vgt.s32 v19, $0x0;
	s1 =	simm.s32 $0x180;
	v17 =	vadd.f32 $3.157473210e-01, v11;
	v11 =	vimm.f32 $0.0e+00  }
.LBB2_38:
0x354: {  	p0 =	sne.s32 s1, $0x15480;
	v13 =	vsub.f32 v13, v14;
	vm6 =	vgt.s32 v12, $0x0;
	v12 =	vmul.f32 v18, v10  }
0x355: {  	v14 =	vsub.f32 v15, v16;
	v15 =	vsub.f32 $0.0e+00, v8;
	v16 =	vmul.f32 v17, v9  }
0x356: {  	v17 =	vsub.f32 $0.0e+00, v7;
	v18 =	vsel vm6, $0x3F800000, v0;
	v12 =	vadd.f32 $-4.973732230e-01, v12  }
0x357: {  	v20 =	vand.u32 $0x7FFFFFFF, v13;
	v19 =	vand.u32 $0x7FFFFFFF, v14;
	v21 =	vpop (erf);
	v16 =	vadd.f32 $-4.973732230e-01, v16  }
0x358: {  	v20 =	vsub.f32 $0.0e+00, v20;
	v22 =	vmul.f32 $1.741407810e-02, v21;
	v23 =	vpop (erf);
	v12 =	vmul.f32 v12, v10  }
0x359: {  	v19 =	vsub.f32 $0.0e+00, v19;
	v24 =	vmul.f32 $1.741407810e-02, v23;
	v16 =	vmul.f32 v16, v9  }
0x35a: {  	v27 =	vsel vm5, v8, v15;
	v8 =	vmovc v5;
	v5 =	vmovc v13;
	v25 =	vld [tilespmem:s26+$0x15610];
	v22 =	vsub.f32 $8.269123730e-02, v22;
	v26 =	vadd.f32 $9.998477100e-01, v12  }
0x35b: {  	v15 =	vmul.f32 $1.442695020e+00, v20;
	v20 =	vsub.f32 $8.269123730e-02, v24;
	v16 =	vadd.f32 $9.998477100e-01, v16  }
0x35c: {  	v17 =	vsel vm6, v7, v17;
	v7 =	vmovc v6;
	v12 =	vld [tilespmem:s26+$0x15600];
	v22 =	vmul.f32 v22, v21;
	v24 =	vmul.f32 v26, v10;
	s26 =	smov.u32 s2;
	s2 =	sshra.s32 s1, $0x2  }
0x35d: {  	v6 =	vmovc v14;
	v17 =	vmax.f32 v17, $0.0e+00;
	v13 =	vld [tilespmem:s2+$0xAB10];
	v20 =	vmul.f32 v20, v23;
	v16 =	vmul.f32 v16, v9;
	v9 =	vmovc v21  }
0x35e: {  	v19 =	vmul.f32 $1.442695020e+00, v19;
	v10 =	vmovc v23;
	v21 =	vadd.f32 $-1.903543320e-01, v22;
	v22 =	vadd.f32 $1.472065040e-06, v24  }
0x35f: {  	v14 =	vld [tilespmem:s2+$0x10090];
	(erf) = vpow2.f32 v15;
	v20 =	vadd.f32 $-1.903543320e-01, v20;
	v23 =	vadd.f32 $1.472065040e-06, v16  }
.Ltmp23:
0x360: {  	v15 =	vld [tilespmem:s2+$0xAB00];
	(erf) = vpow2.f32 v19;
	v17 =	vadd.f32 v22, v17;
	v19 =	vmax.f32 v27, $0.0e+00;
	(pc) =	sbr.rel @p0 .LBB2_38-.Ltmp23, $4  }
0x361: {  	v21 =	vmul.f32 v21, v9;
	v16 =	vld [tilespmem:s2+$0x10080];
	v20 =	vmul.f32 v20, v10;
	v19 =	vadd.f32 v23, v19  }
0x362: {  	v11 =	vadd.f32 v18, v11;
	v4 =	vadd.f32 v17, v4  }
0x363: {  	v17 =	vadd.f32 $3.157473210e-01, v21;
	v18 =	vadd.f32 $3.157473210e-01, v20;
	v20 =	vsel vm5, $0x3F800000, v0  }
0x364: {  	s1 =	sadd.s32 $0x80, s1;
	vm5 =	vgt.s32 v25, $0x0;
	v4 =	vadd.f32 v19, v4;
	v11 =	vadd.f32 v20, v11  }
0x365: {  	v13 =	vsub.f32 v13, v14  }
0x366: {  	v31 =	vsub.f32 v15, v16  }
0x367: {  	v32 =	vand.u32 $0x7FFFFFFF, v13  }
0x368: {  	v16 =	vand.u32 $0x7FFFFFFF, v31;
	v15 =	vsub.f32 $0.0e+00, v32  }
0x369: {  	v16 =	vsub.f32 $0.0e+00, v16  }
0x36a: {  	v15 =	vmul.f32 $1.442695020e+00, v15  }
0x36b: {  	v16 =	vmul.f32 $1.442695020e+00, v16  }
0x36c: {  	v18 =	vmul.f32 v18, v10;
	v19 =	vpop (erf);
	(erf) = vpow2.f32 v15  }
0x36d: {  	v17 =	vmul.f32 v17, v9;
	vm6 =	vgt.s32 v12, $0x0;
	v20 =	vpop (erf);
	(erf) = vpow2.f32 v16  }
0x36e: {  	v38 =	vsub.f32 $0.0e+00, v8;
	v21 =	vsub.f32 $0.0e+00, v7;
	v50 =	vsel vm5, $0x3F800000, v0  }
0x36f: {  	v55 =	vsub.f32 $0.0e+00, v5;
	v56 =	vsub.f32 $0.0e+00, v6;
	v34 =	vmul.f32 $1.741407810e-02, v20  }
0x370: {  	v48 =	vsel vm6, $0x3F800000, v0;
	v18 =	vadd.f32 $-4.973732230e-01, v18;
	v33 =	vadd.f32 $-4.973732230e-01, v17  }
0x371: {  	v8 =	vsel vm5, v8, v38;
	v35 =	vmul.f32 $1.741407810e-02, v19;
	v17 =	vsub.f32 $8.269123730e-02, v34  }
0x372: {  	v7 =	vsel vm6, v7, v21;
	v18 =	vmul.f32 v18, v10;
	v15 =	vmul.f32 v33, v9  }
0x373: {  	v45 =	vld [tilespmem:s26+$0x15610];
	v11 =	vadd.f32 v48, v11;
	v36 =	vsub.f32 $8.269123730e-02, v35;
	v17 =	vmul.f32 v17, v20  }
0x374: {  	v7 =	vmax.f32 v7, $0.0e+00;
	v37 =	vadd.f32 $9.998477100e-01, v18;
	v15 =	vadd.f32 $9.998477100e-01, v15  }
0x375: {  	v8 =	vmax.f32 v8, $0.0e+00;
	v12 =	vmul.f32 v36, v19;
	v41 =	vadd.f32 $-1.903543320e-01, v17;
	v42 =	vpop (erf)  }
0x376: {  	v11 =	vadd.f32 v50, v11;
	v39 =	vmul.f32 v37, v10;
	v40 =	vmul.f32 v15, v9;
	v44 =	vpop (erf)  }
0x377: {  	v51 =	vld [tilespmem:s26+$0x15600];
	v12 =	vadd.f32 $-1.903543320e-01, v12;
	v15 =	vmul.f32 v41, v20;
	v47 =	vmul.f32 $1.741407810e-02, v44  }
0x378: {  	vm5 =	vgt.s32 v45, $0x0;
	v10 =	vadd.f32 $1.472065040e-06, v39;
	v9 =	vadd.f32 $1.472065040e-06, v40  }
0x379: {  	v46 =	vadd.f32 $3.157473210e-01, v15;
	v49 =	vmul.f32 $1.741407810e-02, v42;
	v15 =	vsub.f32 $8.269123730e-02, v47  }
0x37a: {  	v7 =	vadd.f32 v10, v7;
	v43 =	vmul.f32 v12, v19;
	v8 =	vadd.f32 v9, v8  }
0x37b: {  	v9 =	vmul.f32 v46, v20;
	v10 =	vsub.f32 $8.269123730e-02, v49;
	v15 =	vmul.f32 v15, v44  }
0x37c: {  	v58 =	vld [tilespmem:s2+$0x15600];
	vm6 =	vgt.s32 v51, $0x0;
	v4 =	vadd.f32 v7, v4;
	v7 =	vadd.f32 $3.157473210e-01, v43  }
0x37d: {  	v9 =	vadd.f32 $-4.973732230e-01, v9;
	v53 =	vmul.f32 v10, v42;
	v54 =	vadd.f32 $-1.903543320e-01, v15  }
0x37e: {  	v59 =	vld [tilespmem:s2+$0x15610];
	v57 =	vsel vm6, $0x3F800000, v0;
	v6 =	vsel vm6, v6, v56;
	v7 =	vmul.f32 v7, v19  }
0x37f: {  	v52 =	vmul.f32 v9, v20;
	v9 =	vadd.f32 $-1.903543320e-01, v53;
	v10 =	vmul.f32 v54, v44  }
0x380: {  	v60 =	vsel vm5, $0x3F800000, v0;
	v5 =	vsel vm5, v5, v55;
	v7 =	vadd.f32 $-4.973732230e-01, v7  }
0x381: {  	vm5 =	vgt.s32 v58, $0x0;
	v9 =	vmul.f32 v9, v42;
	v10 =	vadd.f32 $3.157473210e-01, v10  }
0x382: {  	v4 =	vadd.f32 v8, v4;
	v7 =	vmul.f32 v7, v19;
	v8 =	vadd.f32 $9.998477100e-01, v52  }
0x383: {  	vm6 =	vgt.s32 v59, $0x0;
	v9 =	vadd.f32 $3.157473210e-01, v9;
	v10 =	vmul.f32 v10, v44  }
0x384: {  	v6 =	vmax.f32 v6, $0.0e+00;
	v7 =	vadd.f32 $9.998477100e-01, v7;
	v8 =	vmul.f32 v8, v20  }
0x385: {  	v11 =	vadd.f32 v57, v11;
	v9 =	vmul.f32 v9, v42;
	v10 =	vadd.f32 $-4.973732230e-01, v10  }
0x386: {  	v5 =	vmax.f32 v5, $0.0e+00;
	v7 =	vmul.f32 v7, v19;
	v8 =	vadd.f32 $1.472065040e-06, v8  }
0x387: {  	v61 =	vadd.f32 v60, v11;
	v9 =	vadd.f32 $-4.973732230e-01, v9;
	v10 =	vmul.f32 v10, v44  }
0x388: {  	v62 =	vsel vm5, $0x3F800000, v0;
	v7 =	vadd.f32 $1.472065040e-06, v7;
	v6 =	vadd.f32 v8, v6  }
0x389: {  	v8 =	vadd.f32 v62, v61;
	v9 =	vmul.f32 v9, v42;
	v10 =	vadd.f32 $9.998477100e-01, v10  }
0x38a: {  	v63 =	vsel vm6, $0x3F800000, v0;
	v5 =	vadd.f32 v7, v5;
	v7 =	vsub.f32 $0.0e+00, v31  }
0x38b: {  	v8 =	vadd.f32 v63, v8;
	v9 =	vadd.f32 $9.998477100e-01, v9;
	v10 =	vmul.f32 v10, v44  }
0x38c: {  	v7 =	vsel vm5, v31, v7;
	v4 =	vadd.f32 v6, v4  }
0x38d: {  	v6 =	vsub.f32 $0.0e+00, v13;
	(xrf2) =	vadd.scan.msk.f32 $0xffff, v8;
	v9 =	vmul.f32 v9, v42;
	v10 =	vadd.f32 $1.472065040e-06, v10  }
0x38e: {  	v4 =	vadd.f32 v5, v4;
	v5 =	vmax.f32 v7, $0.0e+00  }
0x38f: {  	v6 =	vsel vm6, v13, v6;
	v7 =	vadd.f32 $1.472065040e-06, v9;
	v5 =	vadd.f32 v10, v5  }
0x390: {  	v6 =	vmax.f32 v6, $0.0e+00  }
0x391: {  	v6 =	vadd.f32 v7, v6;
	v4 =	vadd.f32 v5, v4;
	_ =	sdelay $0x1  }
0x392: {  	v4 =	vadd.f32 v6, v4;
	_ =	sdelay $0x3  }
0x393: {  	(xrf2) =	vadd.scan.msk.f32 $0xffff, v4;
	v4, _, _ =	vpop (xrf2)  }
0x394: {  	(v2sf) =	vpush v4, $0xF;
	_ =	sdelay $0x9  }
0x395: {  	v5, _, _ =	vpop (xrf2)  }
0x396: {  	(v2sf) =	vpush v5, $0xF;
	_ =	sdelay $0x3  }
0x397: {  	s1 =	spop (v2sf)  }
0x398: {  	s31 =	smul.f32 $3.000000000e+00, s1;
	_ =	sdelay $0x1  }
0x399: {  	s2 =	smin.f32 s31, $2.182300000e+04  }
0x39a: {  	s2 =	ssub.f32 $2.182400000e+04, s2;
	_ =	sdelay $0x1  }
0x39b: {  	p0 =	sle.f32 s2, s1  }
.Ltmp24:
0x39c: {  	_ = 	snop;
	(pc) =	sbr.rel @p0 .LBB2_49-.Ltmp24, $2  }
0x39d: {  	_ =	sdelay $0x2  }
0x39e: {  	s26 =	simm.s32 $0x0;
	s1 =	simm.f32 $0.0e+00;
	s29 =	spop (v2sf)  }
0x39f: {  	p0 =	por $0x0, $0x0  }
.Ltmp25:
0x3a0: {  	_ = 	snop;
	(pc) =	sbr.rel @p0 .LBB2_42-.Ltmp25, $4  }
0x3a1: {  	s31 =	simm.s32 $0x0  }
0x3a2: {  	v5 =	vld [tilespmem:s31+$0x10080]  }
0x3a3: {  	v6 =	vld [tilespmem:s31+$0x10090]  }
0x3a4: {  	s1 =	simm.s32 $0x80;
	v7 =	vld [tilespmem:s31+$0xAB00]  }
.LBB2_41:
0x3a5: {  	p0 =	seq.s32 s1, $0x15480;
	v8 =	vld [tilespmem:s31+$0xAB10];
	_ =	sdelay $0x3  }
0x3a6: {  	v5 =	vsub.f32 v7, v5  }
0x3a7: {  	v6 =	vsub.f32 v8, v6  }
0x3a8: {  	v7 =	vand.u32 $0x7FFFFFFF, v5  }
0x3a9: {  	v7 =	vsub.f32 $0.0e+00, v7;
	v8 =	vand.u32 $0x7FFFFFFF, v6  }
0x3aa: {  	v8 =	vsub.f32 $0.0e+00, v8  }
0x3ab: {  	v7 =	vmul.f32 $1.442695020e+00, v7  }
0x3ac: {  	v8 =	vmul.f32 $1.442695020e+00, v8  }
0x3ad: {  	(erf) = vpow2.f32 v7  }
0x3ae: {  	(erf) = vpow2.f32 v8;
	_ =	sdelay $0x7  }
0x3af: {  	v7 =	vpop (erf)  }
0x3b0: {  	v8 =	vmul.f32 $1.741407810e-02, v7;
	v9 =	vpop (erf)  }
0x3b1: {  	v10 =	vmul.f32 $1.741407810e-02, v9  }
0x3b2: {  	v8 =	vsub.f32 $8.269123730e-02, v8  }
0x3b3: {  	v10 =	vsub.f32 $8.269123730e-02, v10  }
0x3b4: {  	v8 =	vmul.f32 v8, v7  }
0x3b5: {  	v10 =	vmul.f32 v10, v9  }
0x3b6: {  	v8 =	vadd.f32 $-1.903543320e-01, v8  }
0x3b7: {  	v10 =	vadd.f32 $-1.903543320e-01, v10  }
0x3b8: {  	v8 =	vmul.f32 v8, v7  }
0x3b9: {  	v10 =	vmul.f32 v10, v9  }
0x3ba: {  	v8 =	vadd.f32 $3.157473210e-01, v8  }
0x3bb: {  	v10 =	vadd.f32 $3.157473210e-01, v10  }
0x3bc: {  	v8 =	vmul.f32 v8, v7  }
0x3bd: {  	v10 =	vmul.f32 v10, v9  }
0x3be: {  	v8 =	vadd.f32 $-4.973732230e-01, v8  }
0x3bf: {  	v10 =	vadd.f32 $-4.973732230e-01, v10  }
0x3c0: {  	v11 =	vld [tilespmem:s31+$0x15600];
	v8 =	vmul.f32 v8, v7  }
0x3c1: {  	v12 =	vld [tilespmem:s31+$0x15610];
	v10 =	vmul.f32 v10, v9  }
0x3c2: {  	v8 =	vadd.f32 $9.998477100e-01, v8  }
0x3c3: {  	v10 =	vadd.f32 $9.998477100e-01, v10  }
0x3c4: {  	v13 =	vsub.f32 $0.0e+00, v5;
	v7 =	vmul.f32 v8, v7  }
0x3c5: {  	v8 =	vsub.f32 $0.0e+00, v6;
	vm5 =	vgt.s32 v11, $0x0;
	v9 =	vmul.f32 v10, v9  }
0x3c6: {  	v5 =	vsel vm5, v5, v13;
	v7 =	vadd.f32 $1.472065040e-06, v7;
	vm6 =	vgt.s32 v12, $0x0  }
0x3c7: {  	v5 =	vmax.f32 v5, $0.0e+00;
	v6 =	vsel vm6, v6, v8;
	v8 =	vadd.f32 $1.472065040e-06, v9  }
.Ltmp26:
0x3c8: {  	v7 =	vadd.f32 v7, v5;
	v5 =	vmax.f32 v6, $0.0e+00;
	(pc) =	sbr.rel @!p0 .LBB2_41-.Ltmp26, $4  }
0x3c9: {  	s3 =	sshra.s32 s1, $0x2;
	v8 =	vadd.f32 v8, v5  }
0x3ca: {  	v5 =	vld [tilespmem:s3+$0x10080];
	v7 =	vsel vm5, $0x0, v7  }
0x3cb: {  	v6 =	vld [tilespmem:s3+$0x10090];
	[tilespmem:s31+$0xAB00] =	vst v7;
	v8 =	vsel vm6, $0x0, v8  }
0x3cc: {  	s1 =	sadd.s32 $0x80, s1;
	v7 =	vld [tilespmem:s3+$0xAB00];
	[tilespmem:s31+$0xAB10] =	vst v8;
	s31 =	smov.u32 s3  }
.LBB2_42:
0x3cd: {  	v8 =	vld [tilespmem:s31+$0xAB10];
	_ =	sdelay $0x3  }
0x3ce: {  	v5 =	vsub.f32 v7, v5  }
0x3cf: {  	v6 =	vsub.f32 v8, v6  }
0x3d0: {  	v7 =	vand.u32 $0x7FFFFFFF, v5  }
0x3d1: {  	v7 =	vsub.f32 $0.0e+00, v7;
	v8 =	vand.u32 $0x7FFFFFFF, v6  }
0x3d2: {  	v8 =	vsub.f32 $0.0e+00, v8  }
0x3d3: {  	v7 =	vmul.f32 $1.442695020e+00, v7  }
0x3d4: {  	v8 =	vmul.f32 $1.442695020e+00, v8  }
0x3d5: {  	(erf) = vpow2.f32 v7  }
0x3d6: {  	(erf) = vpow2.f32 v8;
	_ =	sdelay $0x7  }
0x3d7: {  	v7 =	vpop (erf)  }
0x3d8: {  	v61 =	vmul.f32 $1.741407810e-02, v7;
	v9 =	vpop (erf)  }
0x3d9: {  	v10 =	vmul.f32 $1.741407810e-02, v9  }
0x3da: {  	v8 =	vsub.f32 $8.269123730e-02, v61  }
0x3db: {  	v10 =	vsub.f32 $8.269123730e-02, v10  }
0x3dc: {  	v8 =	vmul.f32 v8, v7  }
0x3dd: {  	v10 =	vmul.f32 v10, v9  }
0x3de: {  	v8 =	vadd.f32 $-1.903543320e-01, v8  }
0x3df: {  	v10 =	vadd.f32 $-1.903543320e-01, v10  }
0x3e0: {  	v8 =	vmul.f32 v8, v7  }
0x3e1: {  	v10 =	vmul.f32 v10, v9  }
0x3e2: {  	v8 =	vadd.f32 $3.157473210e-01, v8  }
0x3e3: {  	v10 =	vadd.f32 $3.157473210e-01, v10  }
0x3e4: {  	v8 =	vmul.f32 v8, v7  }
0x3e5: {  	v10 =	vmul.f32 v10, v9  }
0x3e6: {  	v8 =	vadd.f32 $-4.973732230e-01, v8  }
0x3e7: {  	v10 =	vadd.f32 $-4.973732230e-01, v10  }
0x3e8: {  	v11 =	vld [tilespmem:s31+$0x15600];
	v8 =	vmul.f32 v8, v7  }
0x3e9: {  	v12 =	vld [tilespmem:s31+$0x15610];
	v10 =	vmul.f32 v10, v9  }
0x3ea: {  	v8 =	vadd.f32 $9.998477100e-01, v8  }
0x3eb: {  	v10 =	vadd.f32 $9.998477100e-01, v10  }
0x3ec: {  	v13 =	vsub.f32 $0.0e+00, v5;
	v7 =	vmul.f32 v8, v7  }
0x3ed: {  	vm5 =	vgt.s32 v11, $0x0;
	v62 =	vsub.f32 $0.0e+00, v6;
	v9 =	vmul.f32 v10, v9  }
0x3ee: {  	vm6 =	vgt.s32 v12, $0x0;
	v5 =	vsel vm5, v5, v13;
	v7 =	vadd.f32 $1.472065040e-06, v7  }
0x3ef: {  	v5 =	vmax.f32 v5, $0.0e+00;
	v6 =	vsel vm6, v6, v62;
	v63 =	vadd.f32 $1.472065040e-06, v9  }
0x3f0: {  	v6 =	vmax.f32 v6, $0.0e+00;
	v5 =	vadd.f32 v7, v5  }
0x3f1: {  	v6 =	vadd.f32 v63, v6  }
0x3f2: {  	v5 =	vsel vm5, $0x0, v5  }
0x3f3: {  	[tilespmem:s31+$0xAB00] =	vst v5;
	v5 =	vsel vm6, $0x0, v6  }
0x3f4: {  	s1 =	simm.s32 $0x0;
	[tilespmem:s31+$0xAB10] =	vst v5;
	s31 =	simm.s32 $0x7F800001  }
.LBB2_43:
0x3f5: {  	s3 =	ssub.s32 s31, s26;
	p0 =	sne.s32 s31, s26;
	s19 =	simm.s32 $0x1  }
0x3f6: {  	s23 =	sshra.s32 s3, $0x1F;
	s19 =	simm.s32 @!p0 $0x0  }
0x3f7: {  	s19 =	sor.u32 s19, s23;
	s23 =	sand.u32 $0x1, s3  }
0x3f8: {  	s24 =	sshrl.u32 s3, $0x1F;
	p6 =	sne.s32 s19, $0x1;
	p1 =	seq.s32 s23, $0x1  }
0x3f9: {  	s3 =	sadd.s32 s24, s3;
	p0 =	por !p6, !p1  }
0x3fa: {  	s3 =	sshra.s32 s3, $0x1;
	s19 =	simm.s32 $0x1;
	p0 =	por !p0, !p0  }
0x3fb: {  	s24 =	simm.s32 $0x0;
	s3 =	sadd.s32 s26, s3;
	s19 =	simm.s32 @!p0 $0x0  }
0x3fc: {  	v7 =	vld [tilespmem:s24+$0xAB00];
	s19 =	ssub.s32 s3, s19  }
0x3fd: {  	v5 =	vimm.f32 $0.0e+00;
	s23 =	simm.s32 $0x40;
	v6 =	vmov s19  }
.LBB2_44:
0x3fe: {  	p0 =	sne.s32 s23, $0x154C0  }
.Ltmp27:
0x3ff: {  	_ = 	snop;
	(pc) =	sbr.rel @p0 .LBB2_44-.Ltmp27, $4  }
0x400: {  	_ = 	snop  }
0x401: {  	s3 =	sshra.s32 s23, $0x2;
	s23 =	sadd.s32 $0x40, s23;
	vm5 =	vlt.s32 v7, v6  }
0x402: {  	v7 =	vld [tilespmem:s3+$0xAB00];
	v8 =	vsel vm5, $0x3F800000, v0  }
0x403: {  	v5 =	vadd.f32 v8, v5  }
0x404: {  	_ =	sdelay $0x2  }
0x405: {  	vm5 =	vlt.s32 v7, v6  }
0x406: {  	v6 =	vsel vm5, $0x3F800000, v0  }
0x407: {  	v5 =	vadd.f32 v6, v5;
	_ =	sdelay $0x1  }
0x408: {  	(xrf2) =	vadd.scan.msk.f32 $0xffff, v5;
	_ =	sdelay $0x9  }
0x409: {  	v5, _, _ =	vpop (xrf2)  }
0x40a: {  	(v2sf) =	vpush v5, $0xF;
	_ =	sdelay $0xe  }
0x40b: {  	s3 =	spop (v2sf)  }
0x40c: {  	p0 =	slt.f32 s3, s2  }
0x40d: {  	s1 =	sadd.s32 $0x1, s1  }
0x40e: {  	s26 =	smov.u32 @p0 s19;
	s19 =	smov.u32 @p0 s31;
	p0 =	seq.s32 s1, $0x1F  }
.Ltmp28:
0x40f: {  	_ = 	snop;
	(pc) =	sbr.rel @!p0 .LBB2_43-.Ltmp28, $2  }
0x410: {  	_ =	sdelay $0x2  }
0x411: {  	s31 =	smov.u32 s19  }
0x412: {  	s3 =	simm.s32 $0x0  }
0x413: {  	v8 =	vld [tilespmem:s3+$0xAB00]  }
0x414: {  	v6 =	vmov s26;
	v5 =	vimm.f32 $0.0e+00;
	s1 =	simm.s32 $0x40;
	v7 =	vimm.f32 $0.0e+00  }
.LBB2_47:
0x415: {  	p0 =	sne.s32 s1, $0x154C0  }
.Ltmp29:
0x416: {  	_ = 	snop;
	(pc) =	sbr.rel @p0 .LBB2_47-.Ltmp29, $4  }
0x417: {  	_ = 	snop  }
0x418: {  	s3 =	sshra.s32 s1, $0x2;
	s1 =	sadd.s32 $0x40, s1;
	vm5 =	vgt.s32 v6, v8  }
0x419: {  	v9 =	vnsel vm5, $0x0, v8;
	v8 =	vld [tilespmem:s3+$0xAB00];
	v10 =	vsel vm5, $0x3F800000, v0  }
0x41a: {  	v5 =	vadd.f32 v9, v5;
	v7 =	vadd.f32 v10, v7  }
0x41b: {  	_ =	sdelay $0x2  }
0x41c: {  	vm5 =	vgt.s32 v6, v8  }
0x41d: {  	v6 =	vnsel vm5, $0x0, v8  }
0x41e: {  	v63 =	vsel vm5, $0x3F800000, v0;
	v5 =	vadd.f32 v6, v5  }
0x41f: {  	v6 =	vadd.f32 v63, v7  }
0x420: {  	(xrf2) =	vadd.scan.msk.f32 $0xffff, v5  }
0x421: {  	(xrf2) =	vadd.scan.msk.f32 $0xffff, v6;
	_ =	sdelay $0x8  }
0x422: {  	v5, _, _ =	vpop (xrf2)  }
0x423: {  	(v2sf) =	vpush v5, $0xF;
	v5, _, _ =	vpop (xrf2)  }
0x424: {  	(v2sf) =	vpush v5, $0xF;
	_ =	sdelay $0xd  }
0x425: {  	s1 =	spop (v2sf)  }
0x426: {  	s3 =	spop (v2sf)  }
.Ltmp30:
0x427: {  	s2 =	ssub.f32 s2, s3;
	(pc) =	sbr.rel .LBB2_49-.Ltmp30, $3  }
0x428: {  	_ = 	snop  }
0x429: {  	s2 =	smul.f32 s26, s2;
	_ =	sdelay $0x1  }
0x42a: {  	s1 =	sadd.f32 s2, s1  }
.LBB2_50:
0x42b: {  	_ =	sfence.sel $0x180000  }
0x42c: {  	[bflag:$0x0] =	sbarrier.arrive $0xFFFF  }
0x42d: {  	_ =	strace $0x9000004A  }
0x42e: {  	s0 =	stileid.u32;
	[bflag:$0x2] =	sbarrier.arrive $0xFFFF  }
0x42f: {  	p0 =	sne.s32 s0, $0x0;
	s0 =	rddreg [dreg:$0x1]  }
0x430: {  	s0 =	sadd.s32 @!p0 $0x100000, s0  }
0x431: {  	[sflag:s0] =	ssyncadd.tile.s32 @!p0 $0x1;
	_ =	shalt  }
.Lfunc_end2:
_tile_overlayer_lowered:
.L_overlay_start_2:
0x432: {  	(tag) =	ssettag $0x2  }
0x433: {  	s0 =	rddreg [dreg:$0x0];
	s2 =	stileid.u32  }
0x434: {  	s1 =	rddreg [dreg:$0x1];
	p0 =	sne.s32 s2, $0x0  }
0x435: {  	s3 =	rddreg [dreg:$0x2];
	[bflag:$0x3] =	sbarrier.arrive $0xFFFF;
	s2 =	simm.s32 @!p0 $0x1C03  }
0x436: {  	[timem:s3], [sflag:s2] =	dma.local @!p0 [hbm:s0], s1  }
0x437: {  	s0 =	simm.s32 @!p0 $0x3  }
0x438: {  	_ =	swait.ge @!p0 [sflag:s0], s1  }
0x439: {  	s1 =	ssub.s32 @!p0 $0x0, s1;
	[sflag:s0] =	ssyncset.done @!p0 $0x0  }
0x43a: {  	[sflag:s0] =	ssyncadd.s32 @!p0 s1  }
0x43b: {  	[bflag:$0x3] =	sbarrier.arrive $0xFFFF  }
0x43c: {  	_ =	shalt  }

// kernel: sparse-core-data-format-call.cloned.1.call-start
scs
called_computation_lowered:
.L_overlay_start_0:
0x0: {  	s1 =	sld [smem:$0x3FD9]  }
0x1: {  	s2 =	sld [smem:$0x3FFE];
	_ =	sdelay $0x1  }
0x2: {  	s3 =	srdreg.scid  }
0x3: {  	s0 =	sand.u32 $0x1, s3  }
0x4: {  	s17 =	sshll.u32 s0, $0xA;
	s1 =	sadd.s32 s2, s1  }
0x5: {  	s1 =	sadd.s32 s1, s17  }
0x6: {  	[smem:$0x3FC2] =	sst s1  }
0x7: {  	_ = 	snop  }
0x8: {  	(tm) =	ssettm $0x1  }
0x9: {  	s18 =	sld [smem:$0x3FFB];
	_ =	sdelay $0x3  }
0xa: {  	_ =	strace s18  }
0xb: {  	s1 =	sld [smem:$0x3FFC];
	_ =	sdelay $0x3  }
0xc: {  	_ =	strace s1  }
0xd: {  	s1 =	sld [smem:$0x3FFD];
	_ =	sdelay $0x3  }
0xe: {  	_ =	strace s1  }
0xf: {  	_ =	strace $0x8FFFFFFF  }
0x10: {  	s19 =	sld [smem:$0x3FDB];
	_ =	sdelay $0x1  }
0x11: {  	s20 =	simm.s32 $_scs_section_size  }
0x12: {  	s4 =	simm.s32 $_size__tile_overlayer_lowered;
	s5 =	simm.s32 $_tile_overlayer_lowered  }
0x13: {  	s23 =	simm.s32 $0x1BFF;
	s22 =	sshll.u32 s5, $0x1;
	s1 =	sadd.s32 s20, s19  }
0x14: {  	s6 =	simm.s32 $0x0;
	s21 =	sshll.u32 s4, $0x1;
	s4 =	sadd.s32 s22, s1  }
0x15: {  	[timem:s6], [sflag:s23] =	dma.local [hbm:s4], s21  }
0x16: {  	_ =	swait.ge [sflag:s23], s21  }
0x17: {  	s2 =	ssub.s32 $0x0, s21;
	[sflag:s23] =	ssyncset.done $0x0  }
0x18: {  	[sflag:s23] =	ssyncadd.s32 s2;
	_ =	sdelay $0x1  }
0x19: {  	s24 =	simm.s32 $0x1B8B  }
0x1a: {  	_ =	swait.ge [sflag:s24], $0x1  }
0x1b: {  	[sflag:s24] =	ssyncset.done $0x0  }
0x1c: {  	s26 =	simm.s32 $0x1B8E;
	s25 =	sld [smem:$0x3FFE];
	[sflag:s24] =	ssyncadd.s32 $0xFFFFFFFF  }
0x1d: {  	s27 =	simm.s32 $execute0_lowered;
	[smem:$0x3FD2] =	sst s26  }
0x1e: {  	s4 =	sshll.u32 s27, $0x1;
	_ =	strace $0x80000046;
	[dreg:$0x1] =	wrdreg $0xFFFFFFFF  }
0x1f: {  	s28 =	simm.s32 $_size_execute0_lowered;
	s1 =	sadd.s32 s1, s4;
	[dreg:$0x0] =	wrdreg $0x0  }
0x20: {  	s4 =	sshll.u32 s28, $0x1;
	[dreg:$0x2] =	wrdreg s1  }
0x21: {  	[dreg:$0x3] =	wrdreg s4  }
0x22: {  	[dreg:$0x4] =	wrdreg $0xC0  }
0x23: {  	_ =	task [dreg:s6], $0x5FFFF  }
0x24: {  	[dreg:$0x1] =	wrdreg $0xFFFFFFFF  }
0x25: {  	[dreg:$0x0] =	wrdreg $0x60  }
0x26: {  	[dreg:$0x2] =	wrdreg s25  }
0x27: {  	[dreg:$0x3] =	wrdreg $0x9  }
0x28: {  	_ =	task.clear_ibuf [dreg:s6], $0x4FFFF;
	_ =	strace $0x90000046  }
0x29: {  	s29 =	simm.s32 $0x9;
	_ =	strace $0x80000048  }
0x2a: {  	_ =	swait.ge [sflag:s29], $0x1  }
0x2b: {  	[sflag:s29] =	ssyncadd.s32 $0xFFFFFFFF  }
0x2c: {  	_ =	strace $0x90000048  }
0x2d: {  	_ =	sfence  }
0x2e: {  	s30 =	sld [smem:$0x0];
	_ =	sdelay $0x2  }
0x2f: {  	s31 =	sshll.u32 s3, $0xD;
	s3 =	sshrl.u32 s3, $0x2  }
0x30: {  	s2 =	sand.u32 $0x4000, s31;
	s1 =	sadd.s32 s3, s30  }
0x31: {  	s0 =	sor.u32 s2, s0;
	s1 =	sshll.u32 s1, $0x11  }
0x32: {  	s0 =	sor.u32 s1, s0  }
0x33: {  	s0 =	sadd.s32 $0x8F2B, s0  }
0x34: {  	[sflag:s0] =	ssyncadd.remote.s32 $0x1  }
0x35: {  	_ =	sfence.sel $0xFFFF  }
0x36: {  	[dreg:$0x0] =	wrdreg $0xFFFFFFFF;
	(pc) =	sbr.abs _section_cstart, $3  }
0x37: {  	[dreg:$0x1] =	wrdreg $0xFFFFFFFF  }
0x38: {  	_ =	task.clear_ibuf [dreg:s6], $0x2FFFF;
	_ =	strace $0x9FFFFFFF  }
0x39: {  	(tm) =	ssettm $0x7FFFFFFF  }
tec
execute0_lowered:
.L_overlay_start_1:
0x0: {  	(tag) =	ssettag $0x1  }
0x1: {  	s0 =	srdreg.scid  }
0x2: {  	s5 =	rddreg [dreg:$0x0];
	s4 =	simm.s32 $0x1;
	s1 =	sshll.u32 s0, $0x4  }
0x3: {  	s31 =	simm.s32 $0x2;
	s0 =	stileid.u32;
	s1 =	sand.u32 $0x10, s1  }
0x4: {  	s13 =	simm.s32 $0x0;
	p0 =	por $0x0, $0x0;
	s1 =	sor.u32 s0, s1  }
0x5: {  	s8 =	simm.s32 $0x15600;
	s12 =	simm.s32 $0x0;
	s2 =	sshll.u32 s1, $0x7  }
.Ltmp0:
0x6: {  	s10 =	simm.s32 $0x0;
	s3 =	ssub.s32 $0x5500, s2;
	(pc) =	sbr.rel .LBB1_1-.Ltmp0, $4  }
0x7: {  	s1 =	rddreg [dreg:$0x1];
	_ =	strace $0x80000047;
	s6 =	sshrl.u32 s3, $0xC  }
0x8: {  	s11 =	simm.s32 $0x0;
	[sflag:s4] =	ssyncpa.u1 $0x0;
	s7 =	smul.u32 $0xA, s6  }
0x9: {  	s9 =	smov.u32 s2;
	s3 =	sadd.s32 $0x600, s5;
	s5 =	sadd.s32 $0x1AAA00, s5  }
0xa: {  	[sflag:s31] =	ssyncpa.u1 $0x0;
	s6 =	sadd.s32 $0xA, s7;
	s7 =	sadd.s32 $0xB, s7  }
.LBB1_5:
0xb: {  	s14 =	sadd.s32 $0x1000, s9  }
0xc: {  	s12 =	simm.s32 $0x1;
	p2 =	sgt.s32 s14, $0x553F  }
0xd: {  	s12 =	simm.s32 @!p2 $0x0  }
0xe: {  	s16 =	sadd.s32 s12, s10  }
0xf: {  	s14 =	smov.u32 @p2 s2;
	p2 =	sgt.s32 s16, $0x9  }
0x10: {  	s16 =	simm.s32 @p2 $0x0;
	p2 =	sne.s32 s11, s7  }
.Ltmp1:
0x11: {  	p1 =	slt.u32 s11, $0x2;
	(pc) =	sbr.rel @!p2 .LBB1_6-.Ltmp1, $4  }
0x12: {  	s15 =	simm.s32 @!p1 $0x2  }
0x13: {  	s13 =	smov.u32 s9;
	p0 =	por !p0, !p0;
	_ =	swait.ge @!p1 [sflag:s15], $0x2000  }
0x14: {  	[sflag:s15] =	ssyncset.done @!p1 $0x0;
	s12 =	smov.u32 s10;
	s9 =	smov.u32 s14  }
0x15: {  	[sflag:s15] =	ssyncadd.s32 @!p1 $0xFFFFE000;
	s11 =	sadd.s32 $0x1, s11;
	s10 =	smov.u32 s16  }
.LBB1_1:
0x16: {  	p1 =	sge.u32 s11, s6  }
0x17: {  	s16 =	smov.u32 s10;
	s18 =	smov.u32 s9;
	p2 =	sgt.s32 @!p1 s10, $0x9  }
0x18: {  	s14 =	sand.u32 @!p1 $0x1FFFFFE, s9;
	s17 =	sshra.s32 @!p1 s10, $0x1F;
	p2 =	por !p2, p1  }
0x19: {  	s19 =	sshra.s32 @!p1 s9, $0x1F;
	s16 =	simm.s32 @p2 $0x9;
	p2 =	sgt.s32 @!p1 s9, $0x54C0  }
0x1a: {  	s15 =	smulhi.u32 @!p1 $0x300C031, s14;
	s17 =	sand.u32 @!p1 s17, s10;
	p2 =	por !p2, p1  }
0x1b: {  	s16 =	ssub.s32 @!p1 s16, s17;
	s17 =	sand.u32 @!p1 s19, s9;
	s18 =	simm.s32 @p2 $0x54C0  }
0x1c: {  	s16 =	sadd.s32 @!p1 $0xFFFFFFF7, s16;
	s17 =	ssub.s32 @!p1 s18, s17  }
0x1d: {  	s15 =	sshrl.u32 @!p1 s15, $0x8;
	p2 =	sgt.s32 @!p1 s16, $0x0;
	s18 =	sadd.s32 @!p1 $0xFFFFAB40, s17  }
0x1e: {  	s16 =	sshll.u32 @!p1 s16, $0x6;
	s17 =	ssub.s32 @!p1 $0x5540, s17;
	p3 =	sgt.s32 @!p1 s18, $0x7F  }
0x1f: {  	s16 =	ssub.s32 @!p1 $0x40, s16;
	p2 =	por !p2, p1;
	p3 =	por !p3, p1  }
0x20: {  	s15 =	smul.u32 @!p1 $0x5540, s15;
	s16 =	simm.s32 @!p2 $0x0;
	s17 =	simm.s32 @!p3 $0x0  }
0x21: {  	s16 =	smul.u32 @!p1 s17, s16  }
0x22: {  	s14 =	ssub.s32 @!p1 s14, s15;
	s17 =	smul.u32 @!p1 $0x2AA00, s10  }
0x23: {  	s18 =	sxor.u32 @!p1 $0xFFFFFFFF, s11;
	s14 =	sshll.u32 @!p1 s14, $0x3  }
0x24: {  	s15 =	sand.u32 @!p1 $0x3FFFFFC0, s16;
	s16 =	sadd.s32 @!p1 s3, s17;
	s17 =	sshll.u32 @!p1 s18, $0xD  }
0x25: {  	s14 =	sadd.s32 @!p1 s14, s16;
	s16 =	sand.u32 @!p1 $0x2000, s17;
	s17 =	simm.s32 @!p1 $0x0  }
0x26: {  	[tilespmem:s16], [sflag:$0x1] =	stream.linear.gather @!p1 [hbm4b:s14+s17], s15, $0x38;
	[tilespmem:$0x8080] =	vst v63  }
0x27: {  	p1 =	seq.s32 s11, $0x0  }
0x28: {  	p2 =	sge.u32 @!p1 s11, s7  }
0x29: {  	p1 =	por p1, p2  }
.Ltmp2:
0x2a: {  	_ = 	snop;
	(pc) =	sbr.rel @p1 .LBB1_5-.Ltmp2, $1  }
0x2b: {  	_ =	sdelay $0x3  }
0x2c: {  	p1 =	sgt.s32 s12, $0x9;
	s14 =	smov.u32 s12  }
0x2d: {  	s15 =	sshra.s32 s12, $0x1F;
	s16 =	smov.u32 s13;
	s17 =	sshra.s32 s13, $0x1F  }
0x2e: {  	s14 =	simm.s32 @!p1 $0x9;
	s15 =	sand.u32 s15, s12;
	p1 =	sgt.s32 s13, $0x54C0  }
0x2f: {  	s26 =	sand.u32 s17, s13;
	s14 =	ssub.s32 s14, s15;
	s16 =	simm.s32 @!p1 $0x54C0  }
0x30: {  	s14 =	sadd.s32 $0xFFFFFFF7, s14;
	s15 =	ssub.s32 s16, s26  }
0x31: {  	p1 =	sgt.s32 s14, $0x0;
	s16 =	sadd.s32 $0xFFFFAB40, s15;
	s14 =	sshll.u32 s14, $0x6  }
0x32: {  	s15 =	ssub.s32 $0x5540, s15;
	p2 =	sgt.s32 s16, $0x7F;
	s14 =	ssub.s32 $0x40, s14  }
0x33: {  	s15 =	simm.s32 @p2 $0x0;
	s14 =	simm.s32 @p1 $0x0  }
0x34: {  	s14 =	smul.u32 s15, s14;
	_ =	sdelay $0x1  }
0x35: {  	s15 =	simm.s32 $0x1;
	s14 =	sand.u32 $0x3FFFFFC0, s14  }
0x36: {  	s15 =	simm.s32 @!p0 $0x0;
	_ =	swait.ge [sflag:s4], s14  }
0x37: {  	s15 =	sshll.u32 s15, $0xD;
	s14 =	ssub.s32 $0x0, s14;
	[sflag:s4] =	ssyncset.done $0x0  }
0x38: {  	s15 =	sor.u32 $0x40, s15;
	[sflag:s4] =	ssyncadd.s32 s14  }
0x39: {  	v0 =	vld [tilespmem:s15+$0x20]  }
0x3a: {  	v1 =	vld [tilespmem:s15+$0x30]  }
0x3b: {  	v2 =	vld [tilespmem:s15+$0xFFFFFFD0]  }
0x3c: {  	v5 =	vld [tilespmem:s15+$0x0]  }
0x3d: {  	v6 =	vld [tilespmem:s15+$0x10]  }
0x3e: {  	s27 =	sand.u32 $0x1, s11;
	v3 =	vld [tilespmem:s15+$0xFFFFFFE0]  }
0x3f: {  	s14 =	smul.u32 $0x8100, s27;
	v4 =	vld [tilespmem:s15+$0xFFFFFFF0]  }
0x40: {  	s28 =	simm.s32 $0x0;
	v1 =	vperm.xlane.i2c.b16 v1  }
0x41: {  	s29 =	sand.u32 $0x7C, s28;
	s18 =	sadd.s32 $0x80, s15;
	v8 =	vld [tilespmem:s15+$0xFFFFFFC0];
	s14 =	sshrl.u32 s14, $0x2;
	v7 =	vperm.xlane.i2c.b16 v0;
	v0 =	vperm.xlane.i2c.b16 v2  }
0x42: {  	s30 =	sand.u32 $0x80, s28;
	s31 =	sshrl.u32 s29, $0x1;
	v10 =	vld [tilespmem:s18+$0x30];
	s14 =	sor.u32 $0x4000, s14;
	v5 =	vperm.xlane.i2c.b16 v5;
	v6 =	vperm.xlane.i2c.b16 v6  }
0x43: {  	s15 =	sshrl.u32 s30, $0x1;
	s16 =	sadd.s32 s31, s14;
	v2 =	vld [tilespmem:s18+$0x20];
	v3 =	vperm.xlane.i2c.b16 v3;
	v9 =	vcombine.low v7, v1  }
0x44: {  	v12 =	vld [tilespmem:s18+$0xFFFFFFD0];
	s15 =	sadd.s32 s15, s16;
	v11 =	vperm.xlane.i2c.b16 v4;
	v13 =	vcombine.low v5, v6  }
0x45: {  	v1 =	vcombine.high v7, v1;
	v7 =	vld [tilespmem:s18+$0xFFFFFFE0];
	[tilespmem:s15+$0x1830 ss:$0x81] =	vst.msk $0xffff, v9  }
0x46: {  	v4 =	vld [tilespmem:s18+$0xFFFFFFF0];
	v9 =	vcombine.low v3, v11;
	v11 =	vcombine.high v3, v11;
	[tilespmem:s15+$0x1020 ss:$0x81] =	vst.msk $0xffff, v13  }
0x47: {  	s16 =	simm.s32 $0x4;
	v3 =	vld [tilespmem:s18+$0x0];
	[tilespmem:s15+$0x1831 ss:$0x81] =	vst.msk $0xffff, v1;
	v1 =	vperm.xlane.i2c.b16 v8;
	v8 =	vperm.xlane.i2c.b16 v10  }
0x48: {  	s17 =	simm.s32 $0x2;
	s20 =	sand.u32 $0x7C, s16;
	v10 =	vperm.xlane.i2c.b16 v2;
	[tilespmem:s15+$0x810 ss:$0x81] =	vst.msk $0xffff, v9;
	v9 =	vcombine.high v5, v6;
	v5 =	vld [tilespmem:s18+$0x10]  }
0x49: {  	s19 =	sand.u32 $0x80, s16;
	s20 =	sshrl.u32 s20, $0x1;
	v2 =	vperm.xlane.i2c.b16 v12;
	v6 =	vld [tilespmem:s18+$0xFFFFFFC0];
	s18 =	sadd.s32 $0x80, s18;
	[tilespmem:s15+$0x811 ss:$0x81] =	vst.msk $0xffff, v11;
	v11 =	vcombine.low v1, v0  }
.LBB1_3:
0x4a: {  	v12 =	vld [tilespmem:s18+$0x20];
	s20 =	sadd.s32 s20, s14;
	s19 =	sshrl.u32 s19, $0x1;
	v13 =	vperm.xlane.i2c.b16 v7;
	v7 =	vcombine.low v10, v8;
	[tilespmem:s15+$0x1021 ss:$0x81] =	vst.msk $0xffff, v9  }
0x4b: {  	s17 =	sadd.s32 $0x2, s17;
	v14 =	vld [tilespmem:s18+$0x30];
	s19 =	sadd.s32 s19, s20;
	v9 =	vperm.xlane.i2c.b16 v4;
	v4 =	vcombine.high v10, v8;
	[tilespmem:s15+$0x0 ss:$0x81] =	vst.msk $0xffff, v11  }
0x4c: {  	p1 =	slt.u32 s17, $0x7E;
	v11 =	vld [tilespmem:s18+$0xFFFFFFD0];
	v8 =	vperm.xlane.i2c.b16 v3;
	[tilespmem:s19+$0x1830 ss:$0x81] =	vst.msk $0xffff, v7;
	v3 =	vcombine.high v1, v0;
	v0 =	vmov v2  }
.Ltmp3:
0x4d: {  	v7 =	vld [tilespmem:s18+$0xFFFFFFE0];
	v2 =	vcombine.low v13, v9;
	v5 =	vperm.xlane.i2c.b16 v5;
	[tilespmem:s19+$0x1831 ss:$0x81] =	vst.msk $0xffff, v4;
	(pc) =	sbr.rel @p1 .LBB1_3-.Ltmp3, $4  }
0x4e: {  	v4 =	vld [tilespmem:s18+$0xFFFFFFF0];
	v1 =	vperm.xlane.i2c.b16 v6;
	v6 =	vcombine.high v13, v9;
	[tilespmem:s15+$0x1 ss:$0x81] =	vst.msk $0xffff, v3;
	s15 =	smov.u32 s19  }
0x4f: {  	s16 =	sadd.s32 $0x4, s16;
	v3 =	vld [tilespmem:s18+$0x0];
	[tilespmem:s15+$0x810 ss:$0x81] =	vst.msk $0xffff, v2;
	v13 =	vcombine.low v8, v5;
	v9 =	vcombine.high v8, v5  }
0x50: {  	s20 =	sand.u32 $0x7C, s16;
	v10 =	vperm.xlane.i2c.b16 v12;
	v5 =	vld [tilespmem:s18+$0x10];
	v8 =	vperm.xlane.i2c.b16 v14;
	[tilespmem:s15+$0x811 ss:$0x81] =	vst.msk $0xffff, v6  }
0x51: {  	s20 =	sshrl.u32 s20, $0x1;
	s19 =	sand.u32 $0x80, s16;
	v6 =	vld [tilespmem:s18+$0xFFFFFFC0];
	v2 =	vperm.xlane.i2c.b16 v11;
	s18 =	sadd.s32 $0x80, s18;
	v11 =	vcombine.low v1, v0;
	[tilespmem:s15+$0x1020 ss:$0x81] =	vst.msk $0xffff, v13  }
0x52: {  	s16 =	sadd.s32 s20, s14;
	s17 =	sshll.u32 s13, $0x3;
	s28 =	sshll.u32 s13, $0x1  }
0x53: {  	s18 =	sshrl.u32 s19, $0x1;
	v7 =	vperm.xlane.i2c.b16 v7;
	v12 =	vcombine.low v10, v8;
	[tilespmem:s15+$0x1021 ss:$0x81] =	vst.msk $0xffff, v9;
	s17 =	sand.u32 $0xFFFFFC00, s17;
	s13 =	sand.u32 $0xFE, s28  }
0x54: {  	v0 =	vcombine.high v1, v0;
	s16 =	sadd.s32 s18, s16;
	v4 =	vperm.xlane.i2c.b16 v4;
	[tilespmem:s15+$0x0 ss:$0x81] =	vst.msk $0xffff, v11;
	s13 =	sor.u32 s13, s17  }
0x55: {  	v59 =	vcombine.high v10, v8;
	v3 =	vperm.xlane.i2c.b16 v3;
	[tilespmem:s16+$0x1830 ss:$0x81] =	vst.msk $0xffff, v12;
	s17 =	sshrl.u32 s13, $0x7  }
0x56: {  	[tilespmem:s15+$0x1 ss:$0x81] =	vst.msk $0xffff, v0;
	v60 =	vcombine.low v7, v4;
	v5 =	vperm.xlane.i2c.b16 v5;
	s17 =	smulhi.u32 $0x17F4060, s17  }
0x57: {  	s12 =	smul.u32 $0x2AC00, s12;
	[tilespmem:s16+$0x1831 ss:$0x81] =	vst.msk $0xffff, v59;
	v4 =	vcombine.high v7, v4  }
0x58: {  	v61 =	vperm.xlane.i2c.b16 v6;
	[tilespmem:s16+$0x810 ss:$0x81] =	vst.msk $0xffff, v60;
	v62 =	vcombine.low v3, v5;
	s29 =	smul.u32 $0x5580, s17  }
0x59: {  	s12 =	sadd.s32 s5, s12;
	v3 =	vcombine.high v3, v5;
	[tilespmem:s16+$0x811 ss:$0x81] =	vst.msk $0xffff, v4  }
.Ltmp4:
0x5a: {  	s17 =	sand.u32 $0x7F, s17;
	v63 =	vcombine.low v61, v2;
	[tilespmem:s16+$0x1020 ss:$0x81] =	vst.msk $0xffff, v62;
	s13 =	ssub.s32 s13, s29;
	(pc) =	sbr.rel .LBB1_5-.Ltmp4, $4  }
0x5b: {  	v0 =	vcombine.high v61, v2;
	s30 =	smul.u32 $0x558, s17;
	[tilespmem:s16+$0x1021 ss:$0x81] =	vst.msk $0xffff, v3;
	s31 =	sshrl.u32 s13, $0x4;
	s13 =	sshll.u32 s13, $0x11  }
0x5c: {  	[tilespmem:s16+$0x0 ss:$0x81] =	vst.msk $0xffff, v63;
	s12 =	sadd.s32 s31, s12;
	s13 =	sand.u32 $0x1C0000, s13  }
0x5d: {  	[tilespmem:s16+$0x1 ss:$0x81] =	vst.msk $0xffff, v0;
	s12 =	sadd.s32 s30, s12;
	s13 =	sor.u32 $0x200, s13  }
0x5e: {  	[hbm4b:s12+s13] =	stream.strided.scatter [tilespmem:s14], [sflag:$0x2], $0x2000, s8, s13, $0x20;
	[tilespmem:$0x8080] =	vst v63  }
.LBB1_6:
0x5f: {  	_ =	sfence.sel $0x180000  }
0x60: {  	s2 =	simm.s32 $0x1;
	[bflag:$0x0] =	sbarrier.arrive $0xFFFF  }
0x61: {  	s31 =	simm.s32 $0x2;
	[sflag:s2] =	ssyncpa.u1 $0x1  }
0x62: {  	[sflag:s31] =	ssyncpa.u1 $0x1  }
0x63: {  	p0 =	sne.s32 s0, $0x0;
	_ =	strace $0x90000047  }
0x64: {  	s0 =	sadd.s32 @!p0 $0x100000, s1;
	[bflag:$0x2] =	sbarrier.arrive $0xFFFF  }
0x65: {  	[sflag:s0] =	ssyncadd.tile.s32 @!p0 $0x1;
	_ =	shalt  }
.Lfunc_end1:
_tile_overlayer_lowered:
.L_overlay_start_2:
0x66: {  	(tag) =	ssettag $0x2  }
0x67: {  	s0 =	rddreg [dreg:$0x0];
	s2 =	stileid.u32  }
0x68: {  	s1 =	rddreg [dreg:$0x1];
	p0 =	sne.s32 s2, $0x0  }
0x69: {  	s3 =	rddreg [dreg:$0x2];
	[bflag:$0x3] =	sbarrier.arrive $0xFFFF;
	s2 =	simm.s32 @!p0 $0x1C01  }
0x6a: {  	[timem:s3], [sflag:s2] =	dma.local @!p0 [hbm:s0], s1  }
0x6b: {  	s0 =	simm.s32 @!p0 $0x1  }
0x6c: {  	_ =	swait.ge @!p0 [sflag:s0], s1  }
0x6d: {  	s1 =	ssub.s32 @!p0 $0x0, s1;
	[sflag:s0] =	ssyncset.done @!p0 $0x0  }
0x6e: {  	[sflag:s0] =	ssyncadd.s32 @!p0 s1  }
0x6f: {  	[bflag:$0x3] =	sbarrier.arrive $0xFFFF  }
0x70: {  	_ =	shalt  }

</sc_bundles>
